<compile_context>
chip_gen: v7x
topology: tpu7x:2x2x1
jax: 0.10.2.dev20260603
libtpu: 0.0.44.dev20260713+nightly
codegen_flags: <defaults>
</compile_context>

<pallas_src>
import functools

import jax
import jax.numpy as jnp
from jax import lax
from jax.experimental import pallas as pl
from jax.experimental.pallas import tpu as pltpu
from jax.experimental.pallas import tpu_sc as plsc

_NC = 2
_NS = 16
_NW = _NC * _NS
_L = 16
_CHUNK = 16
_NBUF = 6
_OUTLAG = 4


def _dyn_gather(v, idx):
    return lax.gather(
        v, idx[:, None],
        lax.GatherDimensionNumbers(offset_dims=(), collapsed_slice_dims=(0,),
                                   start_index_map=(0,)),
        slice_sizes=(1,), mode=lax.GatherScatterMode.PROMISE_IN_BOUNDS)


def _bcast(v, j):
    return _dyn_gather(v, jnp.full((_L,), j, jnp.int32))


def _body(nseq, rows_per_w, d, x_hbm, cu_hbm, w_hbm, out_hbm,
          cu_vm, tok_vm, idx_vm, x_vm, w_vm, in_sems, out_sems, sem_w):
    cid = lax.axis_index("c")
    sid = lax.axis_index("s")
    wid = sid * _NC + cid
    base = wid * rows_per_w
    nchunks = rows_per_w // _CHUNK

    def w_stage_copies():
        return [pltpu.make_async_copy(w_hbm, w_vm.at[pl.ds(i, 1)], sem_w)
                for i in range(_L)]

    @pl.when(wid == 1)
    def _():
        for cp in w_stage_copies():
            cp.start()

    pltpu.sync_copy(cu_hbm, cu_vm.at[pl.ds(0, nseq + 1)])
    cu_v = cu_vm[...]
    bounds = [_bcast(cu_v, j) for j in range(1, nseq + 1)]

    def chunk_start(k):
        return (wid + k * _NW) * _CHUNK

    def start_in(k):
        b = k % _NBUF
        return pltpu.async_copy(
            x_hbm.at[pl.ds(chunk_start(k), _CHUNK)], x_vm[b], in_sems[b])

    ins = {k: start_in(k) for k in range(min(_NBUF, nchunks))}
    outs = {}
    for k in range(nchunks):
        b = k % _NBUF
        j = k - _OUTLAG
        if j >= 0 and j + _NBUF < nchunks:
            outs.pop(j).wait()
            ins[j + _NBUF] = start_in(j + _NBUF)
        start = chunk_start(k)
        for g in range(_CHUNK // _L):
            t = start + g * _L + lax.iota(jnp.int32, _L)
            pos = t + 1
            for bound in bounds:
                pos = jnp.where(bound <= t, pos + 1, pos)
            idx_vm[b][pl.ds(g * _L, _L)] = pos
        ins[k].wait()
        outs[k] = pltpu.async_copy(x_vm[b], out_hbm.at[idx_vm[b]],
                                   out_sems[b])
        if k == nchunks // 2:
            @pl.when(wid == 1)
            def _():
                m = jnp.bitwise_and(lax.iota(jnp.int32, _L), nseq - 1)
                tok_vm[...] = _dyn_gather(cu_v, m) + m
                for cp in w_stage_copies():
                    cp.wait()
                pltpu.make_async_copy(w_vm, out_hbm.at[tok_vm],
                                      sem_w).start()
    for k in sorted(outs):
        outs.pop(k).wait()

    @pl.when(wid == 1)
    def _():
        pltpu.make_async_copy(w_vm, out_hbm.at[tok_vm], sem_w).wait()


def kernel(x_flat, cu_seqlens, weight):
    t_tok, d = x_flat.shape
    nseq = cu_seqlens.shape[0] - 1
    assert t_tok % (_NW * _CHUNK) == 0
    assert nseq & (nseq - 1) == 0 and nseq <= _L
    rows_per_w = t_tok // _NW

    mesh = plsc.VectorSubcoreMesh(core_axis_name="c", subcore_axis_name="s")
    run = pl.kernel(
        functools.partial(_body, nseq, rows_per_w, d),
        out_type=jax.ShapeDtypeStruct((t_tok + nseq, d), x_flat.dtype),
        mesh=mesh,
        scratch_types=[
            pltpu.VMEM((_L,), jnp.int32),
            pltpu.VMEM((_L,), jnp.int32),
            [pltpu.VMEM((_CHUNK,), jnp.int32) for _ in range(_NBUF)],
            [pltpu.VMEM((_CHUNK, d), jnp.float32) for _ in range(_NBUF)],
            pltpu.VMEM((_L, d), jnp.float32),
            [pltpu.SemaphoreType.DMA for _ in range(_NBUF)],
            [pltpu.SemaphoreType.DMA for _ in range(_NBUF)],
            pltpu.SemaphoreType.DMA,
        ],
    )
    return run(x_flat, cu_seqlens.astype(jnp.int32), weight)

# --- scband reference (transcript-rebuilt; emitter-appended) ---
"""Pipeline reference for scband-class-token-nested-46548855554479 (READ-ONLY COPY).

The authoritative reference and input builder live on the scoring server;
editing this copy changes nothing except your own understanding.
"""

import jax, jax.numpy as jnp
import numpy as np

DIM = 1024
TOTAL_TOK = 8192
B = 8


def setup_inputs(seed: int = 0) -> dict:
    key = jax.random.key(seed)
    k1, k2 = jax.random.split(key)
    x_flat = jax.random.normal(k1, (TOTAL_TOK, DIM), dtype=jnp.float32)
    # ragged boundaries: 8 sequences of varying length summing to 8192
    lens = np.array([1500, 300, 2000, 800, 1200, 400, 1000, 992], dtype=np.int32)
    cu_seqlens = jnp.asarray(np.concatenate([[0], np.cumsum(lens)]), dtype=jnp.int32)
    # kaiming_uniform_(a=sqrt(5)) on [1, dim] -> bound = 1/sqrt(dim)
    bound = 1.0 / np.sqrt(DIM)
    weight = jax.random.uniform(k2, (1, DIM), dtype=jnp.float32, minval=-bound, maxval=bound)
    return {"x_flat": x_flat, "cu_seqlens": cu_seqlens, "weight": weight}


def reference(x_flat, cu_seqlens, weight):
    # Prepend class token to each ragged sequence.
    # Nested tensor represented as (flat tokens, cu_seqlens); output is
    # new flat tensor [T + B, d] with updated implicit offsets cu + arange(B+1).
    T, d = x_flat.shape
    nseq = cu_seqlens.shape[0] - 1
    tok_idx = jnp.arange(T)
    # segment id of each flat token
    seg = jnp.searchsorted(cu_seqlens, tok_idx, side="right") - 1
    seg = jnp.clip(seg, 0, nseq - 1)
    # each token shifts right by (seg_id + 1) class tokens inserted before it
    new_pos = tok_idx + seg + 1
    # class token positions in the packed output
    token_pos = cu_seqlens[:-1].astype(jnp.int32) + jnp.arange(nseq, dtype=jnp.int32)
    out = jnp.zeros((T + nseq, d), dtype=x_flat.dtype)
    out = out.at[token_pos].set(jnp.broadcast_to(weight, (nseq, d)))
    out = out.at[new_pos].set(x_flat)
    return out

if __name__ == "__main__":
    import jax
    _d = setup_inputs()
    print(jax.jit(kernel)(*tuple(_d.values())))

</pallas_src>

<mosaic_0001>
#map = affine_map<(d0, d1) -> (0, 0)>
#map1 = affine_map<(d0, d1) -> (0)>
module attributes {stable_mosaic.version = 14 : i64} {
  func.func @_body(%arg0: i32, %arg1: i32, %arg2: memref<8192x1024xf32, #tpu.memory_space<hbm>>, %arg3: memref<9xi32, #tpu.memory_space<hbm>>, %arg4: memref<1x1024xf32, #tpu.memory_space<hbm>>, %arg5: memref<8200x1024xf32, #tpu.memory_space<hbm>>, %arg6: memref<16xi32, #tpu.memory_space<vmem>>, %arg7: memref<16xi32, #tpu.memory_space<vmem>>, %arg8: memref<16xi32, #tpu.memory_space<vmem>>, %arg9: memref<16xi32, #tpu.memory_space<vmem>>, %arg10: memref<16xi32, #tpu.memory_space<vmem>>, %arg11: memref<16xi32, #tpu.memory_space<vmem>>, %arg12: memref<16xi32, #tpu.memory_space<vmem>>, %arg13: memref<16xi32, #tpu.memory_space<vmem>>, %arg14: memref<16x1024xf32, #tpu.memory_space<vmem>>, %arg15: memref<16x1024xf32, #tpu.memory_space<vmem>>, %arg16: memref<16x1024xf32, #tpu.memory_space<vmem>>, %arg17: memref<16x1024xf32, #tpu.memory_space<vmem>>, %arg18: memref<16x1024xf32, #tpu.memory_space<vmem>>, %arg19: memref<16x1024xf32, #tpu.memory_space<vmem>>, %arg20: memref<16x1024xf32, #tpu.memory_space<vmem>>, %arg21: memref<!tpu.dma_semaphore, #tpu.memory_space<semaphore_mem>>, %arg22: memref<!tpu.dma_semaphore, #tpu.memory_space<semaphore_mem>>, %arg23: memref<!tpu.dma_semaphore, #tpu.memory_space<semaphore_mem>>, %arg24: memref<!tpu.dma_semaphore, #tpu.memory_space<semaphore_mem>>, %arg25: memref<!tpu.dma_semaphore, #tpu.memory_space<semaphore_mem>>, %arg26: memref<!tpu.dma_semaphore, #tpu.memory_space<semaphore_mem>>, %arg27: memref<!tpu.dma_semaphore, #tpu.memory_space<semaphore_mem>>, %arg28: memref<!tpu.dma_semaphore, #tpu.memory_space<semaphore_mem>>, %arg29: memref<!tpu.dma_semaphore, #tpu.memory_space<semaphore_mem>>, %arg30: memref<!tpu.dma_semaphore, #tpu.memory_space<semaphore_mem>>, %arg31: memref<!tpu.dma_semaphore, #tpu.memory_space<semaphore_mem>>, %arg32: memref<!tpu.dma_semaphore, #tpu.memory_space<semaphore_mem>>, %arg33: memref<!tpu.dma_semaphore, #tpu.memory_space<semaphore_mem>>) attributes {dimension_semantics = [#tpu.dimension_semantics<core_parallel>, #tpu.dimension_semantics<subcore_parallel>], iteration_bounds = array<i64: 2, 16>, scalar_prefetch = 0 : i64, scratch_operands = 28 : i64, tpu.core_type = #tpu.core_type<sc_vector_subcore>, window_params = [{transform_indices = #map}, {transform_indices = #map1}, {transform_indices = #map}, {transform_indices = #map}]} {
    %mul3A = arith.constant 2 : i32
    %mul3A_0 = arith.muli %arg1, %mul3A : i32
    %add3A = arith.addi %mul3A_0, %arg0 : i32
    %mul3A_1 = arith.constant 256 : i32
    %mul3A_2 = arith.muli %add3A, %mul3A_1 : i32
    %eq3A = arith.constant 1 : i32
    %eq3A_3 = arith.cmpi eq, %add3A, %eq3A : i32
    %convert_element_type3A = arith.extui %eq3A_3 : i1 to i32
    %cond3A = arith.constant 0 : i32
    %cond3A_4 = arith.cmpi ne, %convert_element_type3A, %cond3A : i32
    scf.if %cond3A_4 {
      %dma_start3A_1233 = arith.constant 0 : i32
      %dma_start3A_1234 = arith.constant 0 : i32
      %dma_start3A_1235 = tpu.memref_slice %arg20[%dma_start3A_1233, %dma_start3A_1234] : memref<16x1024xf32, #tpu.memory_space<vmem>> -> memref<1x1024xf32, #tpu.memory_space<vmem>>
      %dma_start3A_1236 = arith.constant 0 : i32
      %dma_start3A_1237 = arith.constant 0 : i32
      %dma_start3A_1238 = tpu.memref_slice %arg20[%dma_start3A_1236, %dma_start3A_1237] : memref<16x1024xf32, #tpu.memory_space<vmem>> -> memref<1x1024xf32, #tpu.memory_space<vmem>>
      tpu.enqueue_dma source(%arg4 : memref<1x1024xf32, #tpu.memory_space<hbm>>) target(%dma_start3A_1238 : memref<1x1024xf32, #tpu.memory_space<vmem>>) target_semaphore(%arg33 : memref<!tpu.dma_semaphore, #tpu.memory_space<semaphore_mem>>)
      %dma_start3A_1239 = arith.constant 1 : i32
      %dma_start3A_1240 = arith.constant 0 : i32
      %dma_start3A_1241 = tpu.memref_slice %arg20[%dma_start3A_1239, %dma_start3A_1240] : memref<16x1024xf32, #tpu.memory_space<vmem>> -> memref<1x1024xf32, #tpu.memory_space<vmem>>
      %dma_start3A_1242 = arith.constant 1 : i32
      %dma_start3A_1243 = arith.constant 0 : i32
      %dma_start3A_1244 = tpu.memref_slice %arg20[%dma_start3A_1242, %dma_start3A_1243] : memref<16x1024xf32, #tpu.memory_space<vmem>> -> memref<1x1024xf32, #tpu.memory_space<vmem>>
      tpu.enqueue_dma source(%arg4 : memref<1x1024xf32, #tpu.memory_space<hbm>>) target(%dma_start3A_1244 : memref<1x1024xf32, #tpu.memory_space<vmem>>) target_semaphore(%arg33 : memref<!tpu.dma_semaphore, #tpu.memory_space<semaphore_mem>>)
      %dma_start3A_1245 = arith.constant 2 : i32
      %dma_start3A_1246 = arith.constant 0 : i32
      %dma_start3A_1247 = tpu.memref_slice %arg20[%dma_start3A_1245, %dma_start3A_1246] : memref<16x1024xf32, #tpu.memory_space<vmem>> -> memref<1x1024xf32, #tpu.memory_space<vmem>>
      %dma_start3A_1248 = arith.constant 2 : i32
      %dma_start3A_1249 = arith.constant 0 : i32
      %dma_start3A_1250 = tpu.memref_slice %arg20[%dma_start3A_1248, %dma_start3A_1249] : memref<16x1024xf32, #tpu.memory_space<vmem>> -> memref<1x1024xf32, #tpu.memory_space<vmem>>
      tpu.enqueue_dma source(%arg4 : memref<1x1024xf32, #tpu.memory_space<hbm>>) target(%dma_start3A_1250 : memref<1x1024xf32, #tpu.memory_space<vmem>>) target_semaphore(%arg33 : memref<!tpu.dma_semaphore, #tpu.memory_space<semaphore_mem>>)
      %dma_start3A_1251 = arith.constant 3 : i32
      %dma_start3A_1252 = arith.constant 0 : i32
      %dma_start3A_1253 = tpu.memref_slice %arg20[%dma_start3A_1251, %dma_start3A_1252] : memref<16x1024xf32, #tpu.memory_space<vmem>> -> memref<1x1024xf32, #tpu.memory_space<vmem>>
      %dma_start3A_1254 = arith.constant 3 : i32
      %dma_start3A_1255 = arith.constant 0 : i32
      %dma_start3A_1256 = tpu.memref_slice %arg20[%dma_start3A_1254, %dma_start3A_1255] : memref<16x1024xf32, #tpu.memory_space<vmem>> -> memref<1x1024xf32, #tpu.memory_space<vmem>>
      tpu.enqueue_dma source(%arg4 : memref<1x1024xf32, #tpu.memory_space<hbm>>) target(%dma_start3A_1256 : memref<1x1024xf32, #tpu.memory_space<vmem>>) target_semaphore(%arg33 : memref<!tpu.dma_semaphore, #tpu.memory_space<semaphore_mem>>)
      %dma_start3A_1257 = arith.constant 4 : i32
      %dma_start3A_1258 = arith.constant 0 : i32
      %dma_start3A_1259 = tpu.memref_slice %arg20[%dma_start3A_1257, %dma_start3A_1258] : memref<16x1024xf32, #tpu.memory_space<vmem>> -> memref<1x1024xf32, #tpu.memory_space<vmem>>
      %dma_start3A_1260 = arith.constant 4 : i32
      %dma_start3A_1261 = arith.constant 0 : i32
      %dma_start3A_1262 = tpu.memref_slice %arg20[%dma_start3A_1260, %dma_start3A_1261] : memref<16x1024xf32, #tpu.memory_space<vmem>> -> memref<1x1024xf32, #tpu.memory_space<vmem>>
      tpu.enqueue_dma source(%arg4 : memref<1x1024xf32, #tpu.memory_space<hbm>>) target(%dma_start3A_1262 : memref<1x1024xf32, #tpu.memory_space<vmem>>) target_semaphore(%arg33 : memref<!tpu.dma_semaphore, #tpu.memory_space<semaphore_mem>>)
      %dma_start3A_1263 = arith.constant 5 : i32
      %dma_start3A_1264 = arith.constant 0 : i32
      %dma_start3A_1265 = tpu.memref_slice %arg20[%dma_start3A_1263, %dma_start3A_1264] : memref<16x1024xf32, #tpu.memory_space<vmem>> -> memref<1x1024xf32, #tpu.memory_space<vmem>>
      %dma_start3A_1266 = arith.constant 5 : i32
      %dma_start3A_1267 = arith.constant 0 : i32
      %dma_start3A_1268 = tpu.memref_slice %arg20[%dma_start3A_1266, %dma_start3A_1267] : memref<16x1024xf32, #tpu.memory_space<vmem>> -> memref<1x1024xf32, #tpu.memory_space<vmem>>
      tpu.enqueue_dma source(%arg4 : memref<1x1024xf32, #tpu.memory_space<hbm>>) target(%dma_start3A_1268 : memref<1x1024xf32, #tpu.memory_space<vmem>>) target_semaphore(%arg33 : memref<!tpu.dma_semaphore, #tpu.memory_space<semaphore_mem>>)
      %dma_start3A_1269 = arith.constant 6 : i32
      %dma_start3A_1270 = arith.constant 0 : i32
      %dma_start3A_1271 = tpu.memref_slice %arg20[%dma_start3A_1269, %dma_start3A_1270] : memref<16x1024xf32, #tpu.memory_space<vmem>> -> memref<1x1024xf32, #tpu.memory_space<vmem>>
      %dma_start3A_1272 = arith.constant 6 : i32
      %dma_start3A_1273 = arith.constant 0 : i32
      %dma_start3A_1274 = tpu.memref_slice %arg20[%dma_start3A_1272, %dma_start3A_1273] : memref<16x1024xf32, #tpu.memory_space<vmem>> -> memref<1x1024xf32, #tpu.memory_space<vmem>>
      tpu.enqueue_dma source(%arg4 : memref<1x1024xf32, #tpu.memory_space<hbm>>) target(%dma_start3A_1274 : memref<1x1024xf32, #tpu.memory_space<vmem>>) target_semaphore(%arg33 : memref<!tpu.dma_semaphore, #tpu.memory_space<semaphore_mem>>)
      %dma_start3A_1275 = arith.constant 7 : i32
      %dma_start3A_1276 = arith.constant 0 : i32
      %dma_start3A_1277 = tpu.memref_slice %arg20[%dma_start3A_1275, %dma_start3A_1276] : memref<16x1024xf32, #tpu.memory_space<vmem>> -> memref<1x1024xf32, #tpu.memory_space<vmem>>
      %dma_start3A_1278 = arith.constant 7 : i32
      %dma_start3A_1279 = arith.constant 0 : i32
      %dma_start3A_1280 = tpu.memref_slice %arg20[%dma_start3A_1278, %dma_start3A_1279] : memref<16x1024xf32, #tpu.memory_space<vmem>> -> memref<1x1024xf32, #tpu.memory_space<vmem>>
      tpu.enqueue_dma source(%arg4 : memref<1x1024xf32, #tpu.memory_space<hbm>>) target(%dma_start3A_1280 : memref<1x1024xf32, #tpu.memory_space<vmem>>) target_semaphore(%arg33 : memref<!tpu.dma_semaphore, #tpu.memory_space<semaphore_mem>>)
      %dma_start3A_1281 = arith.constant 8 : i32
      %dma_start3A_1282 = arith.constant 0 : i32
      %dma_start3A_1283 = tpu.memref_slice %arg20[%dma_start3A_1281, %dma_start3A_1282] : memref<16x1024xf32, #tpu.memory_space<vmem>> -> memref<1x1024xf32, #tpu.memory_space<vmem>>
      %dma_start3A_1284 = arith.constant 8 : i32
      %dma_start3A_1285 = arith.constant 0 : i32
      %dma_start3A_1286 = tpu.memref_slice %arg20[%dma_start3A_1284, %dma_start3A_1285] : memref<16x1024xf32, #tpu.memory_space<vmem>> -> memref<1x1024xf32, #tpu.memory_space<vmem>>
      tpu.enqueue_dma source(%arg4 : memref<1x1024xf32, #tpu.memory_space<hbm>>) target(%dma_start3A_1286 : memref<1x1024xf32, #tpu.memory_space<vmem>>) target_semaphore(%arg33 : memref<!tpu.dma_semaphore, #tpu.memory_space<semaphore_mem>>)
      %dma_start3A_1287 = arith.constant 9 : i32
      %dma_start3A_1288 = arith.constant 0 : i32
      %dma_start3A_1289 = tpu.memref_slice %arg20[%dma_start3A_1287, %dma_start3A_1288] : memref<16x1024xf32, #tpu.memory_space<vmem>> -> memref<1x1024xf32, #tpu.memory_space<vmem>>
      %dma_start3A_1290 = arith.constant 9 : i32
      %dma_start3A_1291 = arith.constant 0 : i32
      %dma_start3A_1292 = tpu.memref_slice %arg20[%dma_start3A_1290, %dma_start3A_1291] : memref<16x1024xf32, #tpu.memory_space<vmem>> -> memref<1x1024xf32, #tpu.memory_space<vmem>>
      tpu.enqueue_dma source(%arg4 : memref<1x1024xf32, #tpu.memory_space<hbm>>) target(%dma_start3A_1292 : memref<1x1024xf32, #tpu.memory_space<vmem>>) target_semaphore(%arg33 : memref<!tpu.dma_semaphore, #tpu.memory_space<semaphore_mem>>)
      %dma_start3A_1293 = arith.constant 10 : i32
      %dma_start3A_1294 = arith.constant 0 : i32
      %dma_start3A_1295 = tpu.memref_slice %arg20[%dma_start3A_1293, %dma_start3A_1294] : memref<16x1024xf32, #tpu.memory_space<vmem>> -> memref<1x1024xf32, #tpu.memory_space<vmem>>
      %dma_start3A_1296 = arith.constant 10 : i32
      %dma_start3A_1297 = arith.constant 0 : i32
      %dma_start3A_1298 = tpu.memref_slice %arg20[%dma_start3A_1296, %dma_start3A_1297] : memref<16x1024xf32, #tpu.memory_space<vmem>> -> memref<1x1024xf32, #tpu.memory_space<vmem>>
      tpu.enqueue_dma source(%arg4 : memref<1x1024xf32, #tpu.memory_space<hbm>>) target(%dma_start3A_1298 : memref<1x1024xf32, #tpu.memory_space<vmem>>) target_semaphore(%arg33 : memref<!tpu.dma_semaphore, #tpu.memory_space<semaphore_mem>>)
      %dma_start3A_1299 = arith.constant 11 : i32
      %dma_start3A_1300 = arith.constant 0 : i32
      %dma_start3A_1301 = tpu.memref_slice %arg20[%dma_start3A_1299, %dma_start3A_1300] : memref<16x1024xf32, #tpu.memory_space<vmem>> -> memref<1x1024xf32, #tpu.memory_space<vmem>>
      %dma_start3A_1302 = arith.constant 11 : i32
      %dma_start3A_1303 = arith.constant 0 : i32
      %dma_start3A_1304 = tpu.memref_slice %arg20[%dma_start3A_1302, %dma_start3A_1303] : memref<16x1024xf32, #tpu.memory_space<vmem>> -> memref<1x1024xf32, #tpu.memory_space<vmem>>
      tpu.enqueue_dma source(%arg4 : memref<1x1024xf32, #tpu.memory_space<hbm>>) target(%dma_start3A_1304 : memref<1x1024xf32, #tpu.memory_space<vmem>>) target_semaphore(%arg33 : memref<!tpu.dma_semaphore, #tpu.memory_space<semaphore_mem>>)
      %dma_start3A_1305 = arith.constant 12 : i32
      %dma_start3A_1306 = arith.constant 0 : i32
      %dma_start3A_1307 = tpu.memref_slice %arg20[%dma_start3A_1305, %dma_start3A_1306] : memref<16x1024xf32, #tpu.memory_space<vmem>> -> memref<1x1024xf32, #tpu.memory_space<vmem>>
      %dma_start3A_1308 = arith.constant 12 : i32
      %dma_start3A_1309 = arith.constant 0 : i32
      %dma_start3A_1310 = tpu.memref_slice %arg20[%dma_start3A_1308, %dma_start3A_1309] : memref<16x1024xf32, #tpu.memory_space<vmem>> -> memref<1x1024xf32, #tpu.memory_space<vmem>>
      tpu.enqueue_dma source(%arg4 : memref<1x1024xf32, #tpu.memory_space<hbm>>) target(%dma_start3A_1310 : memref<1x1024xf32, #tpu.memory_space<vmem>>) target_semaphore(%arg33 : memref<!tpu.dma_semaphore, #tpu.memory_space<semaphore_mem>>)
      %dma_start3A_1311 = arith.constant 13 : i32
      %dma_start3A_1312 = arith.constant 0 : i32
      %dma_start3A_1313 = tpu.memref_slice %arg20[%dma_start3A_1311, %dma_start3A_1312] : memref<16x1024xf32, #tpu.memory_space<vmem>> -> memref<1x1024xf32, #tpu.memory_space<vmem>>
      %dma_start3A_1314 = arith.constant 13 : i32
      %dma_start3A_1315 = arith.constant 0 : i32
      %dma_start3A_1316 = tpu.memref_slice %arg20[%dma_start3A_1314, %dma_start3A_1315] : memref<16x1024xf32, #tpu.memory_space<vmem>> -> memref<1x1024xf32, #tpu.memory_space<vmem>>
      tpu.enqueue_dma source(%arg4 : memref<1x1024xf32, #tpu.memory_space<hbm>>) target(%dma_start3A_1316 : memref<1x1024xf32, #tpu.memory_space<vmem>>) target_semaphore(%arg33 : memref<!tpu.dma_semaphore, #tpu.memory_space<semaphore_mem>>)
      %dma_start3A_1317 = arith.constant 14 : i32
      %dma_start3A_1318 = arith.constant 0 : i32
      %dma_start3A_1319 = tpu.memref_slice %arg20[%dma_start3A_1317, %dma_start3A_1318] : memref<16x1024xf32, #tpu.memory_space<vmem>> -> memref<1x1024xf32, #tpu.memory_space<vmem>>
      %dma_start3A_1320 = arith.constant 14 : i32
      %dma_start3A_1321 = arith.constant 0 : i32
      %dma_start3A_1322 = tpu.memref_slice %arg20[%dma_start3A_1320, %dma_start3A_1321] : memref<16x1024xf32, #tpu.memory_space<vmem>> -> memref<1x1024xf32, #tpu.memory_space<vmem>>
      tpu.enqueue_dma source(%arg4 : memref<1x1024xf32, #tpu.memory_space<hbm>>) target(%dma_start3A_1322 : memref<1x1024xf32, #tpu.memory_space<vmem>>) target_semaphore(%arg33 : memref<!tpu.dma_semaphore, #tpu.memory_space<semaphore_mem>>)
      %dma_start3A_1323 = arith.constant 15 : i32
      %dma_start3A_1324 = arith.constant 0 : i32
      %dma_start3A_1325 = tpu.memref_slice %arg20[%dma_start3A_1323, %dma_start3A_1324] : memref<16x1024xf32, #tpu.memory_space<vmem>> -> memref<1x1024xf32, #tpu.memory_space<vmem>>
      %dma_start3A_1326 = arith.constant 15 : i32
      %dma_start3A_1327 = arith.constant 0 : i32
      %dma_start3A_1328 = tpu.memref_slice %arg20[%dma_start3A_1326, %dma_start3A_1327] : memref<16x1024xf32, #tpu.memory_space<vmem>> -> memref<1x1024xf32, #tpu.memory_space<vmem>>
      tpu.enqueue_dma source(%arg4 : memref<1x1024xf32, #tpu.memory_space<hbm>>) target(%dma_start3A_1328 : memref<1x1024xf32, #tpu.memory_space<vmem>>) target_semaphore(%arg33 : memref<!tpu.dma_semaphore, #tpu.memory_space<semaphore_mem>>)
    } else {
    }
    "tpu.region"() ({
      %run_scoped3A = tpu.sem_alloc : memref<!tpu.dma_semaphore, #tpu.memory_space<semaphore_mem>>
      %dma_start3A_1233 = arith.constant 0 : i32
      %dma_start3A_1234 = tpu.memref_slice %arg6[%dma_start3A_1233] : memref<16xi32, #tpu.memory_space<vmem>> -> memref<9xi32, #tpu.memory_space<vmem>>
      %dma_start3A_1235 = arith.constant 0 : i32
      %dma_start3A_1236 = tpu.memref_slice %arg6[%dma_start3A_1235] : memref<16xi32, #tpu.memory_space<vmem>> -> memref<9xi32, #tpu.memory_space<vmem>>
      tpu.enqueue_dma source(%arg3 : memref<9xi32, #tpu.memory_space<hbm>>) target(%dma_start3A_1236 : memref<9xi32, #tpu.memory_space<vmem>>) target_semaphore(%run_scoped3A : memref<!tpu.dma_semaphore, #tpu.memory_space<semaphore_mem>>)
      %dma_wait3A_1237 = arith.constant 0 : i32
      %dma_wait3A_1238 = tpu.memref_slice %arg6[%dma_wait3A_1237] : memref<16xi32, #tpu.memory_space<vmem>> -> memref<9xi32, #tpu.memory_space<vmem>>
      %dma_wait3A_1239 = arith.constant 0 : i32
      %dma_wait3A_1240 = tpu.memref_slice %arg6[%dma_wait3A_1239] : memref<16xi32, #tpu.memory_space<vmem>> -> memref<9xi32, #tpu.memory_space<vmem>>
      tpu.wait_dma2 semaphore(%run_scoped3A : memref<!tpu.dma_semaphore, #tpu.memory_space<semaphore_mem>>) src(%arg3 : memref<9xi32, #tpu.memory_space<hbm>>) dst(%dma_wait3A_1240 : memref<9xi32, #tpu.memory_space<vmem>>)
      tpu.yield
    }) : () -> ()
    %get3A = arith.constant 0 : index
    %get3A_5 = tpu.vector_load %arg6[%get3A] {strides = array<i32>} : memref<16xi32, #tpu.memory_space<vmem>>, vector<16xi32>,
    %get3A_6 = vector.shape_cast %get3A_5 : vector<16xi32> to vector<16xi32>
    %broadcast_in_dim3A = arith.constant 1 : i32
    %broadcast_in_dim3A_7 = vector.broadcast %broadcast_in_dim3A : i32 to vector<16xi32>
    %broadcast_in_dim3A_8 = vector.shape_cast %broadcast_in_dim3A_7 : vector<16xi32> to vector<16x1xi32>
    %gather3A = vector.shape_cast %broadcast_in_dim3A_8 : vector<16x1xi32> to vector<16xi32>
    %gather3A_9 = tpu.dynamic_gather %get3A_6[%gather3A] in [0] : vector<16xi32>, vector<16xi32> -> vector<16xi32>
    %broadcast_in_dim3A_10 = arith.constant 2 : i32
    %broadcast_in_dim3A_11 = vector.broadcast %broadcast_in_dim3A_10 : i32 to vector<16xi32>
    %broadcast_in_dim3A_12 = vector.shape_cast %broadcast_in_dim3A_11 : vector<16xi32> to vector<16x1xi32>
    %gather3A_13 = vector.shape_cast %broadcast_in_dim3A_12 : vector<16x1xi32> to vector<16xi32>
    %gather3A_14 = tpu.dynamic_gather %get3A_6[%gather3A_13] in [0] : vector<16xi32>, vector<16xi32> -> vector<16xi32>
    %broadcast_in_dim3A_15 = arith.constant 3 : i32
    %broadcast_in_dim3A_16 = vector.broadcast %broadcast_in_dim3A_15 : i32 to vector<16xi32>
    %broadcast_in_dim3A_17 = vector.shape_cast %broadcast_in_dim3A_16 : vector<16xi32> to vector<16x1xi32>
    %gather3A_18 = vector.shape_cast %broadcast_in_dim3A_17 : vector<16x1xi32> to vector<16xi32>
    %gather3A_19 = tpu.dynamic_gather %get3A_6[%gather3A_18] in [0] : vector<16xi32>, vector<16xi32> -> vector<16xi32>
    %broadcast_in_dim3A_20 = arith.constant 4 : i32
    %broadcast_in_dim3A_21 = vector.broadcast %broadcast_in_dim3A_20 : i32 to vector<16xi32>
    %broadcast_in_dim3A_22 = vector.shape_cast %broadcast_in_dim3A_21 : vector<16xi32> to vector<16x1xi32>
    %gather3A_23 = vector.shape_cast %broadcast_in_dim3A_22 : vector<16x1xi32> to vector<16xi32>
    %gather3A_24 = tpu.dynamic_gather %get3A_6[%gather3A_23] in [0] : vector<16xi32>, vector<16xi32> -> vector<16xi32>
    %broadcast_in_dim3A_25 = arith.constant 5 : i32
    %broadcast_in_dim3A_26 = vector.broadcast %broadcast_in_dim3A_25 : i32 to vector<16xi32>
    %broadcast_in_dim3A_27 = vector.shape_cast %broadcast_in_dim3A_26 : vector<16xi32> to vector<16x1xi32>
    %gather3A_28 = vector.shape_cast %broadcast_in_dim3A_27 : vector<16x1xi32> to vector<16xi32>
    %gather3A_29 = tpu.dynamic_gather %get3A_6[%gather3A_28] in [0] : vector<16xi32>, vector<16xi32> -> vector<16xi32>
    %broadcast_in_dim3A_30 = arith.constant 6 : i32
    %broadcast_in_dim3A_31 = vector.broadcast %broadcast_in_dim3A_30 : i32 to vector<16xi32>
    %broadcast_in_dim3A_32 = vector.shape_cast %broadcast_in_dim3A_31 : vector<16xi32> to vector<16x1xi32>
    %gather3A_33 = vector.shape_cast %broadcast_in_dim3A_32 : vector<16x1xi32> to vector<16xi32>
    %gather3A_34 = tpu.dynamic_gather %get3A_6[%gather3A_33] in [0] : vector<16xi32>, vector<16xi32> -> vector<16xi32>
    %broadcast_in_dim3A_35 = arith.constant 7 : i32
    %broadcast_in_dim3A_36 = vector.broadcast %broadcast_in_dim3A_35 : i32 to vector<16xi32>
    %broadcast_in_dim3A_37 = vector.shape_cast %broadcast_in_dim3A_36 : vector<16xi32> to vector<16x1xi32>
    %gather3A_38 = vector.shape_cast %broadcast_in_dim3A_37 : vector<16x1xi32> to vector<16xi32>
    %gather3A_39 = tpu.dynamic_gather %get3A_6[%gather3A_38] in [0] : vector<16xi32>, vector<16xi32> -> vector<16xi32>
    %broadcast_in_dim3A_40 = arith.constant 8 : i32
    %broadcast_in_dim3A_41 = vector.broadcast %broadcast_in_dim3A_40 : i32 to vector<16xi32>
    %broadcast_in_dim3A_42 = vector.shape_cast %broadcast_in_dim3A_41 : vector<16xi32> to vector<16x1xi32>
    %gather3A_43 = vector.shape_cast %broadcast_in_dim3A_42 : vector<16x1xi32> to vector<16xi32>
    %gather3A_44 = tpu.dynamic_gather %get3A_6[%gather3A_43] in [0] : vector<16xi32>, vector<16xi32> -> vector<16xi32>
    %add3A_45 = arith.constant 0 : i32
    %add3A_46 = arith.addi %add3A, %add3A_45 : i32
    %mul3A_47 = arith.constant 16 : i32
    %mul3A_48 = arith.muli %add3A_46, %mul3A_47 : i32
    %dma_start3A = arith.constant 0 : i32
    %dma_start3A_49 = tpu.memref_slice %arg2[%mul3A_48, %dma_start3A] : memref<8192x1024xf32, #tpu.memory_space<hbm>> -> memref<16x1024xf32, #tpu.memory_space<hbm>>
    %dma_start3A_50 = arith.constant 0 : i32
    %dma_start3A_51 = tpu.memref_slice %arg2[%mul3A_48, %dma_start3A_50] : memref<8192x1024xf32, #tpu.memory_space<hbm>> -> memref<16x1024xf32, #tpu.memory_space<hbm>>
    tpu.enqueue_dma source(%dma_start3A_51 : memref<16x1024xf32, #tpu.memory_space<hbm>>) target(%arg14 : memref<16x1024xf32, #tpu.memory_space<vmem>>) target_semaphore(%arg21 : memref<!tpu.dma_semaphore, #tpu.memory_space<semaphore_mem>>)
    %add3A_52 = arith.constant 32 : i32
    %add3A_53 = arith.addi %add3A, %add3A_52 : i32
    %mul3A_54 = arith.constant 16 : i32
    %mul3A_55 = arith.muli %add3A_53, %mul3A_54 : i32
    %dma_start3A_56 = arith.constant 0 : i32
    %dma_start3A_57 = tpu.memref_slice %arg2[%mul3A_55, %dma_start3A_56] : memref<8192x1024xf32, #tpu.memory_space<hbm>> -> memref<16x1024xf32, #tpu.memory_space<hbm>>
    %dma_start3A_58 = arith.constant 0 : i32
    %dma_start3A_59 = tpu.memref_slice %arg2[%mul3A_55, %dma_start3A_58] : memref<8192x1024xf32, #tpu.memory_space<hbm>> -> memref<16x1024xf32, #tpu.memory_space<hbm>>
    tpu.enqueue_dma source(%dma_start3A_59 : memref<16x1024xf32, #tpu.memory_space<hbm>>) target(%arg15 : memref<16x1024xf32, #tpu.memory_space<vmem>>) target_semaphore(%arg22 : memref<!tpu.dma_semaphore, #tpu.memory_space<semaphore_mem>>)
    %add3A_60 = arith.constant 64 : i32
    %add3A_61 = arith.addi %add3A, %add3A_60 : i32
    %mul3A_62 = arith.constant 16 : i32
    %mul3A_63 = arith.muli %add3A_61, %mul3A_62 : i32
    %dma_start3A_64 = arith.constant 0 : i32
    %dma_start3A_65 = tpu.memref_slice %arg2[%mul3A_63, %dma_start3A_64] : memref<8192x1024xf32, #tpu.memory_space<hbm>> -> memref<16x1024xf32, #tpu.memory_space<hbm>>
    %dma_start3A_66 = arith.constant 0 : i32
    %dma_start3A_67 = tpu.memref_slice %arg2[%mul3A_63, %dma_start3A_66] : memref<8192x1024xf32, #tpu.memory_space<hbm>> -> memref<16x1024xf32, #tpu.memory_space<hbm>>
    tpu.enqueue_dma source(%dma_start3A_67 : memref<16x1024xf32, #tpu.memory_space<hbm>>) target(%arg16 : memref<16x1024xf32, #tpu.memory_space<vmem>>) target_semaphore(%arg23 : memref<!tpu.dma_semaphore, #tpu.memory_space<semaphore_mem>>)
    %add3A_68 = arith.constant 96 : i32
    %add3A_69 = arith.addi %add3A, %add3A_68 : i32
    %mul3A_70 = arith.constant 16 : i32
    %mul3A_71 = arith.muli %add3A_69, %mul3A_70 : i32
    %dma_start3A_72 = arith.constant 0 : i32
    %dma_start3A_73 = tpu.memref_slice %arg2[%mul3A_71, %dma_start3A_72] : memref<8192x1024xf32, #tpu.memory_space<hbm>> -> memref<16x1024xf32, #tpu.memory_space<hbm>>
    %dma_start3A_74 = arith.constant 0 : i32
    %dma_start3A_75 = tpu.memref_slice %arg2[%mul3A_71, %dma_start3A_74] : memref<8192x1024xf32, #tpu.memory_space<hbm>> -> memref<16x1024xf32, #tpu.memory_space<hbm>>
    tpu.enqueue_dma source(%dma_start3A_75 : memref<16x1024xf32, #tpu.memory_space<hbm>>) target(%arg17 : memref<16x1024xf32, #tpu.memory_space<vmem>>) target_semaphore(%arg24 : memref<!tpu.dma_semaphore, #tpu.memory_space<semaphore_mem>>)
    %add3A_76 = arith.constant 128 : i32
    %add3A_77 = arith.addi %add3A, %add3A_76 : i32
    %mul3A_78 = arith.constant 16 : i32
    %mul3A_79 = arith.muli %add3A_77, %mul3A_78 : i32
    %dma_start3A_80 = arith.constant 0 : i32
    %dma_start3A_81 = tpu.memref_slice %arg2[%mul3A_79, %dma_start3A_80] : memref<8192x1024xf32, #tpu.memory_space<hbm>> -> memref<16x1024xf32, #tpu.memory_space<hbm>>
    %dma_start3A_82 = arith.constant 0 : i32
    %dma_start3A_83 = tpu.memref_slice %arg2[%mul3A_79, %dma_start3A_82] : memref<8192x1024xf32, #tpu.memory_space<hbm>> -> memref<16x1024xf32, #tpu.memory_space<hbm>>
    tpu.enqueue_dma source(%dma_start3A_83 : memref<16x1024xf32, #tpu.memory_space<hbm>>) target(%arg18 : memref<16x1024xf32, #tpu.memory_space<vmem>>) target_semaphore(%arg25 : memref<!tpu.dma_semaphore, #tpu.memory_space<semaphore_mem>>)
    %add3A_84 = arith.constant 160 : i32
    %add3A_85 = arith.addi %add3A, %add3A_84 : i32
    %mul3A_86 = arith.constant 16 : i32
    %mul3A_87 = arith.muli %add3A_85, %mul3A_86 : i32
    %dma_start3A_88 = arith.constant 0 : i32
    %dma_start3A_89 = tpu.memref_slice %arg2[%mul3A_87, %dma_start3A_88] : memref<8192x1024xf32, #tpu.memory_space<hbm>> -> memref<16x1024xf32, #tpu.memory_space<hbm>>
    %dma_start3A_90 = arith.constant 0 : i32
    %dma_start3A_91 = tpu.memref_slice %arg2[%mul3A_87, %dma_start3A_90] : memref<8192x1024xf32, #tpu.memory_space<hbm>> -> memref<16x1024xf32, #tpu.memory_space<hbm>>
    tpu.enqueue_dma source(%dma_start3A_91 : memref<16x1024xf32, #tpu.memory_space<hbm>>) target(%arg19 : memref<16x1024xf32, #tpu.memory_space<vmem>>) target_semaphore(%arg26 : memref<!tpu.dma_semaphore, #tpu.memory_space<semaphore_mem>>)
    %add3A_92 = arith.constant 0 : i32
    %add3A_93 = arith.addi %add3A, %add3A_92 : i32
    %mul3A_94 = arith.constant 16 : i32
    %mul3A_95 = arith.muli %add3A_93, %mul3A_94 : i32
    %add3A_96 = arith.constant 0 : i32
    %add3A_97 = arith.addi %mul3A_95, %add3A_96 : i32
    %iota3A = tpu.iota {dimensions = array<i32: 0>} : vector<16xi32>
    %add3A_98 = vector.broadcast %add3A_97 : i32 to vector<16xi32>
    %add3A_99 = arith.addi %add3A_98, %iota3A : vector<16xi32>
    %add3A_100 = arith.constant 1 : i32
    %add3A_101 = vector.broadcast %add3A_100 : i32 to vector<16xi32>
    %add3A_102 = arith.addi %add3A_99, %add3A_101 : vector<16xi32>
    %le3A = arith.cmpi sle, %gather3A_9, %add3A_99 : vector<16xi32>
    %add3A_103 = arith.constant 1 : i32
    %add3A_104 = vector.broadcast %add3A_103 : i32 to vector<16xi32>
    %add3A_105 = arith.addi %add3A_102, %add3A_104 : vector<16xi32>
    %select_n3A = arith.select %le3A, %add3A_105, %add3A_102 : vector<16xi1>, vector<16xi32>
    %le3A_106 = arith.cmpi sle, %gather3A_14, %add3A_99 : vector<16xi32>
    %add3A_107 = arith.constant 1 : i32
    %add3A_108 = vector.broadcast %add3A_107 : i32 to vector<16xi32>
    %add3A_109 = arith.addi %select_n3A, %add3A_108 : vector<16xi32>
    %select_n3A_110 = arith.select %le3A_106, %add3A_109, %select_n3A : vector<16xi1>, vector<16xi32>
    %le3A_111 = arith.cmpi sle, %gather3A_19, %add3A_99 : vector<16xi32>
    %add3A_112 = arith.constant 1 : i32
    %add3A_113 = vector.broadcast %add3A_112 : i32 to vector<16xi32>
    %add3A_114 = arith.addi %select_n3A_110, %add3A_113 : vector<16xi32>
    %select_n3A_115 = arith.select %le3A_111, %add3A_114, %select_n3A_110 : vector<16xi1>, vector<16xi32>
    %le3A_116 = arith.cmpi sle, %gather3A_24, %add3A_99 : vector<16xi32>
    %add3A_117 = arith.constant 1 : i32
    %add3A_118 = vector.broadcast %add3A_117 : i32 to vector<16xi32>
    %add3A_119 = arith.addi %select_n3A_115, %add3A_118 : vector<16xi32>
    %select_n3A_120 = arith.select %le3A_116, %add3A_119, %select_n3A_115 : vector<16xi1>, vector<16xi32>
    %le3A_121 = arith.cmpi sle, %gather3A_29, %add3A_99 : vector<16xi32>
    %add3A_122 = arith.constant 1 : i32
    %add3A_123 = vector.broadcast %add3A_122 : i32 to vector<16xi32>
    %add3A_124 = arith.addi %select_n3A_120, %add3A_123 : vector<16xi32>
    %select_n3A_125 = arith.select %le3A_121, %add3A_124, %select_n3A_120 : vector<16xi1>, vector<16xi32>
    %le3A_126 = arith.cmpi sle, %gather3A_34, %add3A_99 : vector<16xi32>
    %add3A_127 = arith.constant 1 : i32
    %add3A_128 = vector.broadcast %add3A_127 : i32 to vector<16xi32>
    %add3A_129 = arith.addi %select_n3A_125, %add3A_128 : vector<16xi32>
    %select_n3A_130 = arith.select %le3A_126, %add3A_129, %select_n3A_125 : vector<16xi1>, vector<16xi32>
    %le3A_131 = arith.cmpi sle, %gather3A_39, %add3A_99 : vector<16xi32>
    %add3A_132 = arith.constant 1 : i32
    %add3A_133 = vector.broadcast %add3A_132 : i32 to vector<16xi32>
    %add3A_134 = arith.addi %select_n3A_130, %add3A_133 : vector<16xi32>
    %select_n3A_135 = arith.select %le3A_131, %add3A_134, %select_n3A_130 : vector<16xi1>, vector<16xi32>
    %le3A_136 = arith.cmpi sle, %gather3A_44, %add3A_99 : vector<16xi32>
    %add3A_137 = arith.constant 1 : i32
    %add3A_138 = vector.broadcast %add3A_137 : i32 to vector<16xi32>
    %add3A_139 = arith.addi %select_n3A_135, %add3A_138 : vector<16xi32>
    %select_n3A_140 = arith.select %le3A_136, %add3A_139, %select_n3A_135 : vector<16xi1>, vector<16xi32>
    %swap3A = arith.constant 0 : index
    %swap3A_141 = tpu.vector_load %arg8[%swap3A] {strides = array<i32>} : memref<16xi32, #tpu.memory_space<vmem>>, vector<16xi32>,
    %swap3A_142 = vector.shape_cast %swap3A_141 : vector<16xi32> to vector<16xi32>
    %swap3A_143 = vector.shape_cast %select_n3A_140 : vector<16xi32> to vector<16xi32>
    tpu.vector_store %arg8[%swap3A], %swap3A_143 {strides = array<i32>} : memref<16xi32, #tpu.memory_space<vmem>>, vector<16xi32>,
    %dma_wait3A = arith.constant 0 : i32
    %dma_wait3A_144 = tpu.memref_slice %arg2[%mul3A_48, %dma_wait3A] : memref<8192x1024xf32, #tpu.memory_space<hbm>> -> memref<16x1024xf32, #tpu.memory_space<hbm>>
    %dma_wait3A_145 = arith.constant 0 : i32
    %dma_wait3A_146 = tpu.memref_slice %arg2[%mul3A_48, %dma_wait3A_145] : memref<8192x1024xf32, #tpu.memory_space<hbm>> -> memref<16x1024xf32, #tpu.memory_space<hbm>>
    tpu.wait_dma2 semaphore(%arg21 : memref<!tpu.dma_semaphore, #tpu.memory_space<semaphore_mem>>) src(%dma_wait3A_146 : memref<16x1024xf32, #tpu.memory_space<hbm>>) dst(%arg14 : memref<16x1024xf32, #tpu.memory_space<vmem>>)
    %dma_start3A_147 = arith.constant 0 : i32
    %dma_start3A_148 = arith.constant 0 : i32
    %dma_start3A_149 = tpu.memref_slice %arg5[%dma_start3A_147, %dma_start3A_148] : memref<8200x1024xf32, #tpu.memory_space<hbm>> -> memref<8200x1024xf32, #tpu.memory_space<hbm>>
    tpu.enqueue_indirect_dma source(%arg14 : memref<16x1024xf32, #tpu.memory_space<vmem>>) target(%dma_start3A_149 : memref<8200x1024xf32, #tpu.memory_space<hbm>>) offsets(%arg8 : memref<16xi32, #tpu.memory_space<vmem>>) semaphore(%arg27 : memref<!tpu.dma_semaphore, #tpu.memory_space<semaphore_mem>>)
    %add3A_150 = arith.constant 32 : i32
    %add3A_151 = arith.addi %add3A, %add3A_150 : i32
    %mul3A_152 = arith.constant 16 : i32
    %mul3A_153 = arith.muli %add3A_151, %mul3A_152 : i32
    %add3A_154 = arith.constant 0 : i32
    %add3A_155 = arith.addi %mul3A_153, %add3A_154 : i32
    %iota3A_156 = tpu.iota {dimensions = array<i32: 0>} : vector<16xi32>
    %add3A_157 = vector.broadcast %add3A_155 : i32 to vector<16xi32>
    %add3A_158 = arith.addi %add3A_157, %iota3A_156 : vector<16xi32>
    %add3A_159 = arith.constant 1 : i32
    %add3A_160 = vector.broadcast %add3A_159 : i32 to vector<16xi32>
    %add3A_161 = arith.addi %add3A_158, %add3A_160 : vector<16xi32>
    %le3A_162 = arith.cmpi sle, %gather3A_9, %add3A_158 : vector<16xi32>
    %add3A_163 = arith.constant 1 : i32
    %add3A_164 = vector.broadcast %add3A_163 : i32 to vector<16xi32>
    %add3A_165 = arith.addi %add3A_161, %add3A_164 : vector<16xi32>
    %select_n3A_166 = arith.select %le3A_162, %add3A_165, %add3A_161 : vector<16xi1>, vector<16xi32>
    %le3A_167 = arith.cmpi sle, %gather3A_14, %add3A_158 : vector<16xi32>
    %add3A_168 = arith.constant 1 : i32
    %add3A_169 = vector.broadcast %add3A_168 : i32 to vector<16xi32>
    %add3A_170 = arith.addi %select_n3A_166, %add3A_169 : vector<16xi32>
    %select_n3A_171 = arith.select %le3A_167, %add3A_170, %select_n3A_166 : vector<16xi1>, vector<16xi32>
    %le3A_172 = arith.cmpi sle, %gather3A_19, %add3A_158 : vector<16xi32>
    %add3A_173 = arith.constant 1 : i32
    %add3A_174 = vector.broadcast %add3A_173 : i32 to vector<16xi32>
    %add3A_175 = arith.addi %select_n3A_171, %add3A_174 : vector<16xi32>
    %select_n3A_176 = arith.select %le3A_172, %add3A_175, %select_n3A_171 : vector<16xi1>, vector<16xi32>
    %le3A_177 = arith.cmpi sle, %gather3A_24, %add3A_158 : vector<16xi32>
    %add3A_178 = arith.constant 1 : i32
    %add3A_179 = vector.broadcast %add3A_178 : i32 to vector<16xi32>
    %add3A_180 = arith.addi %select_n3A_176, %add3A_179 : vector<16xi32>
    %select_n3A_181 = arith.select %le3A_177, %add3A_180, %select_n3A_176 : vector<16xi1>, vector<16xi32>
    %le3A_182 = arith.cmpi sle, %gather3A_29, %add3A_158 : vector<16xi32>
    %add3A_183 = arith.constant 1 : i32
    %add3A_184 = vector.broadcast %add3A_183 : i32 to vector<16xi32>
    %add3A_185 = arith.addi %select_n3A_181, %add3A_184 : vector<16xi32>
    %select_n3A_186 = arith.select %le3A_182, %add3A_185, %select_n3A_181 : vector<16xi1>, vector<16xi32>
    %le3A_187 = arith.cmpi sle, %gather3A_34, %add3A_158 : vector<16xi32>
    %add3A_188 = arith.constant 1 : i32
    %add3A_189 = vector.broadcast %add3A_188 : i32 to vector<16xi32>
    %add3A_190 = arith.addi %select_n3A_186, %add3A_189 : vector<16xi32>
    %select_n3A_191 = arith.select %le3A_187, %add3A_190, %select_n3A_186 : vector<16xi1>, vector<16xi32>
    %le3A_192 = arith.cmpi sle, %gather3A_39, %add3A_158 : vector<16xi32>
    %add3A_193 = arith.constant 1 : i32
    %add3A_194 = vector.broadcast %add3A_193 : i32 to vector<16xi32>
    %add3A_195 = arith.addi %select_n3A_191, %add3A_194 : vector<16xi32>
    %select_n3A_196 = arith.select %le3A_192, %add3A_195, %select_n3A_191 : vector<16xi1>, vector<16xi32>
    %le3A_197 = arith.cmpi sle, %gather3A_44, %add3A_158 : vector<16xi32>
    %add3A_198 = arith.constant 1 : i32
    %add3A_199 = vector.broadcast %add3A_198 : i32 to vector<16xi32>
    %add3A_200 = arith.addi %select_n3A_196, %add3A_199 : vector<16xi32>
    %select_n3A_201 = arith.select %le3A_197, %add3A_200, %select_n3A_196 : vector<16xi1>, vector<16xi32>
    %swap3A_202 = arith.constant 0 : index
    %swap3A_203 = tpu.vector_load %arg9[%swap3A_202] {strides = array<i32>} : memref<16xi32, #tpu.memory_space<vmem>>, vector<16xi32>,
    %swap3A_204 = vector.shape_cast %swap3A_203 : vector<16xi32> to vector<16xi32>
    %swap3A_205 = vector.shape_cast %select_n3A_201 : vector<16xi32> to vector<16xi32>
    tpu.vector_store %arg9[%swap3A_202], %swap3A_205 {strides = array<i32>} : memref<16xi32, #tpu.memory_space<vmem>>, vector<16xi32>,
    %dma_wait3A_206 = arith.constant 0 : i32
    %dma_wait3A_207 = tpu.memref_slice %arg2[%mul3A_55, %dma_wait3A_206] : memref<8192x1024xf32, #tpu.memory_space<hbm>> -> memref<16x1024xf32, #tpu.memory_space<hbm>>
    %dma_wait3A_208 = arith.constant 0 : i32
    %dma_wait3A_209 = tpu.memref_slice %arg2[%mul3A_55, %dma_wait3A_208] : memref<8192x1024xf32, #tpu.memory_space<hbm>> -> memref<16x1024xf32, #tpu.memory_space<hbm>>
    tpu.wait_dma2 semaphore(%arg22 : memref<!tpu.dma_semaphore, #tpu.memory_space<semaphore_mem>>) src(%dma_wait3A_209 : memref<16x1024xf32, #tpu.memory_space<hbm>>) dst(%arg15 : memref<16x1024xf32, #tpu.memory_space<vmem>>)
    %dma_start3A_210 = arith.constant 0 : i32
    %dma_start3A_211 = arith.constant 0 : i32
    %dma_start3A_212 = tpu.memref_slice %arg5[%dma_start3A_210, %dma_start3A_211] : memref<8200x1024xf32, #tpu.memory_space<hbm>> -> memref<8200x1024xf32, #tpu.memory_space<hbm>>
    tpu.enqueue_indirect_dma source(%arg15 : memref<16x1024xf32, #tpu.memory_space<vmem>>) target(%dma_start3A_212 : memref<8200x1024xf32, #tpu.memory_space<hbm>>) offsets(%arg9 : memref<16xi32, #tpu.memory_space<vmem>>) semaphore(%arg28 : memref<!tpu.dma_semaphore, #tpu.memory_space<semaphore_mem>>)
    %add3A_213 = arith.constant 64 : i32
    %add3A_214 = arith.addi %add3A, %add3A_213 : i32
    %mul3A_215 = arith.constant 16 : i32
    %mul3A_216 = arith.muli %add3A_214, %mul3A_215 : i32
    %add3A_217 = arith.constant 0 : i32
    %add3A_218 = arith.addi %mul3A_216, %add3A_217 : i32
    %iota3A_219 = tpu.iota {dimensions = array<i32: 0>} : vector<16xi32>
    %add3A_220 = vector.broadcast %add3A_218 : i32 to vector<16xi32>
    %add3A_221 = arith.addi %add3A_220, %iota3A_219 : vector<16xi32>
    %add3A_222 = arith.constant 1 : i32
    %add3A_223 = vector.broadcast %add3A_222 : i32 to vector<16xi32>
    %add3A_224 = arith.addi %add3A_221, %add3A_223 : vector<16xi32>
    %le3A_225 = arith.cmpi sle, %gather3A_9, %add3A_221 : vector<16xi32>
    %add3A_226 = arith.constant 1 : i32
    %add3A_227 = vector.broadcast %add3A_226 : i32 to vector<16xi32>
    %add3A_228 = arith.addi %add3A_224, %add3A_227 : vector<16xi32>
    %select_n3A_229 = arith.select %le3A_225, %add3A_228, %add3A_224 : vector<16xi1>, vector<16xi32>
    %le3A_230 = arith.cmpi sle, %gather3A_14, %add3A_221 : vector<16xi32>
    %add3A_231 = arith.constant 1 : i32
    %add3A_232 = vector.broadcast %add3A_231 : i32 to vector<16xi32>
    %add3A_233 = arith.addi %select_n3A_229, %add3A_232 : vector<16xi32>
    %select_n3A_234 = arith.select %le3A_230, %add3A_233, %select_n3A_229 : vector<16xi1>, vector<16xi32>
    %le3A_235 = arith.cmpi sle, %gather3A_19, %add3A_221 : vector<16xi32>
    %add3A_236 = arith.constant 1 : i32
    %add3A_237 = vector.broadcast %add3A_236 : i32 to vector<16xi32>
    %add3A_238 = arith.addi %select_n3A_234, %add3A_237 : vector<16xi32>
    %select_n3A_239 = arith.select %le3A_235, %add3A_238, %select_n3A_234 : vector<16xi1>, vector<16xi32>
    %le3A_240 = arith.cmpi sle, %gather3A_24, %add3A_221 : vector<16xi32>
    %add3A_241 = arith.constant 1 : i32
    %add3A_242 = vector.broadcast %add3A_241 : i32 to vector<16xi32>
    %add3A_243 = arith.addi %select_n3A_239, %add3A_242 : vector<16xi32>
    %select_n3A_244 = arith.select %le3A_240, %add3A_243, %select_n3A_239 : vector<16xi1>, vector<16xi32>
    %le3A_245 = arith.cmpi sle, %gather3A_29, %add3A_221 : vector<16xi32>
    %add3A_246 = arith.constant 1 : i32
    %add3A_247 = vector.broadcast %add3A_246 : i32 to vector<16xi32>
    %add3A_248 = arith.addi %select_n3A_244, %add3A_247 : vector<16xi32>
    %select_n3A_249 = arith.select %le3A_245, %add3A_248, %select_n3A_244 : vector<16xi1>, vector<16xi32>
    %le3A_250 = arith.cmpi sle, %gather3A_34, %add3A_221 : vector<16xi32>
    %add3A_251 = arith.constant 1 : i32
    %add3A_252 = vector.broadcast %add3A_251 : i32 to vector<16xi32>
    %add3A_253 = arith.addi %select_n3A_249, %add3A_252 : vector<16xi32>
    %select_n3A_254 = arith.select %le3A_250, %add3A_253, %select_n3A_249 : vector<16xi1>, vector<16xi32>
    %le3A_255 = arith.cmpi sle, %gather3A_39, %add3A_221 : vector<16xi32>
    %add3A_256 = arith.constant 1 : i32
    %add3A_257 = vector.broadcast %add3A_256 : i32 to vector<16xi32>
    %add3A_258 = arith.addi %select_n3A_254, %add3A_257 : vector<16xi32>
    %select_n3A_259 = arith.select %le3A_255, %add3A_258, %select_n3A_254 : vector<16xi1>, vector<16xi32>
    %le3A_260 = arith.cmpi sle, %gather3A_44, %add3A_221 : vector<16xi32>
    %add3A_261 = arith.constant 1 : i32
    %add3A_262 = vector.broadcast %add3A_261 : i32 to vector<16xi32>
    %add3A_263 = arith.addi %select_n3A_259, %add3A_262 : vector<16xi32>
    %select_n3A_264 = arith.select %le3A_260, %add3A_263, %select_n3A_259 : vector<16xi1>, vector<16xi32>
    %swap3A_265 = arith.constant 0 : index
    %swap3A_266 = tpu.vector_load %arg10[%swap3A_265] {strides = array<i32>} : memref<16xi32, #tpu.memory_space<vmem>>, vector<16xi32>,
    %swap3A_267 = vector.shape_cast %swap3A_266 : vector<16xi32> to vector<16xi32>
    %swap3A_268 = vector.shape_cast %select_n3A_264 : vector<16xi32> to vector<16xi32>
    tpu.vector_store %arg10[%swap3A_265], %swap3A_268 {strides = array<i32>} : memref<16xi32, #tpu.memory_space<vmem>>, vector<16xi32>,
    %dma_wait3A_269 = arith.constant 0 : i32
    %dma_wait3A_270 = tpu.memref_slice %arg2[%mul3A_63, %dma_wait3A_269] : memref<8192x1024xf32, #tpu.memory_space<hbm>> -> memref<16x1024xf32, #tpu.memory_space<hbm>>
    %dma_wait3A_271 = arith.constant 0 : i32
    %dma_wait3A_272 = tpu.memref_slice %arg2[%mul3A_63, %dma_wait3A_271] : memref<8192x1024xf32, #tpu.memory_space<hbm>> -> memref<16x1024xf32, #tpu.memory_space<hbm>>
    tpu.wait_dma2 semaphore(%arg23 : memref<!tpu.dma_semaphore, #tpu.memory_space<semaphore_mem>>) src(%dma_wait3A_272 : memref<16x1024xf32, #tpu.memory_space<hbm>>) dst(%arg16 : memref<16x1024xf32, #tpu.memory_space<vmem>>)
    %dma_start3A_273 = arith.constant 0 : i32
    %dma_start3A_274 = arith.constant 0 : i32
    %dma_start3A_275 = tpu.memref_slice %arg5[%dma_start3A_273, %dma_start3A_274] : memref<8200x1024xf32, #tpu.memory_space<hbm>> -> memref<8200x1024xf32, #tpu.memory_space<hbm>>
    tpu.enqueue_indirect_dma source(%arg16 : memref<16x1024xf32, #tpu.memory_space<vmem>>) target(%dma_start3A_275 : memref<8200x1024xf32, #tpu.memory_space<hbm>>) offsets(%arg10 : memref<16xi32, #tpu.memory_space<vmem>>) semaphore(%arg29 : memref<!tpu.dma_semaphore, #tpu.memory_space<semaphore_mem>>)
    %add3A_276 = arith.constant 96 : i32
    %add3A_277 = arith.addi %add3A, %add3A_276 : i32
    %mul3A_278 = arith.constant 16 : i32
    %mul3A_279 = arith.muli %add3A_277, %mul3A_278 : i32
    %add3A_280 = arith.constant 0 : i32
    %add3A_281 = arith.addi %mul3A_279, %add3A_280 : i32
    %iota3A_282 = tpu.iota {dimensions = array<i32: 0>} : vector<16xi32>
    %add3A_283 = vector.broadcast %add3A_281 : i32 to vector<16xi32>
    %add3A_284 = arith.addi %add3A_283, %iota3A_282 : vector<16xi32>
    %add3A_285 = arith.constant 1 : i32
    %add3A_286 = vector.broadcast %add3A_285 : i32 to vector<16xi32>
    %add3A_287 = arith.addi %add3A_284, %add3A_286 : vector<16xi32>
    %le3A_288 = arith.cmpi sle, %gather3A_9, %add3A_284 : vector<16xi32>
    %add3A_289 = arith.constant 1 : i32
    %add3A_290 = vector.broadcast %add3A_289 : i32 to vector<16xi32>
    %add3A_291 = arith.addi %add3A_287, %add3A_290 : vector<16xi32>
    %select_n3A_292 = arith.select %le3A_288, %add3A_291, %add3A_287 : vector<16xi1>, vector<16xi32>
    %le3A_293 = arith.cmpi sle, %gather3A_14, %add3A_284 : vector<16xi32>
    %add3A_294 = arith.constant 1 : i32
    %add3A_295 = vector.broadcast %add3A_294 : i32 to vector<16xi32>
    %add3A_296 = arith.addi %select_n3A_292, %add3A_295 : vector<16xi32>
    %select_n3A_297 = arith.select %le3A_293, %add3A_296, %select_n3A_292 : vector<16xi1>, vector<16xi32>
    %le3A_298 = arith.cmpi sle, %gather3A_19, %add3A_284 : vector<16xi32>
    %add3A_299 = arith.constant 1 : i32
    %add3A_300 = vector.broadcast %add3A_299 : i32 to vector<16xi32>
    %add3A_301 = arith.addi %select_n3A_297, %add3A_300 : vector<16xi32>
    %select_n3A_302 = arith.select %le3A_298, %add3A_301, %select_n3A_297 : vector<16xi1>, vector<16xi32>
    %le3A_303 = arith.cmpi sle, %gather3A_24, %add3A_284 : vector<16xi32>
    %add3A_304 = arith.constant 1 : i32
    %add3A_305 = vector.broadcast %add3A_304 : i32 to vector<16xi32>
    %add3A_306 = arith.addi %select_n3A_302, %add3A_305 : vector<16xi32>
    %select_n3A_307 = arith.select %le3A_303, %add3A_306, %select_n3A_302 : vector<16xi1>, vector<16xi32>
    %le3A_308 = arith.cmpi sle, %gather3A_29, %add3A_284 : vector<16xi32>
    %add3A_309 = arith.constant 1 : i32
    %add3A_310 = vector.broadcast %add3A_309 : i32 to vector<16xi32>
    %add3A_311 = arith.addi %select_n3A_307, %add3A_310 : vector<16xi32>
    %select_n3A_312 = arith.select %le3A_308, %add3A_311, %select_n3A_307 : vector<16xi1>, vector<16xi32>
    %le3A_313 = arith.cmpi sle, %gather3A_34, %add3A_284 : vector<16xi32>
    %add3A_314 = arith.constant 1 : i32
    %add3A_315 = vector.broadcast %add3A_314 : i32 to vector<16xi32>
    %add3A_316 = arith.addi %select_n3A_312, %add3A_315 : vector<16xi32>
    %select_n3A_317 = arith.select %le3A_313, %add3A_316, %select_n3A_312 : vector<16xi1>, vector<16xi32>
    %le3A_318 = arith.cmpi sle, %gather3A_39, %add3A_284 : vector<16xi32>
    %add3A_319 = arith.constant 1 : i32
    %add3A_320 = vector.broadcast %add3A_319 : i32 to vector<16xi32>
    %add3A_321 = arith.addi %select_n3A_317, %add3A_320 : vector<16xi32>
    %select_n3A_322 = arith.select %le3A_318, %add3A_321, %select_n3A_317 : vector<16xi1>, vector<16xi32>
    %le3A_323 = arith.cmpi sle, %gather3A_44, %add3A_284 : vector<16xi32>
    %add3A_324 = arith.constant 1 : i32
    %add3A_325 = vector.broadcast %add3A_324 : i32 to vector<16xi32>
    %add3A_326 = arith.addi %select_n3A_322, %add3A_325 : vector<16xi32>
    %select_n3A_327 = arith.select %le3A_323, %add3A_326, %select_n3A_322 : vector<16xi1>, vector<16xi32>
    %swap3A_328 = arith.constant 0 : index
    %swap3A_329 = tpu.vector_load %arg11[%swap3A_328] {strides = array<i32>} : memref<16xi32, #tpu.memory_space<vmem>>, vector<16xi32>,
    %swap3A_330 = vector.shape_cast %swap3A_329 : vector<16xi32> to vector<16xi32>
    %swap3A_331 = vector.shape_cast %select_n3A_327 : vector<16xi32> to vector<16xi32>
    tpu.vector_store %arg11[%swap3A_328], %swap3A_331 {strides = array<i32>} : memref<16xi32, #tpu.memory_space<vmem>>, vector<16xi32>,
    %dma_wait3A_332 = arith.constant 0 : i32
    %dma_wait3A_333 = tpu.memref_slice %arg2[%mul3A_71, %dma_wait3A_332] : memref<8192x1024xf32, #tpu.memory_space<hbm>> -> memref<16x1024xf32, #tpu.memory_space<hbm>>
    %dma_wait3A_334 = arith.constant 0 : i32
    %dma_wait3A_335 = tpu.memref_slice %arg2[%mul3A_71, %dma_wait3A_334] : memref<8192x1024xf32, #tpu.memory_space<hbm>> -> memref<16x1024xf32, #tpu.memory_space<hbm>>
    tpu.wait_dma2 semaphore(%arg24 : memref<!tpu.dma_semaphore, #tpu.memory_space<semaphore_mem>>) src(%dma_wait3A_335 : memref<16x1024xf32, #tpu.memory_space<hbm>>) dst(%arg17 : memref<16x1024xf32, #tpu.memory_space<vmem>>)
    %dma_start3A_336 = arith.constant 0 : i32
    %dma_start3A_337 = arith.constant 0 : i32
    %dma_start3A_338 = tpu.memref_slice %arg5[%dma_start3A_336, %dma_start3A_337] : memref<8200x1024xf32, #tpu.memory_space<hbm>> -> memref<8200x1024xf32, #tpu.memory_space<hbm>>
    tpu.enqueue_indirect_dma source(%arg17 : memref<16x1024xf32, #tpu.memory_space<vmem>>) target(%dma_start3A_338 : memref<8200x1024xf32, #tpu.memory_space<hbm>>) offsets(%arg11 : memref<16xi32, #tpu.memory_space<vmem>>) semaphore(%arg30 : memref<!tpu.dma_semaphore, #tpu.memory_space<semaphore_mem>>)
    %dma_wait3A_339 = arith.constant 0 : i32
    %dma_wait3A_340 = arith.constant 0 : i32
    %dma_wait3A_341 = tpu.memref_slice %arg5[%dma_wait3A_339, %dma_wait3A_340] : memref<8200x1024xf32, #tpu.memory_space<hbm>> -> memref<8200x1024xf32, #tpu.memory_space<hbm>>
    tpu.wait_indirect_dma semaphore(%arg27 : memref<!tpu.dma_semaphore, #tpu.memory_space<semaphore_mem>>) src(%arg14 : memref<16x1024xf32, #tpu.memory_space<vmem>>) dst(%dma_wait3A_341 : memref<8200x1024xf32, #tpu.memory_space<hbm>>)
    %add3A_342 = arith.constant 192 : i32
    %add3A_343 = arith.addi %add3A, %add3A_342 : i32
    %mul3A_344 = arith.constant 16 : i32
    %mul3A_345 = arith.muli %add3A_343, %mul3A_344 : i32
    %dma_start3A_346 = arith.constant 0 : i32
    %dma_start3A_347 = tpu.memref_slice %arg2[%mul3A_345, %dma_start3A_346] : memref<8192x1024xf32, #tpu.memory_space<hbm>> -> memref<16x1024xf32, #tpu.memory_space<hbm>>
    %dma_start3A_348 = arith.constant 0 : i32
    %dma_start3A_349 = tpu.memref_slice %arg2[%mul3A_345, %dma_start3A_348] : memref<8192x1024xf32, #tpu.memory_space<hbm>> -> memref<16x1024xf32, #tpu.memory_space<hbm>>
    tpu.enqueue_dma source(%dma_start3A_349 : memref<16x1024xf32, #tpu.memory_space<hbm>>) target(%arg14 : memref<16x1024xf32, #tpu.memory_space<vmem>>) target_semaphore(%arg21 : memref<!tpu.dma_semaphore, #tpu.memory_space<semaphore_mem>>)
    %add3A_350 = arith.constant 128 : i32
    %add3A_351 = arith.addi %add3A, %add3A_350 : i32
    %mul3A_352 = arith.constant 16 : i32
    %mul3A_353 = arith.muli %add3A_351, %mul3A_352 : i32
    %add3A_354 = arith.constant 0 : i32
    %add3A_355 = arith.addi %mul3A_353, %add3A_354 : i32
    %iota3A_356 = tpu.iota {dimensions = array<i32: 0>} : vector<16xi32>
    %add3A_357 = vector.broadcast %add3A_355 : i32 to vector<16xi32>
    %add3A_358 = arith.addi %add3A_357, %iota3A_356 : vector<16xi32>
    %add3A_359 = arith.constant 1 : i32
    %add3A_360 = vector.broadcast %add3A_359 : i32 to vector<16xi32>
    %add3A_361 = arith.addi %add3A_358, %add3A_360 : vector<16xi32>
    %le3A_362 = arith.cmpi sle, %gather3A_9, %add3A_358 : vector<16xi32>
    %add3A_363 = arith.constant 1 : i32
    %add3A_364 = vector.broadcast %add3A_363 : i32 to vector<16xi32>
    %add3A_365 = arith.addi %add3A_361, %add3A_364 : vector<16xi32>
    %select_n3A_366 = arith.select %le3A_362, %add3A_365, %add3A_361 : vector<16xi1>, vector<16xi32>
    %le3A_367 = arith.cmpi sle, %gather3A_14, %add3A_358 : vector<16xi32>
    %add3A_368 = arith.constant 1 : i32
    %add3A_369 = vector.broadcast %add3A_368 : i32 to vector<16xi32>
    %add3A_370 = arith.addi %select_n3A_366, %add3A_369 : vector<16xi32>
    %select_n3A_371 = arith.select %le3A_367, %add3A_370, %select_n3A_366 : vector<16xi1>, vector<16xi32>
    %le3A_372 = arith.cmpi sle, %gather3A_19, %add3A_358 : vector<16xi32>
    %add3A_373 = arith.constant 1 : i32
    %add3A_374 = vector.broadcast %add3A_373 : i32 to vector<16xi32>
    %add3A_375 = arith.addi %select_n3A_371, %add3A_374 : vector<16xi32>
    %select_n3A_376 = arith.select %le3A_372, %add3A_375, %select_n3A_371 : vector<16xi1>, vector<16xi32>
    %le3A_377 = arith.cmpi sle, %gather3A_24, %add3A_358 : vector<16xi32>
    %add3A_378 = arith.constant 1 : i32
    %add3A_379 = vector.broadcast %add3A_378 : i32 to vector<16xi32>
    %add3A_380 = arith.addi %select_n3A_376, %add3A_379 : vector<16xi32>
    %select_n3A_381 = arith.select %le3A_377, %add3A_380, %select_n3A_376 : vector<16xi1>, vector<16xi32>
    %le3A_382 = arith.cmpi sle, %gather3A_29, %add3A_358 : vector<16xi32>
    %add3A_383 = arith.constant 1 : i32
    %add3A_384 = vector.broadcast %add3A_383 : i32 to vector<16xi32>
    %add3A_385 = arith.addi %select_n3A_381, %add3A_384 : vector<16xi32>
    %select_n3A_386 = arith.select %le3A_382, %add3A_385, %select_n3A_381 : vector<16xi1>, vector<16xi32>
    %le3A_387 = arith.cmpi sle, %gather3A_34, %add3A_358 : vector<16xi32>
    %add3A_388 = arith.constant 1 : i32
    %add3A_389 = vector.broadcast %add3A_388 : i32 to vector<16xi32>
    %add3A_390 = arith.addi %select_n3A_386, %add3A_389 : vector<16xi32>
    %select_n3A_391 = arith.select %le3A_387, %add3A_390, %select_n3A_386 : vector<16xi1>, vector<16xi32>
    %le3A_392 = arith.cmpi sle, %gather3A_39, %add3A_358 : vector<16xi32>
    %add3A_393 = arith.constant 1 : i32
    %add3A_394 = vector.broadcast %add3A_393 : i32 to vector<16xi32>
    %add3A_395 = arith.addi %select_n3A_391, %add3A_394 : vector<16xi32>
    %select_n3A_396 = arith.select %le3A_392, %add3A_395, %select_n3A_391 : vector<16xi1>, vector<16xi32>
    %le3A_397 = arith.cmpi sle, %gather3A_44, %add3A_358 : vector<16xi32>
    %add3A_398 = arith.constant 1 : i32
    %add3A_399 = vector.broadcast %add3A_398 : i32 to vector<16xi32>
    %add3A_400 = arith.addi %select_n3A_396, %add3A_399 : vector<16xi32>
    %select_n3A_401 = arith.select %le3A_397, %add3A_400, %select_n3A_396 : vector<16xi1>, vector<16xi32>
    %swap3A_402 = arith.constant 0 : index
    %swap3A_403 = tpu.vector_load %arg12[%swap3A_402] {strides = array<i32>} : memref<16xi32, #tpu.memory_space<vmem>>, vector<16xi32>,
    %swap3A_404 = vector.shape_cast %swap3A_403 : vector<16xi32> to vector<16xi32>
    %swap3A_405 = vector.shape_cast %select_n3A_401 : vector<16xi32> to vector<16xi32>
    tpu.vector_store %arg12[%swap3A_402], %swap3A_405 {strides = array<i32>} : memref<16xi32, #tpu.memory_space<vmem>>, vector<16xi32>,
    %dma_wait3A_406 = arith.constant 0 : i32
    %dma_wait3A_407 = tpu.memref_slice %arg2[%mul3A_79, %dma_wait3A_406] : memref<8192x1024xf32, #tpu.memory_space<hbm>> -> memref<16x1024xf32, #tpu.memory_space<hbm>>
    %dma_wait3A_408 = arith.constant 0 : i32
    %dma_wait3A_409 = tpu.memref_slice %arg2[%mul3A_79, %dma_wait3A_408] : memref<8192x1024xf32, #tpu.memory_space<hbm>> -> memref<16x1024xf32, #tpu.memory_space<hbm>>
    tpu.wait_dma2 semaphore(%arg25 : memref<!tpu.dma_semaphore, #tpu.memory_space<semaphore_mem>>) src(%dma_wait3A_409 : memref<16x1024xf32, #tpu.memory_space<hbm>>) dst(%arg18 : memref<16x1024xf32, #tpu.memory_space<vmem>>)
    %dma_start3A_410 = arith.constant 0 : i32
    %dma_start3A_411 = arith.constant 0 : i32
    %dma_start3A_412 = tpu.memref_slice %arg5[%dma_start3A_410, %dma_start3A_411] : memref<8200x1024xf32, #tpu.memory_space<hbm>> -> memref<8200x1024xf32, #tpu.memory_space<hbm>>
    tpu.enqueue_indirect_dma source(%arg18 : memref<16x1024xf32, #tpu.memory_space<vmem>>) target(%dma_start3A_412 : memref<8200x1024xf32, #tpu.memory_space<hbm>>) offsets(%arg12 : memref<16xi32, #tpu.memory_space<vmem>>) semaphore(%arg31 : memref<!tpu.dma_semaphore, #tpu.memory_space<semaphore_mem>>)
    %dma_wait3A_413 = arith.constant 0 : i32
    %dma_wait3A_414 = arith.constant 0 : i32
    %dma_wait3A_415 = tpu.memref_slice %arg5[%dma_wait3A_413, %dma_wait3A_414] : memref<8200x1024xf32, #tpu.memory_space<hbm>> -> memref<8200x1024xf32, #tpu.memory_space<hbm>>
    tpu.wait_indirect_dma semaphore(%arg28 : memref<!tpu.dma_semaphore, #tpu.memory_space<semaphore_mem>>) src(%arg15 : memref<16x1024xf32, #tpu.memory_space<vmem>>) dst(%dma_wait3A_415 : memref<8200x1024xf32, #tpu.memory_space<hbm>>)
    %add3A_416 = arith.constant 224 : i32
    %add3A_417 = arith.addi %add3A, %add3A_416 : i32
    %mul3A_418 = arith.constant 16 : i32
    %mul3A_419 = arith.muli %add3A_417, %mul3A_418 : i32
    %dma_start3A_420 = arith.constant 0 : i32
    %dma_start3A_421 = tpu.memref_slice %arg2[%mul3A_419, %dma_start3A_420] : memref<8192x1024xf32, #tpu.memory_space<hbm>> -> memref<16x1024xf32, #tpu.memory_space<hbm>>
    %dma_start3A_422 = arith.constant 0 : i32
    %dma_start3A_423 = tpu.memref_slice %arg2[%mul3A_419, %dma_start3A_422] : memref<8192x1024xf32, #tpu.memory_space<hbm>> -> memref<16x1024xf32, #tpu.memory_space<hbm>>
    tpu.enqueue_dma source(%dma_start3A_423 : memref<16x1024xf32, #tpu.memory_space<hbm>>) target(%arg15 : memref<16x1024xf32, #tpu.memory_space<vmem>>) target_semaphore(%arg22 : memref<!tpu.dma_semaphore, #tpu.memory_space<semaphore_mem>>)
    %add3A_424 = arith.constant 160 : i32
    %add3A_425 = arith.addi %add3A, %add3A_424 : i32
    %mul3A_426 = arith.constant 16 : i32
    %mul3A_427 = arith.muli %add3A_425, %mul3A_426 : i32
    %add3A_428 = arith.constant 0 : i32
    %add3A_429 = arith.addi %mul3A_427, %add3A_428 : i32
    %iota3A_430 = tpu.iota {dimensions = array<i32: 0>} : vector<16xi32>
    %add3A_431 = vector.broadcast %add3A_429 : i32 to vector<16xi32>
    %add3A_432 = arith.addi %add3A_431, %iota3A_430 : vector<16xi32>
    %add3A_433 = arith.constant 1 : i32
    %add3A_434 = vector.broadcast %add3A_433 : i32 to vector<16xi32>
    %add3A_435 = arith.addi %add3A_432, %add3A_434 : vector<16xi32>
    %le3A_436 = arith.cmpi sle, %gather3A_9, %add3A_432 : vector<16xi32>
    %add3A_437 = arith.constant 1 : i32
    %add3A_438 = vector.broadcast %add3A_437 : i32 to vector<16xi32>
    %add3A_439 = arith.addi %add3A_435, %add3A_438 : vector<16xi32>
    %select_n3A_440 = arith.select %le3A_436, %add3A_439, %add3A_435 : vector<16xi1>, vector<16xi32>
    %le3A_441 = arith.cmpi sle, %gather3A_14, %add3A_432 : vector<16xi32>
    %add3A_442 = arith.constant 1 : i32
    %add3A_443 = vector.broadcast %add3A_442 : i32 to vector<16xi32>
    %add3A_444 = arith.addi %select_n3A_440, %add3A_443 : vector<16xi32>
    %select_n3A_445 = arith.select %le3A_441, %add3A_444, %select_n3A_440 : vector<16xi1>, vector<16xi32>
    %le3A_446 = arith.cmpi sle, %gather3A_19, %add3A_432 : vector<16xi32>
    %add3A_447 = arith.constant 1 : i32
    %add3A_448 = vector.broadcast %add3A_447 : i32 to vector<16xi32>
    %add3A_449 = arith.addi %select_n3A_445, %add3A_448 : vector<16xi32>
    %select_n3A_450 = arith.select %le3A_446, %add3A_449, %select_n3A_445 : vector<16xi1>, vector<16xi32>
    %le3A_451 = arith.cmpi sle, %gather3A_24, %add3A_432 : vector<16xi32>
    %add3A_452 = arith.constant 1 : i32
    %add3A_453 = vector.broadcast %add3A_452 : i32 to vector<16xi32>
    %add3A_454 = arith.addi %select_n3A_450, %add3A_453 : vector<16xi32>
    %select_n3A_455 = arith.select %le3A_451, %add3A_454, %select_n3A_450 : vector<16xi1>, vector<16xi32>
    %le3A_456 = arith.cmpi sle, %gather3A_29, %add3A_432 : vector<16xi32>
    %add3A_457 = arith.constant 1 : i32
    %add3A_458 = vector.broadcast %add3A_457 : i32 to vector<16xi32>
    %add3A_459 = arith.addi %select_n3A_455, %add3A_458 : vector<16xi32>
    %select_n3A_460 = arith.select %le3A_456, %add3A_459, %select_n3A_455 : vector<16xi1>, vector<16xi32>
    %le3A_461 = arith.cmpi sle, %gather3A_34, %add3A_432 : vector<16xi32>
    %add3A_462 = arith.constant 1 : i32
    %add3A_463 = vector.broadcast %add3A_462 : i32 to vector<16xi32>
    %add3A_464 = arith.addi %select_n3A_460, %add3A_463 : vector<16xi32>
    %select_n3A_465 = arith.select %le3A_461, %add3A_464, %select_n3A_460 : vector<16xi1>, vector<16xi32>
    %le3A_466 = arith.cmpi sle, %gather3A_39, %add3A_432 : vector<16xi32>
    %add3A_467 = arith.constant 1 : i32
    %add3A_468 = vector.broadcast %add3A_467 : i32 to vector<16xi32>
    %add3A_469 = arith.addi %select_n3A_465, %add3A_468 : vector<16xi32>
    %select_n3A_470 = arith.select %le3A_466, %add3A_469, %select_n3A_465 : vector<16xi1>, vector<16xi32>
    %le3A_471 = arith.cmpi sle, %gather3A_44, %add3A_432 : vector<16xi32>
    %add3A_472 = arith.constant 1 : i32
    %add3A_473 = vector.broadcast %add3A_472 : i32 to vector<16xi32>
    %add3A_474 = arith.addi %select_n3A_470, %add3A_473 : vector<16xi32>
    %select_n3A_475 = arith.select %le3A_471, %add3A_474, %select_n3A_470 : vector<16xi1>, vector<16xi32>
    %swap3A_476 = arith.constant 0 : index
    %swap3A_477 = tpu.vector_load %arg13[%swap3A_476] {strides = array<i32>} : memref<16xi32, #tpu.memory_space<vmem>>, vector<16xi32>,
    %swap3A_478 = vector.shape_cast %swap3A_477 : vector<16xi32> to vector<16xi32>
    %swap3A_479 = vector.shape_cast %select_n3A_475 : vector<16xi32> to vector<16xi32>
    tpu.vector_store %arg13[%swap3A_476], %swap3A_479 {strides = array<i32>} : memref<16xi32, #tpu.memory_space<vmem>>, vector<16xi32>,
    %dma_wait3A_480 = arith.constant 0 : i32
    %dma_wait3A_481 = tpu.memref_slice %arg2[%mul3A_87, %dma_wait3A_480] : memref<8192x1024xf32, #tpu.memory_space<hbm>> -> memref<16x1024xf32, #tpu.memory_space<hbm>>
    %dma_wait3A_482 = arith.constant 0 : i32
    %dma_wait3A_483 = tpu.memref_slice %arg2[%mul3A_87, %dma_wait3A_482] : memref<8192x1024xf32, #tpu.memory_space<hbm>> -> memref<16x1024xf32, #tpu.memory_space<hbm>>
    tpu.wait_dma2 semaphore(%arg26 : memref<!tpu.dma_semaphore, #tpu.memory_space<semaphore_mem>>) src(%dma_wait3A_483 : memref<16x1024xf32, #tpu.memory_space<hbm>>) dst(%arg19 : memref<16x1024xf32, #tpu.memory_space<vmem>>)
    %dma_start3A_484 = arith.constant 0 : i32
    %dma_start3A_485 = arith.constant 0 : i32
    %dma_start3A_486 = tpu.memref_slice %arg5[%dma_start3A_484, %dma_start3A_485] : memref<8200x1024xf32, #tpu.memory_space<hbm>> -> memref<8200x1024xf32, #tpu.memory_space<hbm>>
    tpu.enqueue_indirect_dma source(%arg19 : memref<16x1024xf32, #tpu.memory_space<vmem>>) target(%dma_start3A_486 : memref<8200x1024xf32, #tpu.memory_space<hbm>>) offsets(%arg13 : memref<16xi32, #tpu.memory_space<vmem>>) semaphore(%arg32 : memref<!tpu.dma_semaphore, #tpu.memory_space<semaphore_mem>>)
    %dma_wait3A_487 = arith.constant 0 : i32
    %dma_wait3A_488 = arith.constant 0 : i32
    %dma_wait3A_489 = tpu.memref_slice %arg5[%dma_wait3A_487, %dma_wait3A_488] : memref<8200x1024xf32, #tpu.memory_space<hbm>> -> memref<8200x1024xf32, #tpu.memory_space<hbm>>
    tpu.wait_indirect_dma semaphore(%arg29 : memref<!tpu.dma_semaphore, #tpu.memory_space<semaphore_mem>>) src(%arg16 : memref<16x1024xf32, #tpu.memory_space<vmem>>) dst(%dma_wait3A_489 : memref<8200x1024xf32, #tpu.memory_space<hbm>>)
    %add3A_490 = arith.constant 256 : i32
    %add3A_491 = arith.addi %add3A, %add3A_490 : i32
    %mul3A_492 = arith.constant 16 : i32
    %mul3A_493 = arith.muli %add3A_491, %mul3A_492 : i32
    %dma_start3A_494 = arith.constant 0 : i32
    %dma_start3A_495 = tpu.memref_slice %arg2[%mul3A_493, %dma_start3A_494] : memref<8192x1024xf32, #tpu.memory_space<hbm>> -> memref<16x1024xf32, #tpu.memory_space<hbm>>
    %dma_start3A_496 = arith.constant 0 : i32
    %dma_start3A_497 = tpu.memref_slice %arg2[%mul3A_493, %dma_start3A_496] : memref<8192x1024xf32, #tpu.memory_space<hbm>> -> memref<16x1024xf32, #tpu.memory_space<hbm>>
    tpu.enqueue_dma source(%dma_start3A_497 : memref<16x1024xf32, #tpu.memory_space<hbm>>) target(%arg16 : memref<16x1024xf32, #tpu.memory_space<vmem>>) target_semaphore(%arg23 : memref<!tpu.dma_semaphore, #tpu.memory_space<semaphore_mem>>)
    %add3A_498 = arith.constant 192 : i32
    %add3A_499 = arith.addi %add3A, %add3A_498 : i32
    %mul3A_500 = arith.constant 16 : i32
    %mul3A_501 = arith.muli %add3A_499, %mul3A_500 : i32
    %add3A_502 = arith.constant 0 : i32
    %add3A_503 = arith.addi %mul3A_501, %add3A_502 : i32
    %iota3A_504 = tpu.iota {dimensions = array<i32: 0>} : vector<16xi32>
    %add3A_505 = vector.broadcast %add3A_503 : i32 to vector<16xi32>
    %add3A_506 = arith.addi %add3A_505, %iota3A_504 : vector<16xi32>
    %add3A_507 = arith.constant 1 : i32
    %add3A_508 = vector.broadcast %add3A_507 : i32 to vector<16xi32>
    %add3A_509 = arith.addi %add3A_506, %add3A_508 : vector<16xi32>
    %le3A_510 = arith.cmpi sle, %gather3A_9, %add3A_506 : vector<16xi32>
    %add3A_511 = arith.constant 1 : i32
    %add3A_512 = vector.broadcast %add3A_511 : i32 to vector<16xi32>
    %add3A_513 = arith.addi %add3A_509, %add3A_512 : vector<16xi32>
    %select_n3A_514 = arith.select %le3A_510, %add3A_513, %add3A_509 : vector<16xi1>, vector<16xi32>
    %le3A_515 = arith.cmpi sle, %gather3A_14, %add3A_506 : vector<16xi32>
    %add3A_516 = arith.constant 1 : i32
    %add3A_517 = vector.broadcast %add3A_516 : i32 to vector<16xi32>
    %add3A_518 = arith.addi %select_n3A_514, %add3A_517 : vector<16xi32>
    %select_n3A_519 = arith.select %le3A_515, %add3A_518, %select_n3A_514 : vector<16xi1>, vector<16xi32>
    %le3A_520 = arith.cmpi sle, %gather3A_19, %add3A_506 : vector<16xi32>
    %add3A_521 = arith.constant 1 : i32
    %add3A_522 = vector.broadcast %add3A_521 : i32 to vector<16xi32>
    %add3A_523 = arith.addi %select_n3A_519, %add3A_522 : vector<16xi32>
    %select_n3A_524 = arith.select %le3A_520, %add3A_523, %select_n3A_519 : vector<16xi1>, vector<16xi32>
    %le3A_525 = arith.cmpi sle, %gather3A_24, %add3A_506 : vector<16xi32>
    %add3A_526 = arith.constant 1 : i32
    %add3A_527 = vector.broadcast %add3A_526 : i32 to vector<16xi32>
    %add3A_528 = arith.addi %select_n3A_524, %add3A_527 : vector<16xi32>
    %select_n3A_529 = arith.select %le3A_525, %add3A_528, %select_n3A_524 : vector<16xi1>, vector<16xi32>
    %le3A_530 = arith.cmpi sle, %gather3A_29, %add3A_506 : vector<16xi32>
    %add3A_531 = arith.constant 1 : i32
    %add3A_532 = vector.broadcast %add3A_531 : i32 to vector<16xi32>
    %add3A_533 = arith.addi %select_n3A_529, %add3A_532 : vector<16xi32>
    %select_n3A_534 = arith.select %le3A_530, %add3A_533, %select_n3A_529 : vector<16xi1>, vector<16xi32>
    %le3A_535 = arith.cmpi sle, %gather3A_34, %add3A_506 : vector<16xi32>
    %add3A_536 = arith.constant 1 : i32
    %add3A_537 = vector.broadcast %add3A_536 : i32 to vector<16xi32>
    %add3A_538 = arith.addi %select_n3A_534, %add3A_537 : vector<16xi32>
    %select_n3A_539 = arith.select %le3A_535, %add3A_538, %select_n3A_534 : vector<16xi1>, vector<16xi32>
    %le3A_540 = arith.cmpi sle, %gather3A_39, %add3A_506 : vector<16xi32>
    %add3A_541 = arith.constant 1 : i32
    %add3A_542 = vector.broadcast %add3A_541 : i32 to vector<16xi32>
    %add3A_543 = arith.addi %select_n3A_539, %add3A_542 : vector<16xi32>
    %select_n3A_544 = arith.select %le3A_540, %add3A_543, %select_n3A_539 : vector<16xi1>, vector<16xi32>
    %le3A_545 = arith.cmpi sle, %gather3A_44, %add3A_506 : vector<16xi32>
    %add3A_546 = arith.constant 1 : i32
    %add3A_547 = vector.broadcast %add3A_546 : i32 to vector<16xi32>
    %add3A_548 = arith.addi %select_n3A_544, %add3A_547 : vector<16xi32>
    %select_n3A_549 = arith.select %le3A_545, %add3A_548, %select_n3A_544 : vector<16xi1>, vector<16xi32>
    %swap3A_550 = arith.constant 0 : index
    %swap3A_551 = tpu.vector_load %arg8[%swap3A_550] {strides = array<i32>} : memref<16xi32, #tpu.memory_space<vmem>>, vector<16xi32>,
    %swap3A_552 = vector.shape_cast %swap3A_551 : vector<16xi32> to vector<16xi32>
    %swap3A_553 = vector.shape_cast %select_n3A_549 : vector<16xi32> to vector<16xi32>
    tpu.vector_store %arg8[%swap3A_550], %swap3A_553 {strides = array<i32>} : memref<16xi32, #tpu.memory_space<vmem>>, vector<16xi32>,
    %dma_wait3A_554 = arith.constant 0 : i32
    %dma_wait3A_555 = tpu.memref_slice %arg2[%mul3A_345, %dma_wait3A_554] : memref<8192x1024xf32, #tpu.memory_space<hbm>> -> memref<16x1024xf32, #tpu.memory_space<hbm>>
    %dma_wait3A_556 = arith.constant 0 : i32
    %dma_wait3A_557 = tpu.memref_slice %arg2[%mul3A_345, %dma_wait3A_556] : memref<8192x1024xf32, #tpu.memory_space<hbm>> -> memref<16x1024xf32, #tpu.memory_space<hbm>>
    tpu.wait_dma2 semaphore(%arg21 : memref<!tpu.dma_semaphore, #tpu.memory_space<semaphore_mem>>) src(%dma_wait3A_557 : memref<16x1024xf32, #tpu.memory_space<hbm>>) dst(%arg14 : memref<16x1024xf32, #tpu.memory_space<vmem>>)
    %dma_start3A_558 = arith.constant 0 : i32
    %dma_start3A_559 = arith.constant 0 : i32
    %dma_start3A_560 = tpu.memref_slice %arg5[%dma_start3A_558, %dma_start3A_559] : memref<8200x1024xf32, #tpu.memory_space<hbm>> -> memref<8200x1024xf32, #tpu.memory_space<hbm>>
    tpu.enqueue_indirect_dma source(%arg14 : memref<16x1024xf32, #tpu.memory_space<vmem>>) target(%dma_start3A_560 : memref<8200x1024xf32, #tpu.memory_space<hbm>>) offsets(%arg8 : memref<16xi32, #tpu.memory_space<vmem>>) semaphore(%arg27 : memref<!tpu.dma_semaphore, #tpu.memory_space<semaphore_mem>>)
    %dma_wait3A_561 = arith.constant 0 : i32
    %dma_wait3A_562 = arith.constant 0 : i32
    %dma_wait3A_563 = tpu.memref_slice %arg5[%dma_wait3A_561, %dma_wait3A_562] : memref<8200x1024xf32, #tpu.memory_space<hbm>> -> memref<8200x1024xf32, #tpu.memory_space<hbm>>
    tpu.wait_indirect_dma semaphore(%arg30 : memref<!tpu.dma_semaphore, #tpu.memory_space<semaphore_mem>>) src(%arg17 : memref<16x1024xf32, #tpu.memory_space<vmem>>) dst(%dma_wait3A_563 : memref<8200x1024xf32, #tpu.memory_space<hbm>>)
    %add3A_564 = arith.constant 288 : i32
    %add3A_565 = arith.addi %add3A, %add3A_564 : i32
    %mul3A_566 = arith.constant 16 : i32
    %mul3A_567 = arith.muli %add3A_565, %mul3A_566 : i32
    %dma_start3A_568 = arith.constant 0 : i32
    %dma_start3A_569 = tpu.memref_slice %arg2[%mul3A_567, %dma_start3A_568] : memref<8192x1024xf32, #tpu.memory_space<hbm>> -> memref<16x1024xf32, #tpu.memory_space<hbm>>
    %dma_start3A_570 = arith.constant 0 : i32
    %dma_start3A_571 = tpu.memref_slice %arg2[%mul3A_567, %dma_start3A_570] : memref<8192x1024xf32, #tpu.memory_space<hbm>> -> memref<16x1024xf32, #tpu.memory_space<hbm>>
    tpu.enqueue_dma source(%dma_start3A_571 : memref<16x1024xf32, #tpu.memory_space<hbm>>) target(%arg17 : memref<16x1024xf32, #tpu.memory_space<vmem>>) target_semaphore(%arg24 : memref<!tpu.dma_semaphore, #tpu.memory_space<semaphore_mem>>)
    %add3A_572 = arith.constant 224 : i32
    %add3A_573 = arith.addi %add3A, %add3A_572 : i32
    %mul3A_574 = arith.constant 16 : i32
    %mul3A_575 = arith.muli %add3A_573, %mul3A_574 : i32
    %add3A_576 = arith.constant 0 : i32
    %add3A_577 = arith.addi %mul3A_575, %add3A_576 : i32
    %iota3A_578 = tpu.iota {dimensions = array<i32: 0>} : vector<16xi32>
    %add3A_579 = vector.broadcast %add3A_577 : i32 to vector<16xi32>
    %add3A_580 = arith.addi %add3A_579, %iota3A_578 : vector<16xi32>
    %add3A_581 = arith.constant 1 : i32
    %add3A_582 = vector.broadcast %add3A_581 : i32 to vector<16xi32>
    %add3A_583 = arith.addi %add3A_580, %add3A_582 : vector<16xi32>
    %le3A_584 = arith.cmpi sle, %gather3A_9, %add3A_580 : vector<16xi32>
    %add3A_585 = arith.constant 1 : i32
    %add3A_586 = vector.broadcast %add3A_585 : i32 to vector<16xi32>
    %add3A_587 = arith.addi %add3A_583, %add3A_586 : vector<16xi32>
    %select_n3A_588 = arith.select %le3A_584, %add3A_587, %add3A_583 : vector<16xi1>, vector<16xi32>
    %le3A_589 = arith.cmpi sle, %gather3A_14, %add3A_580 : vector<16xi32>
    %add3A_590 = arith.constant 1 : i32
    %add3A_591 = vector.broadcast %add3A_590 : i32 to vector<16xi32>
    %add3A_592 = arith.addi %select_n3A_588, %add3A_591 : vector<16xi32>
    %select_n3A_593 = arith.select %le3A_589, %add3A_592, %select_n3A_588 : vector<16xi1>, vector<16xi32>
    %le3A_594 = arith.cmpi sle, %gather3A_19, %add3A_580 : vector<16xi32>
    %add3A_595 = arith.constant 1 : i32
    %add3A_596 = vector.broadcast %add3A_595 : i32 to vector<16xi32>
    %add3A_597 = arith.addi %select_n3A_593, %add3A_596 : vector<16xi32>
    %select_n3A_598 = arith.select %le3A_594, %add3A_597, %select_n3A_593 : vector<16xi1>, vector<16xi32>
    %le3A_599 = arith.cmpi sle, %gather3A_24, %add3A_580 : vector<16xi32>
    %add3A_600 = arith.constant 1 : i32
    %add3A_601 = vector.broadcast %add3A_600 : i32 to vector<16xi32>
    %add3A_602 = arith.addi %select_n3A_598, %add3A_601 : vector<16xi32>
    %select_n3A_603 = arith.select %le3A_599, %add3A_602, %select_n3A_598 : vector<16xi1>, vector<16xi32>
    %le3A_604 = arith.cmpi sle, %gather3A_29, %add3A_580 : vector<16xi32>
    %add3A_605 = arith.constant 1 : i32
    %add3A_606 = vector.broadcast %add3A_605 : i32 to vector<16xi32>
    %add3A_607 = arith.addi %select_n3A_603, %add3A_606 : vector<16xi32>
    %select_n3A_608 = arith.select %le3A_604, %add3A_607, %select_n3A_603 : vector<16xi1>, vector<16xi32>
    %le3A_609 = arith.cmpi sle, %gather3A_34, %add3A_580 : vector<16xi32>
    %add3A_610 = arith.constant 1 : i32
    %add3A_611 = vector.broadcast %add3A_610 : i32 to vector<16xi32>
    %add3A_612 = arith.addi %select_n3A_608, %add3A_611 : vector<16xi32>
    %select_n3A_613 = arith.select %le3A_609, %add3A_612, %select_n3A_608 : vector<16xi1>, vector<16xi32>
    %le3A_614 = arith.cmpi sle, %gather3A_39, %add3A_580 : vector<16xi32>
    %add3A_615 = arith.constant 1 : i32
    %add3A_616 = vector.broadcast %add3A_615 : i32 to vector<16xi32>
    %add3A_617 = arith.addi %select_n3A_613, %add3A_616 : vector<16xi32>
    %select_n3A_618 = arith.select %le3A_614, %add3A_617, %select_n3A_613 : vector<16xi1>, vector<16xi32>
    %le3A_619 = arith.cmpi sle, %gather3A_44, %add3A_580 : vector<16xi32>
    %add3A_620 = arith.constant 1 : i32
    %add3A_621 = vector.broadcast %add3A_620 : i32 to vector<16xi32>
    %add3A_622 = arith.addi %select_n3A_618, %add3A_621 : vector<16xi32>
    %select_n3A_623 = arith.select %le3A_619, %add3A_622, %select_n3A_618 : vector<16xi1>, vector<16xi32>
    %swap3A_624 = arith.constant 0 : index
    %swap3A_625 = tpu.vector_load %arg9[%swap3A_624] {strides = array<i32>} : memref<16xi32, #tpu.memory_space<vmem>>, vector<16xi32>,
    %swap3A_626 = vector.shape_cast %swap3A_625 : vector<16xi32> to vector<16xi32>
    %swap3A_627 = vector.shape_cast %select_n3A_623 : vector<16xi32> to vector<16xi32>
    tpu.vector_store %arg9[%swap3A_624], %swap3A_627 {strides = array<i32>} : memref<16xi32, #tpu.memory_space<vmem>>, vector<16xi32>,
    %dma_wait3A_628 = arith.constant 0 : i32
    %dma_wait3A_629 = tpu.memref_slice %arg2[%mul3A_419, %dma_wait3A_628] : memref<8192x1024xf32, #tpu.memory_space<hbm>> -> memref<16x1024xf32, #tpu.memory_space<hbm>>
    %dma_wait3A_630 = arith.constant 0 : i32
    %dma_wait3A_631 = tpu.memref_slice %arg2[%mul3A_419, %dma_wait3A_630] : memref<8192x1024xf32, #tpu.memory_space<hbm>> -> memref<16x1024xf32, #tpu.memory_space<hbm>>
    tpu.wait_dma2 semaphore(%arg22 : memref<!tpu.dma_semaphore, #tpu.memory_space<semaphore_mem>>) src(%dma_wait3A_631 : memref<16x1024xf32, #tpu.memory_space<hbm>>) dst(%arg15 : memref<16x1024xf32, #tpu.memory_space<vmem>>)
    %dma_start3A_632 = arith.constant 0 : i32
    %dma_start3A_633 = arith.constant 0 : i32
    %dma_start3A_634 = tpu.memref_slice %arg5[%dma_start3A_632, %dma_start3A_633] : memref<8200x1024xf32, #tpu.memory_space<hbm>> -> memref<8200x1024xf32, #tpu.memory_space<hbm>>
    tpu.enqueue_indirect_dma source(%arg15 : memref<16x1024xf32, #tpu.memory_space<vmem>>) target(%dma_start3A_634 : memref<8200x1024xf32, #tpu.memory_space<hbm>>) offsets(%arg9 : memref<16xi32, #tpu.memory_space<vmem>>) semaphore(%arg28 : memref<!tpu.dma_semaphore, #tpu.memory_space<semaphore_mem>>)
    %dma_wait3A_635 = arith.constant 0 : i32
    %dma_wait3A_636 = arith.constant 0 : i32
    %dma_wait3A_637 = tpu.memref_slice %arg5[%dma_wait3A_635, %dma_wait3A_636] : memref<8200x1024xf32, #tpu.memory_space<hbm>> -> memref<8200x1024xf32, #tpu.memory_space<hbm>>
    tpu.wait_indirect_dma semaphore(%arg31 : memref<!tpu.dma_semaphore, #tpu.memory_space<semaphore_mem>>) src(%arg18 : memref<16x1024xf32, #tpu.memory_space<vmem>>) dst(%dma_wait3A_637 : memref<8200x1024xf32, #tpu.memory_space<hbm>>)
    %add3A_638 = arith.constant 320 : i32
    %add3A_639 = arith.addi %add3A, %add3A_638 : i32
    %mul3A_640 = arith.constant 16 : i32
    %mul3A_641 = arith.muli %add3A_639, %mul3A_640 : i32
    %dma_start3A_642 = arith.constant 0 : i32
    %dma_start3A_643 = tpu.memref_slice %arg2[%mul3A_641, %dma_start3A_642] : memref<8192x1024xf32, #tpu.memory_space<hbm>> -> memref<16x1024xf32, #tpu.memory_space<hbm>>
    %dma_start3A_644 = arith.constant 0 : i32
    %dma_start3A_645 = tpu.memref_slice %arg2[%mul3A_641, %dma_start3A_644] : memref<8192x1024xf32, #tpu.memory_space<hbm>> -> memref<16x1024xf32, #tpu.memory_space<hbm>>
    tpu.enqueue_dma source(%dma_start3A_645 : memref<16x1024xf32, #tpu.memory_space<hbm>>) target(%arg18 : memref<16x1024xf32, #tpu.memory_space<vmem>>) target_semaphore(%arg25 : memref<!tpu.dma_semaphore, #tpu.memory_space<semaphore_mem>>)
    %add3A_646 = arith.constant 256 : i32
    %add3A_647 = arith.addi %add3A, %add3A_646 : i32
    %mul3A_648 = arith.constant 16 : i32
    %mul3A_649 = arith.muli %add3A_647, %mul3A_648 : i32
    %add3A_650 = arith.constant 0 : i32
    %add3A_651 = arith.addi %mul3A_649, %add3A_650 : i32
    %iota3A_652 = tpu.iota {dimensions = array<i32: 0>} : vector<16xi32>
    %add3A_653 = vector.broadcast %add3A_651 : i32 to vector<16xi32>
    %add3A_654 = arith.addi %add3A_653, %iota3A_652 : vector<16xi32>
    %add3A_655 = arith.constant 1 : i32
    %add3A_656 = vector.broadcast %add3A_655 : i32 to vector<16xi32>
    %add3A_657 = arith.addi %add3A_654, %add3A_656 : vector<16xi32>
    %le3A_658 = arith.cmpi sle, %gather3A_9, %add3A_654 : vector<16xi32>
    %add3A_659 = arith.constant 1 : i32
    %add3A_660 = vector.broadcast %add3A_659 : i32 to vector<16xi32>
    %add3A_661 = arith.addi %add3A_657, %add3A_660 : vector<16xi32>
    %select_n3A_662 = arith.select %le3A_658, %add3A_661, %add3A_657 : vector<16xi1>, vector<16xi32>
    %le3A_663 = arith.cmpi sle, %gather3A_14, %add3A_654 : vector<16xi32>
    %add3A_664 = arith.constant 1 : i32
    %add3A_665 = vector.broadcast %add3A_664 : i32 to vector<16xi32>
    %add3A_666 = arith.addi %select_n3A_662, %add3A_665 : vector<16xi32>
    %select_n3A_667 = arith.select %le3A_663, %add3A_666, %select_n3A_662 : vector<16xi1>, vector<16xi32>
    %le3A_668 = arith.cmpi sle, %gather3A_19, %add3A_654 : vector<16xi32>
    %add3A_669 = arith.constant 1 : i32
    %add3A_670 = vector.broadcast %add3A_669 : i32 to vector<16xi32>
    %add3A_671 = arith.addi %select_n3A_667, %add3A_670 : vector<16xi32>
    %select_n3A_672 = arith.select %le3A_668, %add3A_671, %select_n3A_667 : vector<16xi1>, vector<16xi32>
    %le3A_673 = arith.cmpi sle, %gather3A_24, %add3A_654 : vector<16xi32>
    %add3A_674 = arith.constant 1 : i32
    %add3A_675 = vector.broadcast %add3A_674 : i32 to vector<16xi32>
    %add3A_676 = arith.addi %select_n3A_672, %add3A_675 : vector<16xi32>
    %select_n3A_677 = arith.select %le3A_673, %add3A_676, %select_n3A_672 : vector<16xi1>, vector<16xi32>
    %le3A_678 = arith.cmpi sle, %gather3A_29, %add3A_654 : vector<16xi32>
    %add3A_679 = arith.constant 1 : i32
    %add3A_680 = vector.broadcast %add3A_679 : i32 to vector<16xi32>
    %add3A_681 = arith.addi %select_n3A_677, %add3A_680 : vector<16xi32>
    %select_n3A_682 = arith.select %le3A_678, %add3A_681, %select_n3A_677 : vector<16xi1>, vector<16xi32>
    %le3A_683 = arith.cmpi sle, %gather3A_34, %add3A_654 : vector<16xi32>
    %add3A_684 = arith.constant 1 : i32
    %add3A_685 = vector.broadcast %add3A_684 : i32 to vector<16xi32>
    %add3A_686 = arith.addi %select_n3A_682, %add3A_685 : vector<16xi32>
    %select_n3A_687 = arith.select %le3A_683, %add3A_686, %select_n3A_682 : vector<16xi1>, vector<16xi32>
    %le3A_688 = arith.cmpi sle, %gather3A_39, %add3A_654 : vector<16xi32>
    %add3A_689 = arith.constant 1 : i32
    %add3A_690 = vector.broadcast %add3A_689 : i32 to vector<16xi32>
    %add3A_691 = arith.addi %select_n3A_687, %add3A_690 : vector<16xi32>
    %select_n3A_692 = arith.select %le3A_688, %add3A_691, %select_n3A_687 : vector<16xi1>, vector<16xi32>
    %le3A_693 = arith.cmpi sle, %gather3A_44, %add3A_654 : vector<16xi32>
    %add3A_694 = arith.constant 1 : i32
    %add3A_695 = vector.broadcast %add3A_694 : i32 to vector<16xi32>
    %add3A_696 = arith.addi %select_n3A_692, %add3A_695 : vector<16xi32>
    %select_n3A_697 = arith.select %le3A_693, %add3A_696, %select_n3A_692 : vector<16xi1>, vector<16xi32>
    %swap3A_698 = arith.constant 0 : index
    %swap3A_699 = tpu.vector_load %arg10[%swap3A_698] {strides = array<i32>} : memref<16xi32, #tpu.memory_space<vmem>>, vector<16xi32>,
    %swap3A_700 = vector.shape_cast %swap3A_699 : vector<16xi32> to vector<16xi32>
    %swap3A_701 = vector.shape_cast %select_n3A_697 : vector<16xi32> to vector<16xi32>
    tpu.vector_store %arg10[%swap3A_698], %swap3A_701 {strides = array<i32>} : memref<16xi32, #tpu.memory_space<vmem>>, vector<16xi32>,
    %dma_wait3A_702 = arith.constant 0 : i32
    %dma_wait3A_703 = tpu.memref_slice %arg2[%mul3A_493, %dma_wait3A_702] : memref<8192x1024xf32, #tpu.memory_space<hbm>> -> memref<16x1024xf32, #tpu.memory_space<hbm>>
    %dma_wait3A_704 = arith.constant 0 : i32
    %dma_wait3A_705 = tpu.memref_slice %arg2[%mul3A_493, %dma_wait3A_704] : memref<8192x1024xf32, #tpu.memory_space<hbm>> -> memref<16x1024xf32, #tpu.memory_space<hbm>>
    tpu.wait_dma2 semaphore(%arg23 : memref<!tpu.dma_semaphore, #tpu.memory_space<semaphore_mem>>) src(%dma_wait3A_705 : memref<16x1024xf32, #tpu.memory_space<hbm>>) dst(%arg16 : memref<16x1024xf32, #tpu.memory_space<vmem>>)
    %dma_start3A_706 = arith.constant 0 : i32
    %dma_start3A_707 = arith.constant 0 : i32
    %dma_start3A_708 = tpu.memref_slice %arg5[%dma_start3A_706, %dma_start3A_707] : memref<8200x1024xf32, #tpu.memory_space<hbm>> -> memref<8200x1024xf32, #tpu.memory_space<hbm>>
    tpu.enqueue_indirect_dma source(%arg16 : memref<16x1024xf32, #tpu.memory_space<vmem>>) target(%dma_start3A_708 : memref<8200x1024xf32, #tpu.memory_space<hbm>>) offsets(%arg10 : memref<16xi32, #tpu.memory_space<vmem>>) semaphore(%arg29 : memref<!tpu.dma_semaphore, #tpu.memory_space<semaphore_mem>>)
    %eq3A_709 = arith.constant 1 : i32
    %eq3A_710 = arith.cmpi eq, %add3A, %eq3A_709 : i32
    %convert_element_type3A_711 = arith.extui %eq3A_710 : i1 to i32
    %cond3A_712 = arith.constant 0 : i32
    %cond3A_713 = arith.cmpi ne, %convert_element_type3A_711, %cond3A_712 : i32
    scf.if %cond3A_713 {
      %iota3A_1233 = tpu.iota {dimensions = array<i32: 0>} : vector<16xi32>
      %and3A = arith.constant 7 : i32
      %and3A_1234 = vector.broadcast %and3A : i32 to vector<16xi32>
      %and3A_1235 = arith.andi %iota3A_1233, %and3A_1234 : vector<16xi32>
      %broadcast_in_dim3A_1236 = vector.shape_cast %and3A_1235 : vector<16xi32> to vector<16x1xi32>
      %gather3A_1237 = vector.shape_cast %broadcast_in_dim3A_1236 : vector<16x1xi32> to vector<16xi32>
      %gather3A_1238 = tpu.dynamic_gather %get3A_6[%gather3A_1237] in [0] : vector<16xi32>, vector<16xi32> -> vector<16xi32>
      %add3A_1239 = arith.addi %gather3A_1238, %and3A_1235 : vector<16xi32>
      %swap3A_1240 = arith.constant 0 : index
      %swap3A_1241 = tpu.vector_load %arg7[%swap3A_1240] {strides = array<i32>} : memref<16xi32, #tpu.memory_space<vmem>>, vector<16xi32>,
      %swap3A_1242 = vector.shape_cast %swap3A_1241 : vector<16xi32> to vector<16xi32>
      %swap3A_1243 = vector.shape_cast %add3A_1239 : vector<16xi32> to vector<16xi32>
      tpu.vector_store %arg7[%swap3A_1240], %swap3A_1243 {strides = array<i32>} : memref<16xi32, #tpu.memory_space<vmem>>, vector<16xi32>,
      %dma_wait3A_1244 = arith.constant 0 : i32
      %dma_wait3A_1245 = arith.constant 0 : i32
      %dma_wait3A_1246 = tpu.memref_slice %arg20[%dma_wait3A_1244, %dma_wait3A_1245] : memref<16x1024xf32, #tpu.memory_space<vmem>> -> memref<1x1024xf32, #tpu.memory_space<vmem>>
      %dma_wait3A_1247 = arith.constant 0 : i32
      %dma_wait3A_1248 = arith.constant 0 : i32
      %dma_wait3A_1249 = tpu.memref_slice %arg20[%dma_wait3A_1247, %dma_wait3A_1248] : memref<16x1024xf32, #tpu.memory_space<vmem>> -> memref<1x1024xf32, #tpu.memory_space<vmem>>
      tpu.wait_dma2 semaphore(%arg33 : memref<!tpu.dma_semaphore, #tpu.memory_space<semaphore_mem>>) src(%arg4 : memref<1x1024xf32, #tpu.memory_space<hbm>>) dst(%dma_wait3A_1249 : memref<1x1024xf32, #tpu.memory_space<vmem>>)
      %dma_wait3A_1250 = arith.constant 1 : i32
      %dma_wait3A_1251 = arith.constant 0 : i32
      %dma_wait3A_1252 = tpu.memref_slice %arg20[%dma_wait3A_1250, %dma_wait3A_1251] : memref<16x1024xf32, #tpu.memory_space<vmem>> -> memref<1x1024xf32, #tpu.memory_space<vmem>>
      %dma_wait3A_1253 = arith.constant 1 : i32
      %dma_wait3A_1254 = arith.constant 0 : i32
      %dma_wait3A_1255 = tpu.memref_slice %arg20[%dma_wait3A_1253, %dma_wait3A_1254] : memref<16x1024xf32, #tpu.memory_space<vmem>> -> memref<1x1024xf32, #tpu.memory_space<vmem>>
      tpu.wait_dma2 semaphore(%arg33 : memref<!tpu.dma_semaphore, #tpu.memory_space<semaphore_mem>>) src(%arg4 : memref<1x1024xf32, #tpu.memory_space<hbm>>) dst(%dma_wait3A_1255 : memref<1x1024xf32, #tpu.memory_space<vmem>>)
      %dma_wait3A_1256 = arith.constant 2 : i32
      %dma_wait3A_1257 = arith.constant 0 : i32
      %dma_wait3A_1258 = tpu.memref_slice %arg20[%dma_wait3A_1256, %dma_wait3A_1257] : memref<16x1024xf32, #tpu.memory_space<vmem>> -> memref<1x1024xf32, #tpu.memory_space<vmem>>
      %dma_wait3A_1259 = arith.constant 2 : i32
      %dma_wait3A_1260 = arith.constant 0 : i32
      %dma_wait3A_1261 = tpu.memref_slice %arg20[%dma_wait3A_1259, %dma_wait3A_1260] : memref<16x1024xf32, #tpu.memory_space<vmem>> -> memref<1x1024xf32, #tpu.memory_space<vmem>>
      tpu.wait_dma2 semaphore(%arg33 : memref<!tpu.dma_semaphore, #tpu.memory_space<semaphore_mem>>) src(%arg4 : memref<1x1024xf32, #tpu.memory_space<hbm>>) dst(%dma_wait3A_1261 : memref<1x1024xf32, #tpu.memory_space<vmem>>)
      %dma_wait3A_1262 = arith.constant 3 : i32
      %dma_wait3A_1263 = arith.constant 0 : i32
      %dma_wait3A_1264 = tpu.memref_slice %arg20[%dma_wait3A_1262, %dma_wait3A_1263] : memref<16x1024xf32, #tpu.memory_space<vmem>> -> memref<1x1024xf32, #tpu.memory_space<vmem>>
      %dma_wait3A_1265 = arith.constant 3 : i32
      %dma_wait3A_1266 = arith.constant 0 : i32
      %dma_wait3A_1267 = tpu.memref_slice %arg20[%dma_wait3A_1265, %dma_wait3A_1266] : memref<16x1024xf32, #tpu.memory_space<vmem>> -> memref<1x1024xf32, #tpu.memory_space<vmem>>
      tpu.wait_dma2 semaphore(%arg33 : memref<!tpu.dma_semaphore, #tpu.memory_space<semaphore_mem>>) src(%arg4 : memref<1x1024xf32, #tpu.memory_space<hbm>>) dst(%dma_wait3A_1267 : memref<1x1024xf32, #tpu.memory_space<vmem>>)
      %dma_wait3A_1268 = arith.constant 4 : i32
      %dma_wait3A_1269 = arith.constant 0 : i32
      %dma_wait3A_1270 = tpu.memref_slice %arg20[%dma_wait3A_1268, %dma_wait3A_1269] : memref<16x1024xf32, #tpu.memory_space<vmem>> -> memref<1x1024xf32, #tpu.memory_space<vmem>>
      %dma_wait3A_1271 = arith.constant 4 : i32
      %dma_wait3A_1272 = arith.constant 0 : i32
      %dma_wait3A_1273 = tpu.memref_slice %arg20[%dma_wait3A_1271, %dma_wait3A_1272] : memref<16x1024xf32, #tpu.memory_space<vmem>> -> memref<1x1024xf32, #tpu.memory_space<vmem>>
      tpu.wait_dma2 semaphore(%arg33 : memref<!tpu.dma_semaphore, #tpu.memory_space<semaphore_mem>>) src(%arg4 : memref<1x1024xf32, #tpu.memory_space<hbm>>) dst(%dma_wait3A_1273 : memref<1x1024xf32, #tpu.memory_space<vmem>>)
      %dma_wait3A_1274 = arith.constant 5 : i32
      %dma_wait3A_1275 = arith.constant 0 : i32
      %dma_wait3A_1276 = tpu.memref_slice %arg20[%dma_wait3A_1274, %dma_wait3A_1275] : memref<16x1024xf32, #tpu.memory_space<vmem>> -> memref<1x1024xf32, #tpu.memory_space<vmem>>
      %dma_wait3A_1277 = arith.constant 5 : i32
      %dma_wait3A_1278 = arith.constant 0 : i32
      %dma_wait3A_1279 = tpu.memref_slice %arg20[%dma_wait3A_1277, %dma_wait3A_1278] : memref<16x1024xf32, #tpu.memory_space<vmem>> -> memref<1x1024xf32, #tpu.memory_space<vmem>>
      tpu.wait_dma2 semaphore(%arg33 : memref<!tpu.dma_semaphore, #tpu.memory_space<semaphore_mem>>) src(%arg4 : memref<1x1024xf32, #tpu.memory_space<hbm>>) dst(%dma_wait3A_1279 : memref<1x1024xf32, #tpu.memory_space<vmem>>)
      %dma_wait3A_1280 = arith.constant 6 : i32
      %dma_wait3A_1281 = arith.constant 0 : i32
      %dma_wait3A_1282 = tpu.memref_slice %arg20[%dma_wait3A_1280, %dma_wait3A_1281] : memref<16x1024xf32, #tpu.memory_space<vmem>> -> memref<1x1024xf32, #tpu.memory_space<vmem>>
      %dma_wait3A_1283 = arith.constant 6 : i32
      %dma_wait3A_1284 = arith.constant 0 : i32
      %dma_wait3A_1285 = tpu.memref_slice %arg20[%dma_wait3A_1283, %dma_wait3A_1284] : memref<16x1024xf32, #tpu.memory_space<vmem>> -> memref<1x1024xf32, #tpu.memory_space<vmem>>
      tpu.wait_dma2 semaphore(%arg33 : memref<!tpu.dma_semaphore, #tpu.memory_space<semaphore_mem>>) src(%arg4 : memref<1x1024xf32, #tpu.memory_space<hbm>>) dst(%dma_wait3A_1285 : memref<1x1024xf32, #tpu.memory_space<vmem>>)
      %dma_wait3A_1286 = arith.constant 7 : i32
      %dma_wait3A_1287 = arith.constant 0 : i32
      %dma_wait3A_1288 = tpu.memref_slice %arg20[%dma_wait3A_1286, %dma_wait3A_1287] : memref<16x1024xf32, #tpu.memory_space<vmem>> -> memref<1x1024xf32, #tpu.memory_space<vmem>>
      %dma_wait3A_1289 = arith.constant 7 : i32
      %dma_wait3A_1290 = arith.constant 0 : i32
      %dma_wait3A_1291 = tpu.memref_slice %arg20[%dma_wait3A_1289, %dma_wait3A_1290] : memref<16x1024xf32, #tpu.memory_space<vmem>> -> memref<1x1024xf32, #tpu.memory_space<vmem>>
      tpu.wait_dma2 semaphore(%arg33 : memref<!tpu.dma_semaphore, #tpu.memory_space<semaphore_mem>>) src(%arg4 : memref<1x1024xf32, #tpu.memory_space<hbm>>) dst(%dma_wait3A_1291 : memref<1x1024xf32, #tpu.memory_space<vmem>>)
      %dma_wait3A_1292 = arith.constant 8 : i32
      %dma_wait3A_1293 = arith.constant 0 : i32
      %dma_wait3A_1294 = tpu.memref_slice %arg20[%dma_wait3A_1292, %dma_wait3A_1293] : memref<16x1024xf32, #tpu.memory_space<vmem>> -> memref<1x1024xf32, #tpu.memory_space<vmem>>
      %dma_wait3A_1295 = arith.constant 8 : i32
      %dma_wait3A_1296 = arith.constant 0 : i32
      %dma_wait3A_1297 = tpu.memref_slice %arg20[%dma_wait3A_1295, %dma_wait3A_1296] : memref<16x1024xf32, #tpu.memory_space<vmem>> -> memref<1x1024xf32, #tpu.memory_space<vmem>>
      tpu.wait_dma2 semaphore(%arg33 : memref<!tpu.dma_semaphore, #tpu.memory_space<semaphore_mem>>) src(%arg4 : memref<1x1024xf32, #tpu.memory_space<hbm>>) dst(%dma_wait3A_1297 : memref<1x1024xf32, #tpu.memory_space<vmem>>)
      %dma_wait3A_1298 = arith.constant 9 : i32
      %dma_wait3A_1299 = arith.constant 0 : i32
      %dma_wait3A_1300 = tpu.memref_slice %arg20[%dma_wait3A_1298, %dma_wait3A_1299] : memref<16x1024xf32, #tpu.memory_space<vmem>> -> memref<1x1024xf32, #tpu.memory_space<vmem>>
      %dma_wait3A_1301 = arith.constant 9 : i32
      %dma_wait3A_1302 = arith.constant 0 : i32
      %dma_wait3A_1303 = tpu.memref_slice %arg20[%dma_wait3A_1301, %dma_wait3A_1302] : memref<16x1024xf32, #tpu.memory_space<vmem>> -> memref<1x1024xf32, #tpu.memory_space<vmem>>
      tpu.wait_dma2 semaphore(%arg33 : memref<!tpu.dma_semaphore, #tpu.memory_space<semaphore_mem>>) src(%arg4 : memref<1x1024xf32, #tpu.memory_space<hbm>>) dst(%dma_wait3A_1303 : memref<1x1024xf32, #tpu.memory_space<vmem>>)
      %dma_wait3A_1304 = arith.constant 10 : i32
      %dma_wait3A_1305 = arith.constant 0 : i32
      %dma_wait3A_1306 = tpu.memref_slice %arg20[%dma_wait3A_1304, %dma_wait3A_1305] : memref<16x1024xf32, #tpu.memory_space<vmem>> -> memref<1x1024xf32, #tpu.memory_space<vmem>>
      %dma_wait3A_1307 = arith.constant 10 : i32
      %dma_wait3A_1308 = arith.constant 0 : i32
      %dma_wait3A_1309 = tpu.memref_slice %arg20[%dma_wait3A_1307, %dma_wait3A_1308] : memref<16x1024xf32, #tpu.memory_space<vmem>> -> memref<1x1024xf32, #tpu.memory_space<vmem>>
      tpu.wait_dma2 semaphore(%arg33 : memref<!tpu.dma_semaphore, #tpu.memory_space<semaphore_mem>>) src(%arg4 : memref<1x1024xf32, #tpu.memory_space<hbm>>) dst(%dma_wait3A_1309 : memref<1x1024xf32, #tpu.memory_space<vmem>>)
      %dma_wait3A_1310 = arith.constant 11 : i32
      %dma_wait3A_1311 = arith.constant 0 : i32
      %dma_wait3A_1312 = tpu.memref_slice %arg20[%dma_wait3A_1310, %dma_wait3A_1311] : memref<16x1024xf32, #tpu.memory_space<vmem>> -> memref<1x1024xf32, #tpu.memory_space<vmem>>
      %dma_wait3A_1313 = arith.constant 11 : i32
      %dma_wait3A_1314 = arith.constant 0 : i32
      %dma_wait3A_1315 = tpu.memref_slice %arg20[%dma_wait3A_1313, %dma_wait3A_1314] : memref<16x1024xf32, #tpu.memory_space<vmem>> -> memref<1x1024xf32, #tpu.memory_space<vmem>>
      tpu.wait_dma2 semaphore(%arg33 : memref<!tpu.dma_semaphore, #tpu.memory_space<semaphore_mem>>) src(%arg4 : memref<1x1024xf32, #tpu.memory_space<hbm>>) dst(%dma_wait3A_1315 : memref<1x1024xf32, #tpu.memory_space<vmem>>)
      %dma_wait3A_1316 = arith.constant 12 : i32
      %dma_wait3A_1317 = arith.constant 0 : i32
      %dma_wait3A_1318 = tpu.memref_slice %arg20[%dma_wait3A_1316, %dma_wait3A_1317] : memref<16x1024xf32, #tpu.memory_space<vmem>> -> memref<1x1024xf32, #tpu.memory_space<vmem>>
      %dma_wait3A_1319 = arith.constant 12 : i32
      %dma_wait3A_1320 = arith.constant 0 : i32
      %dma_wait3A_1321 = tpu.memref_slice %arg20[%dma_wait3A_1319, %dma_wait3A_1320] : memref<16x1024xf32, #tpu.memory_space<vmem>> -> memref<1x1024xf32, #tpu.memory_space<vmem>>
      tpu.wait_dma2 semaphore(%arg33 : memref<!tpu.dma_semaphore, #tpu.memory_space<semaphore_mem>>) src(%arg4 : memref<1x1024xf32, #tpu.memory_space<hbm>>) dst(%dma_wait3A_1321 : memref<1x1024xf32, #tpu.memory_space<vmem>>)
      %dma_wait3A_1322 = arith.constant 13 : i32
      %dma_wait3A_1323 = arith.constant 0 : i32
      %dma_wait3A_1324 = tpu.memref_slice %arg20[%dma_wait3A_1322, %dma_wait3A_1323] : memref<16x1024xf32, #tpu.memory_space<vmem>> -> memref<1x1024xf32, #tpu.memory_space<vmem>>
      %dma_wait3A_1325 = arith.constant 13 : i32
      %dma_wait3A_1326 = arith.constant 0 : i32
      %dma_wait3A_1327 = tpu.memref_slice %arg20[%dma_wait3A_1325, %dma_wait3A_1326] : memref<16x1024xf32, #tpu.memory_space<vmem>> -> memref<1x1024xf32, #tpu.memory_space<vmem>>
      tpu.wait_dma2 semaphore(%arg33 : memref<!tpu.dma_semaphore, #tpu.memory_space<semaphore_mem>>) src(%arg4 : memref<1x1024xf32, #tpu.memory_space<hbm>>) dst(%dma_wait3A_1327 : memref<1x1024xf32, #tpu.memory_space<vmem>>)
      %dma_wait3A_1328 = arith.constant 14 : i32
      %dma_wait3A_1329 = arith.constant 0 : i32
      %dma_wait3A_1330 = tpu.memref_slice %arg20[%dma_wait3A_1328, %dma_wait3A_1329] : memref<16x1024xf32, #tpu.memory_space<vmem>> -> memref<1x1024xf32, #tpu.memory_space<vmem>>
      %dma_wait3A_1331 = arith.constant 14 : i32
      %dma_wait3A_1332 = arith.constant 0 : i32
      %dma_wait3A_1333 = tpu.memref_slice %arg20[%dma_wait3A_1331, %dma_wait3A_1332] : memref<16x1024xf32, #tpu.memory_space<vmem>> -> memref<1x1024xf32, #tpu.memory_space<vmem>>
      tpu.wait_dma2 semaphore(%arg33 : memref<!tpu.dma_semaphore, #tpu.memory_space<semaphore_mem>>) src(%arg4 : memref<1x1024xf32, #tpu.memory_space<hbm>>) dst(%dma_wait3A_1333 : memref<1x1024xf32, #tpu.memory_space<vmem>>)
      %dma_wait3A_1334 = arith.constant 15 : i32
      %dma_wait3A_1335 = arith.constant 0 : i32
      %dma_wait3A_1336 = tpu.memref_slice %arg20[%dma_wait3A_1334, %dma_wait3A_1335] : memref<16x1024xf32, #tpu.memory_space<vmem>> -> memref<1x1024xf32, #tpu.memory_space<vmem>>
      %dma_wait3A_1337 = arith.constant 15 : i32
      %dma_wait3A_1338 = arith.constant 0 : i32
      %dma_wait3A_1339 = tpu.memref_slice %arg20[%dma_wait3A_1337, %dma_wait3A_1338] : memref<16x1024xf32, #tpu.memory_space<vmem>> -> memref<1x1024xf32, #tpu.memory_space<vmem>>
      tpu.wait_dma2 semaphore(%arg33 : memref<!tpu.dma_semaphore, #tpu.memory_space<semaphore_mem>>) src(%arg4 : memref<1x1024xf32, #tpu.memory_space<hbm>>) dst(%dma_wait3A_1339 : memref<1x1024xf32, #tpu.memory_space<vmem>>)
      %dma_start3A_1340 = arith.constant 0 : i32
      %dma_start3A_1341 = arith.constant 0 : i32
      %dma_start3A_1342 = tpu.memref_slice %arg5[%dma_start3A_1340, %dma_start3A_1341] : memref<8200x1024xf32, #tpu.memory_space<hbm>> -> memref<8200x1024xf32, #tpu.memory_space<hbm>>
      tpu.enqueue_indirect_dma source(%arg20 : memref<16x1024xf32, #tpu.memory_space<vmem>>) target(%dma_start3A_1342 : memref<8200x1024xf32, #tpu.memory_space<hbm>>) offsets(%arg7 : memref<16xi32, #tpu.memory_space<vmem>>) semaphore(%arg33 : memref<!tpu.dma_semaphore, #tpu.memory_space<semaphore_mem>>)
    } else {
    }
    %dma_wait3A_714 = arith.constant 0 : i32
    %dma_wait3A_715 = arith.constant 0 : i32
    %dma_wait3A_716 = tpu.memref_slice %arg5[%dma_wait3A_714, %dma_wait3A_715] : memref<8200x1024xf32, #tpu.memory_space<hbm>> -> memref<8200x1024xf32, #tpu.memory_space<hbm>>
    tpu.wait_indirect_dma semaphore(%arg32 : memref<!tpu.dma_semaphore, #tpu.memory_space<semaphore_mem>>) src(%arg19 : memref<16x1024xf32, #tpu.memory_space<vmem>>) dst(%dma_wait3A_716 : memref<8200x1024xf32, #tpu.memory_space<hbm>>)
    %add3A_717 = arith.constant 352 : i32
    %add3A_718 = arith.addi %add3A, %add3A_717 : i32
    %mul3A_719 = arith.constant 16 : i32
    %mul3A_720 = arith.muli %add3A_718, %mul3A_719 : i32
    %dma_start3A_721 = arith.constant 0 : i32
    %dma_start3A_722 = tpu.memref_slice %arg2[%mul3A_720, %dma_start3A_721] : memref<8192x1024xf32, #tpu.memory_space<hbm>> -> memref<16x1024xf32, #tpu.memory_space<hbm>>
    %dma_start3A_723 = arith.constant 0 : i32
    %dma_start3A_724 = tpu.memref_slice %arg2[%mul3A_720, %dma_start3A_723] : memref<8192x1024xf32, #tpu.memory_space<hbm>> -> memref<16x1024xf32, #tpu.memory_space<hbm>>
    tpu.enqueue_dma source(%dma_start3A_724 : memref<16x1024xf32, #tpu.memory_space<hbm>>) target(%arg19 : memref<16x1024xf32, #tpu.memory_space<vmem>>) target_semaphore(%arg26 : memref<!tpu.dma_semaphore, #tpu.memory_space<semaphore_mem>>)
    %add3A_725 = arith.constant 288 : i32
    %add3A_726 = arith.addi %add3A, %add3A_725 : i32
    %mul3A_727 = arith.constant 16 : i32
    %mul3A_728 = arith.muli %add3A_726, %mul3A_727 : i32
    %add3A_729 = arith.constant 0 : i32
    %add3A_730 = arith.addi %mul3A_728, %add3A_729 : i32
    %iota3A_731 = tpu.iota {dimensions = array<i32: 0>} : vector<16xi32>
    %add3A_732 = vector.broadcast %add3A_730 : i32 to vector<16xi32>
    %add3A_733 = arith.addi %add3A_732, %iota3A_731 : vector<16xi32>
    %add3A_734 = arith.constant 1 : i32
    %add3A_735 = vector.broadcast %add3A_734 : i32 to vector<16xi32>
    %add3A_736 = arith.addi %add3A_733, %add3A_735 : vector<16xi32>
    %le3A_737 = arith.cmpi sle, %gather3A_9, %add3A_733 : vector<16xi32>
    %add3A_738 = arith.constant 1 : i32
    %add3A_739 = vector.broadcast %add3A_738 : i32 to vector<16xi32>
    %add3A_740 = arith.addi %add3A_736, %add3A_739 : vector<16xi32>
    %select_n3A_741 = arith.select %le3A_737, %add3A_740, %add3A_736 : vector<16xi1>, vector<16xi32>
    %le3A_742 = arith.cmpi sle, %gather3A_14, %add3A_733 : vector<16xi32>
    %add3A_743 = arith.constant 1 : i32
    %add3A_744 = vector.broadcast %add3A_743 : i32 to vector<16xi32>
    %add3A_745 = arith.addi %select_n3A_741, %add3A_744 : vector<16xi32>
    %select_n3A_746 = arith.select %le3A_742, %add3A_745, %select_n3A_741 : vector<16xi1>, vector<16xi32>
    %le3A_747 = arith.cmpi sle, %gather3A_19, %add3A_733 : vector<16xi32>
    %add3A_748 = arith.constant 1 : i32
    %add3A_749 = vector.broadcast %add3A_748 : i32 to vector<16xi32>
    %add3A_750 = arith.addi %select_n3A_746, %add3A_749 : vector<16xi32>
    %select_n3A_751 = arith.select %le3A_747, %add3A_750, %select_n3A_746 : vector<16xi1>, vector<16xi32>
    %le3A_752 = arith.cmpi sle, %gather3A_24, %add3A_733 : vector<16xi32>
    %add3A_753 = arith.constant 1 : i32
    %add3A_754 = vector.broadcast %add3A_753 : i32 to vector<16xi32>
    %add3A_755 = arith.addi %select_n3A_751, %add3A_754 : vector<16xi32>
    %select_n3A_756 = arith.select %le3A_752, %add3A_755, %select_n3A_751 : vector<16xi1>, vector<16xi32>
    %le3A_757 = arith.cmpi sle, %gather3A_29, %add3A_733 : vector<16xi32>
    %add3A_758 = arith.constant 1 : i32
    %add3A_759 = vector.broadcast %add3A_758 : i32 to vector<16xi32>
    %add3A_760 = arith.addi %select_n3A_756, %add3A_759 : vector<16xi32>
    %select_n3A_761 = arith.select %le3A_757, %add3A_760, %select_n3A_756 : vector<16xi1>, vector<16xi32>
    %le3A_762 = arith.cmpi sle, %gather3A_34, %add3A_733 : vector<16xi32>
    %add3A_763 = arith.constant 1 : i32
    %add3A_764 = vector.broadcast %add3A_763 : i32 to vector<16xi32>
    %add3A_765 = arith.addi %select_n3A_761, %add3A_764 : vector<16xi32>
    %select_n3A_766 = arith.select %le3A_762, %add3A_765, %select_n3A_761 : vector<16xi1>, vector<16xi32>
    %le3A_767 = arith.cmpi sle, %gather3A_39, %add3A_733 : vector<16xi32>
    %add3A_768 = arith.constant 1 : i32
    %add3A_769 = vector.broadcast %add3A_768 : i32 to vector<16xi32>
    %add3A_770 = arith.addi %select_n3A_766, %add3A_769 : vector<16xi32>
    %select_n3A_771 = arith.select %le3A_767, %add3A_770, %select_n3A_766 : vector<16xi1>, vector<16xi32>
    %le3A_772 = arith.cmpi sle, %gather3A_44, %add3A_733 : vector<16xi32>
    %add3A_773 = arith.constant 1 : i32
    %add3A_774 = vector.broadcast %add3A_773 : i32 to vector<16xi32>
    %add3A_775 = arith.addi %select_n3A_771, %add3A_774 : vector<16xi32>
    %select_n3A_776 = arith.select %le3A_772, %add3A_775, %select_n3A_771 : vector<16xi1>, vector<16xi32>
    %swap3A_777 = arith.constant 0 : index
    %swap3A_778 = tpu.vector_load %arg11[%swap3A_777] {strides = array<i32>} : memref<16xi32, #tpu.memory_space<vmem>>, vector<16xi32>,
    %swap3A_779 = vector.shape_cast %swap3A_778 : vector<16xi32> to vector<16xi32>
    %swap3A_780 = vector.shape_cast %select_n3A_776 : vector<16xi32> to vector<16xi32>
    tpu.vector_store %arg11[%swap3A_777], %swap3A_780 {strides = array<i32>} : memref<16xi32, #tpu.memory_space<vmem>>, vector<16xi32>,
    %dma_wait3A_781 = arith.constant 0 : i32
    %dma_wait3A_782 = tpu.memref_slice %arg2[%mul3A_567, %dma_wait3A_781] : memref<8192x1024xf32, #tpu.memory_space<hbm>> -> memref<16x1024xf32, #tpu.memory_space<hbm>>
    %dma_wait3A_783 = arith.constant 0 : i32
    %dma_wait3A_784 = tpu.memref_slice %arg2[%mul3A_567, %dma_wait3A_783] : memref<8192x1024xf32, #tpu.memory_space<hbm>> -> memref<16x1024xf32, #tpu.memory_space<hbm>>
    tpu.wait_dma2 semaphore(%arg24 : memref<!tpu.dma_semaphore, #tpu.memory_space<semaphore_mem>>) src(%dma_wait3A_784 : memref<16x1024xf32, #tpu.memory_space<hbm>>) dst(%arg17 : memref<16x1024xf32, #tpu.memory_space<vmem>>)
    %dma_start3A_785 = arith.constant 0 : i32
    %dma_start3A_786 = arith.constant 0 : i32
    %dma_start3A_787 = tpu.memref_slice %arg5[%dma_start3A_785, %dma_start3A_786] : memref<8200x1024xf32, #tpu.memory_space<hbm>> -> memref<8200x1024xf32, #tpu.memory_space<hbm>>
    tpu.enqueue_indirect_dma source(%arg17 : memref<16x1024xf32, #tpu.memory_space<vmem>>) target(%dma_start3A_787 : memref<8200x1024xf32, #tpu.memory_space<hbm>>) offsets(%arg11 : memref<16xi32, #tpu.memory_space<vmem>>) semaphore(%arg30 : memref<!tpu.dma_semaphore, #tpu.memory_space<semaphore_mem>>)
    %dma_wait3A_788 = arith.constant 0 : i32
    %dma_wait3A_789 = arith.constant 0 : i32
    %dma_wait3A_790 = tpu.memref_slice %arg5[%dma_wait3A_788, %dma_wait3A_789] : memref<8200x1024xf32, #tpu.memory_space<hbm>> -> memref<8200x1024xf32, #tpu.memory_space<hbm>>
    tpu.wait_indirect_dma semaphore(%arg27 : memref<!tpu.dma_semaphore, #tpu.memory_space<semaphore_mem>>) src(%arg14 : memref<16x1024xf32, #tpu.memory_space<vmem>>) dst(%dma_wait3A_790 : memref<8200x1024xf32, #tpu.memory_space<hbm>>)
    %add3A_791 = arith.constant 384 : i32
    %add3A_792 = arith.addi %add3A, %add3A_791 : i32
    %mul3A_793 = arith.constant 16 : i32
    %mul3A_794 = arith.muli %add3A_792, %mul3A_793 : i32
    %dma_start3A_795 = arith.constant 0 : i32
    %dma_start3A_796 = tpu.memref_slice %arg2[%mul3A_794, %dma_start3A_795] : memref<8192x1024xf32, #tpu.memory_space<hbm>> -> memref<16x1024xf32, #tpu.memory_space<hbm>>
    %dma_start3A_797 = arith.constant 0 : i32
    %dma_start3A_798 = tpu.memref_slice %arg2[%mul3A_794, %dma_start3A_797] : memref<8192x1024xf32, #tpu.memory_space<hbm>> -> memref<16x1024xf32, #tpu.memory_space<hbm>>
    tpu.enqueue_dma source(%dma_start3A_798 : memref<16x1024xf32, #tpu.memory_space<hbm>>) target(%arg14 : memref<16x1024xf32, #tpu.memory_space<vmem>>) target_semaphore(%arg21 : memref<!tpu.dma_semaphore, #tpu.memory_space<semaphore_mem>>)
    %add3A_799 = arith.constant 320 : i32
    %add3A_800 = arith.addi %add3A, %add3A_799 : i32
    %mul3A_801 = arith.constant 16 : i32
    %mul3A_802 = arith.muli %add3A_800, %mul3A_801 : i32
    %add3A_803 = arith.constant 0 : i32
    %add3A_804 = arith.addi %mul3A_802, %add3A_803 : i32
    %iota3A_805 = tpu.iota {dimensions = array<i32: 0>} : vector<16xi32>
    %add3A_806 = vector.broadcast %add3A_804 : i32 to vector<16xi32>
    %add3A_807 = arith.addi %add3A_806, %iota3A_805 : vector<16xi32>
    %add3A_808 = arith.constant 1 : i32
    %add3A_809 = vector.broadcast %add3A_808 : i32 to vector<16xi32>
    %add3A_810 = arith.addi %add3A_807, %add3A_809 : vector<16xi32>
    %le3A_811 = arith.cmpi sle, %gather3A_9, %add3A_807 : vector<16xi32>
    %add3A_812 = arith.constant 1 : i32
    %add3A_813 = vector.broadcast %add3A_812 : i32 to vector<16xi32>
    %add3A_814 = arith.addi %add3A_810, %add3A_813 : vector<16xi32>
    %select_n3A_815 = arith.select %le3A_811, %add3A_814, %add3A_810 : vector<16xi1>, vector<16xi32>
    %le3A_816 = arith.cmpi sle, %gather3A_14, %add3A_807 : vector<16xi32>
    %add3A_817 = arith.constant 1 : i32
    %add3A_818 = vector.broadcast %add3A_817 : i32 to vector<16xi32>
    %add3A_819 = arith.addi %select_n3A_815, %add3A_818 : vector<16xi32>
    %select_n3A_820 = arith.select %le3A_816, %add3A_819, %select_n3A_815 : vector<16xi1>, vector<16xi32>
    %le3A_821 = arith.cmpi sle, %gather3A_19, %add3A_807 : vector<16xi32>
    %add3A_822 = arith.constant 1 : i32
    %add3A_823 = vector.broadcast %add3A_822 : i32 to vector<16xi32>
    %add3A_824 = arith.addi %select_n3A_820, %add3A_823 : vector<16xi32>
    %select_n3A_825 = arith.select %le3A_821, %add3A_824, %select_n3A_820 : vector<16xi1>, vector<16xi32>
    %le3A_826 = arith.cmpi sle, %gather3A_24, %add3A_807 : vector<16xi32>
    %add3A_827 = arith.constant 1 : i32
    %add3A_828 = vector.broadcast %add3A_827 : i32 to vector<16xi32>
    %add3A_829 = arith.addi %select_n3A_825, %add3A_828 : vector<16xi32>
    %select_n3A_830 = arith.select %le3A_826, %add3A_829, %select_n3A_825 : vector<16xi1>, vector<16xi32>
    %le3A_831 = arith.cmpi sle, %gather3A_29, %add3A_807 : vector<16xi32>
    %add3A_832 = arith.constant 1 : i32
    %add3A_833 = vector.broadcast %add3A_832 : i32 to vector<16xi32>
    %add3A_834 = arith.addi %select_n3A_830, %add3A_833 : vector<16xi32>
    %select_n3A_835 = arith.select %le3A_831, %add3A_834, %select_n3A_830 : vector<16xi1>, vector<16xi32>
    %le3A_836 = arith.cmpi sle, %gather3A_34, %add3A_807 : vector<16xi32>
    %add3A_837 = arith.constant 1 : i32
    %add3A_838 = vector.broadcast %add3A_837 : i32 to vector<16xi32>
    %add3A_839 = arith.addi %select_n3A_835, %add3A_838 : vector<16xi32>
    %select_n3A_840 = arith.select %le3A_836, %add3A_839, %select_n3A_835 : vector<16xi1>, vector<16xi32>
    %le3A_841 = arith.cmpi sle, %gather3A_39, %add3A_807 : vector<16xi32>
    %add3A_842 = arith.constant 1 : i32
    %add3A_843 = vector.broadcast %add3A_842 : i32 to vector<16xi32>
    %add3A_844 = arith.addi %select_n3A_840, %add3A_843 : vector<16xi32>
    %select_n3A_845 = arith.select %le3A_841, %add3A_844, %select_n3A_840 : vector<16xi1>, vector<16xi32>
    %le3A_846 = arith.cmpi sle, %gather3A_44, %add3A_807 : vector<16xi32>
    %add3A_847 = arith.constant 1 : i32
    %add3A_848 = vector.broadcast %add3A_847 : i32 to vector<16xi32>
    %add3A_849 = arith.addi %select_n3A_845, %add3A_848 : vector<16xi32>
    %select_n3A_850 = arith.select %le3A_846, %add3A_849, %select_n3A_845 : vector<16xi1>, vector<16xi32>
    %swap3A_851 = arith.constant 0 : index
    %swap3A_852 = tpu.vector_load %arg12[%swap3A_851] {strides = array<i32>} : memref<16xi32, #tpu.memory_space<vmem>>, vector<16xi32>,
    %swap3A_853 = vector.shape_cast %swap3A_852 : vector<16xi32> to vector<16xi32>
    %swap3A_854 = vector.shape_cast %select_n3A_850 : vector<16xi32> to vector<16xi32>
    tpu.vector_store %arg12[%swap3A_851], %swap3A_854 {strides = array<i32>} : memref<16xi32, #tpu.memory_space<vmem>>, vector<16xi32>,
    %dma_wait3A_855 = arith.constant 0 : i32
    %dma_wait3A_856 = tpu.memref_slice %arg2[%mul3A_641, %dma_wait3A_855] : memref<8192x1024xf32, #tpu.memory_space<hbm>> -> memref<16x1024xf32, #tpu.memory_space<hbm>>
    %dma_wait3A_857 = arith.constant 0 : i32
    %dma_wait3A_858 = tpu.memref_slice %arg2[%mul3A_641, %dma_wait3A_857] : memref<8192x1024xf32, #tpu.memory_space<hbm>> -> memref<16x1024xf32, #tpu.memory_space<hbm>>
    tpu.wait_dma2 semaphore(%arg25 : memref<!tpu.dma_semaphore, #tpu.memory_space<semaphore_mem>>) src(%dma_wait3A_858 : memref<16x1024xf32, #tpu.memory_space<hbm>>) dst(%arg18 : memref<16x1024xf32, #tpu.memory_space<vmem>>)
    %dma_start3A_859 = arith.constant 0 : i32
    %dma_start3A_860 = arith.constant 0 : i32
    %dma_start3A_861 = tpu.memref_slice %arg5[%dma_start3A_859, %dma_start3A_860] : memref<8200x1024xf32, #tpu.memory_space<hbm>> -> memref<8200x1024xf32, #tpu.memory_space<hbm>>
    tpu.enqueue_indirect_dma source(%arg18 : memref<16x1024xf32, #tpu.memory_space<vmem>>) target(%dma_start3A_861 : memref<8200x1024xf32, #tpu.memory_space<hbm>>) offsets(%arg12 : memref<16xi32, #tpu.memory_space<vmem>>) semaphore(%arg31 : memref<!tpu.dma_semaphore, #tpu.memory_space<semaphore_mem>>)
    %dma_wait3A_862 = arith.constant 0 : i32
    %dma_wait3A_863 = arith.constant 0 : i32
    %dma_wait3A_864 = tpu.memref_slice %arg5[%dma_wait3A_862, %dma_wait3A_863] : memref<8200x1024xf32, #tpu.memory_space<hbm>> -> memref<8200x1024xf32, #tpu.memory_space<hbm>>
    tpu.wait_indirect_dma semaphore(%arg28 : memref<!tpu.dma_semaphore, #tpu.memory_space<semaphore_mem>>) src(%arg15 : memref<16x1024xf32, #tpu.memory_space<vmem>>) dst(%dma_wait3A_864 : memref<8200x1024xf32, #tpu.memory_space<hbm>>)
    %add3A_865 = arith.constant 416 : i32
    %add3A_866 = arith.addi %add3A, %add3A_865 : i32
    %mul3A_867 = arith.constant 16 : i32
    %mul3A_868 = arith.muli %add3A_866, %mul3A_867 : i32
    %dma_start3A_869 = arith.constant 0 : i32
    %dma_start3A_870 = tpu.memref_slice %arg2[%mul3A_868, %dma_start3A_869] : memref<8192x1024xf32, #tpu.memory_space<hbm>> -> memref<16x1024xf32, #tpu.memory_space<hbm>>
    %dma_start3A_871 = arith.constant 0 : i32
    %dma_start3A_872 = tpu.memref_slice %arg2[%mul3A_868, %dma_start3A_871] : memref<8192x1024xf32, #tpu.memory_space<hbm>> -> memref<16x1024xf32, #tpu.memory_space<hbm>>
    tpu.enqueue_dma source(%dma_start3A_872 : memref<16x1024xf32, #tpu.memory_space<hbm>>) target(%arg15 : memref<16x1024xf32, #tpu.memory_space<vmem>>) target_semaphore(%arg22 : memref<!tpu.dma_semaphore, #tpu.memory_space<semaphore_mem>>)
    %add3A_873 = arith.constant 352 : i32
    %add3A_874 = arith.addi %add3A, %add3A_873 : i32
    %mul3A_875 = arith.constant 16 : i32
    %mul3A_876 = arith.muli %add3A_874, %mul3A_875 : i32
    %add3A_877 = arith.constant 0 : i32
    %add3A_878 = arith.addi %mul3A_876, %add3A_877 : i32
    %iota3A_879 = tpu.iota {dimensions = array<i32: 0>} : vector<16xi32>
    %add3A_880 = vector.broadcast %add3A_878 : i32 to vector<16xi32>
    %add3A_881 = arith.addi %add3A_880, %iota3A_879 : vector<16xi32>
    %add3A_882 = arith.constant 1 : i32
    %add3A_883 = vector.broadcast %add3A_882 : i32 to vector<16xi32>
    %add3A_884 = arith.addi %add3A_881, %add3A_883 : vector<16xi32>
    %le3A_885 = arith.cmpi sle, %gather3A_9, %add3A_881 : vector<16xi32>
    %add3A_886 = arith.constant 1 : i32
    %add3A_887 = vector.broadcast %add3A_886 : i32 to vector<16xi32>
    %add3A_888 = arith.addi %add3A_884, %add3A_887 : vector<16xi32>
    %select_n3A_889 = arith.select %le3A_885, %add3A_888, %add3A_884 : vector<16xi1>, vector<16xi32>
    %le3A_890 = arith.cmpi sle, %gather3A_14, %add3A_881 : vector<16xi32>
    %add3A_891 = arith.constant 1 : i32
    %add3A_892 = vector.broadcast %add3A_891 : i32 to vector<16xi32>
    %add3A_893 = arith.addi %select_n3A_889, %add3A_892 : vector<16xi32>
    %select_n3A_894 = arith.select %le3A_890, %add3A_893, %select_n3A_889 : vector<16xi1>, vector<16xi32>
    %le3A_895 = arith.cmpi sle, %gather3A_19, %add3A_881 : vector<16xi32>
    %add3A_896 = arith.constant 1 : i32
    %add3A_897 = vector.broadcast %add3A_896 : i32 to vector<16xi32>
    %add3A_898 = arith.addi %select_n3A_894, %add3A_897 : vector<16xi32>
    %select_n3A_899 = arith.select %le3A_895, %add3A_898, %select_n3A_894 : vector<16xi1>, vector<16xi32>
    %le3A_900 = arith.cmpi sle, %gather3A_24, %add3A_881 : vector<16xi32>
    %add3A_901 = arith.constant 1 : i32
    %add3A_902 = vector.broadcast %add3A_901 : i32 to vector<16xi32>
    %add3A_903 = arith.addi %select_n3A_899, %add3A_902 : vector<16xi32>
    %select_n3A_904 = arith.select %le3A_900, %add3A_903, %select_n3A_899 : vector<16xi1>, vector<16xi32>
    %le3A_905 = arith.cmpi sle, %gather3A_29, %add3A_881 : vector<16xi32>
    %add3A_906 = arith.constant 1 : i32
    %add3A_907 = vector.broadcast %add3A_906 : i32 to vector<16xi32>
    %add3A_908 = arith.addi %select_n3A_904, %add3A_907 : vector<16xi32>
    %select_n3A_909 = arith.select %le3A_905, %add3A_908, %select_n3A_904 : vector<16xi1>, vector<16xi32>
    %le3A_910 = arith.cmpi sle, %gather3A_34, %add3A_881 : vector<16xi32>
    %add3A_911 = arith.constant 1 : i32
    %add3A_912 = vector.broadcast %add3A_911 : i32 to vector<16xi32>
    %add3A_913 = arith.addi %select_n3A_909, %add3A_912 : vector<16xi32>
    %select_n3A_914 = arith.select %le3A_910, %add3A_913, %select_n3A_909 : vector<16xi1>, vector<16xi32>
    %le3A_915 = arith.cmpi sle, %gather3A_39, %add3A_881 : vector<16xi32>
    %add3A_916 = arith.constant 1 : i32
    %add3A_917 = vector.broadcast %add3A_916 : i32 to vector<16xi32>
    %add3A_918 = arith.addi %select_n3A_914, %add3A_917 : vector<16xi32>
    %select_n3A_919 = arith.select %le3A_915, %add3A_918, %select_n3A_914 : vector<16xi1>, vector<16xi32>
    %le3A_920 = arith.cmpi sle, %gather3A_44, %add3A_881 : vector<16xi32>
    %add3A_921 = arith.constant 1 : i32
    %add3A_922 = vector.broadcast %add3A_921 : i32 to vector<16xi32>
    %add3A_923 = arith.addi %select_n3A_919, %add3A_922 : vector<16xi32>
    %select_n3A_924 = arith.select %le3A_920, %add3A_923, %select_n3A_919 : vector<16xi1>, vector<16xi32>
    %swap3A_925 = arith.constant 0 : index
    %swap3A_926 = tpu.vector_load %arg13[%swap3A_925] {strides = array<i32>} : memref<16xi32, #tpu.memory_space<vmem>>, vector<16xi32>,
    %swap3A_927 = vector.shape_cast %swap3A_926 : vector<16xi32> to vector<16xi32>
    %swap3A_928 = vector.shape_cast %select_n3A_924 : vector<16xi32> to vector<16xi32>
    tpu.vector_store %arg13[%swap3A_925], %swap3A_928 {strides = array<i32>} : memref<16xi32, #tpu.memory_space<vmem>>, vector<16xi32>,
    %dma_wait3A_929 = arith.constant 0 : i32
    %dma_wait3A_930 = tpu.memref_slice %arg2[%mul3A_720, %dma_wait3A_929] : memref<8192x1024xf32, #tpu.memory_space<hbm>> -> memref<16x1024xf32, #tpu.memory_space<hbm>>
    %dma_wait3A_931 = arith.constant 0 : i32
    %dma_wait3A_932 = tpu.memref_slice %arg2[%mul3A_720, %dma_wait3A_931] : memref<8192x1024xf32, #tpu.memory_space<hbm>> -> memref<16x1024xf32, #tpu.memory_space<hbm>>
    tpu.wait_dma2 semaphore(%arg26 : memref<!tpu.dma_semaphore, #tpu.memory_space<semaphore_mem>>) src(%dma_wait3A_932 : memref<16x1024xf32, #tpu.memory_space<hbm>>) dst(%arg19 : memref<16x1024xf32, #tpu.memory_space<vmem>>)
    %dma_start3A_933 = arith.constant 0 : i32
    %dma_start3A_934 = arith.constant 0 : i32
    %dma_start3A_935 = tpu.memref_slice %arg5[%dma_start3A_933, %dma_start3A_934] : memref<8200x1024xf32, #tpu.memory_space<hbm>> -> memref<8200x1024xf32, #tpu.memory_space<hbm>>
    tpu.enqueue_indirect_dma source(%arg19 : memref<16x1024xf32, #tpu.memory_space<vmem>>) target(%dma_start3A_935 : memref<8200x1024xf32, #tpu.memory_space<hbm>>) offsets(%arg13 : memref<16xi32, #tpu.memory_space<vmem>>) semaphore(%arg32 : memref<!tpu.dma_semaphore, #tpu.memory_space<semaphore_mem>>)
    %dma_wait3A_936 = arith.constant 0 : i32
    %dma_wait3A_937 = arith.constant 0 : i32
    %dma_wait3A_938 = tpu.memref_slice %arg5[%dma_wait3A_936, %dma_wait3A_937] : memref<8200x1024xf32, #tpu.memory_space<hbm>> -> memref<8200x1024xf32, #tpu.memory_space<hbm>>
    tpu.wait_indirect_dma semaphore(%arg29 : memref<!tpu.dma_semaphore, #tpu.memory_space<semaphore_mem>>) src(%arg16 : memref<16x1024xf32, #tpu.memory_space<vmem>>) dst(%dma_wait3A_938 : memref<8200x1024xf32, #tpu.memory_space<hbm>>)
    %add3A_939 = arith.constant 448 : i32
    %add3A_940 = arith.addi %add3A, %add3A_939 : i32
    %mul3A_941 = arith.constant 16 : i32
    %mul3A_942 = arith.muli %add3A_940, %mul3A_941 : i32
    %dma_start3A_943 = arith.constant 0 : i32
    %dma_start3A_944 = tpu.memref_slice %arg2[%mul3A_942, %dma_start3A_943] : memref<8192x1024xf32, #tpu.memory_space<hbm>> -> memref<16x1024xf32, #tpu.memory_space<hbm>>
    %dma_start3A_945 = arith.constant 0 : i32
    %dma_start3A_946 = tpu.memref_slice %arg2[%mul3A_942, %dma_start3A_945] : memref<8192x1024xf32, #tpu.memory_space<hbm>> -> memref<16x1024xf32, #tpu.memory_space<hbm>>
    tpu.enqueue_dma source(%dma_start3A_946 : memref<16x1024xf32, #tpu.memory_space<hbm>>) target(%arg16 : memref<16x1024xf32, #tpu.memory_space<vmem>>) target_semaphore(%arg23 : memref<!tpu.dma_semaphore, #tpu.memory_space<semaphore_mem>>)
    %add3A_947 = arith.constant 384 : i32
    %add3A_948 = arith.addi %add3A, %add3A_947 : i32
    %mul3A_949 = arith.constant 16 : i32
    %mul3A_950 = arith.muli %add3A_948, %mul3A_949 : i32
    %add3A_951 = arith.constant 0 : i32
    %add3A_952 = arith.addi %mul3A_950, %add3A_951 : i32
    %iota3A_953 = tpu.iota {dimensions = array<i32: 0>} : vector<16xi32>
    %add3A_954 = vector.broadcast %add3A_952 : i32 to vector<16xi32>
    %add3A_955 = arith.addi %add3A_954, %iota3A_953 : vector<16xi32>
    %add3A_956 = arith.constant 1 : i32
    %add3A_957 = vector.broadcast %add3A_956 : i32 to vector<16xi32>
    %add3A_958 = arith.addi %add3A_955, %add3A_957 : vector<16xi32>
    %le3A_959 = arith.cmpi sle, %gather3A_9, %add3A_955 : vector<16xi32>
    %add3A_960 = arith.constant 1 : i32
    %add3A_961 = vector.broadcast %add3A_960 : i32 to vector<16xi32>
    %add3A_962 = arith.addi %add3A_958, %add3A_961 : vector<16xi32>
    %select_n3A_963 = arith.select %le3A_959, %add3A_962, %add3A_958 : vector<16xi1>, vector<16xi32>
    %le3A_964 = arith.cmpi sle, %gather3A_14, %add3A_955 : vector<16xi32>
    %add3A_965 = arith.constant 1 : i32
    %add3A_966 = vector.broadcast %add3A_965 : i32 to vector<16xi32>
    %add3A_967 = arith.addi %select_n3A_963, %add3A_966 : vector<16xi32>
    %select_n3A_968 = arith.select %le3A_964, %add3A_967, %select_n3A_963 : vector<16xi1>, vector<16xi32>
    %le3A_969 = arith.cmpi sle, %gather3A_19, %add3A_955 : vector<16xi32>
    %add3A_970 = arith.constant 1 : i32
    %add3A_971 = vector.broadcast %add3A_970 : i32 to vector<16xi32>
    %add3A_972 = arith.addi %select_n3A_968, %add3A_971 : vector<16xi32>
    %select_n3A_973 = arith.select %le3A_969, %add3A_972, %select_n3A_968 : vector<16xi1>, vector<16xi32>
    %le3A_974 = arith.cmpi sle, %gather3A_24, %add3A_955 : vector<16xi32>
    %add3A_975 = arith.constant 1 : i32
    %add3A_976 = vector.broadcast %add3A_975 : i32 to vector<16xi32>
    %add3A_977 = arith.addi %select_n3A_973, %add3A_976 : vector<16xi32>
    %select_n3A_978 = arith.select %le3A_974, %add3A_977, %select_n3A_973 : vector<16xi1>, vector<16xi32>
    %le3A_979 = arith.cmpi sle, %gather3A_29, %add3A_955 : vector<16xi32>
    %add3A_980 = arith.constant 1 : i32
    %add3A_981 = vector.broadcast %add3A_980 : i32 to vector<16xi32>
    %add3A_982 = arith.addi %select_n3A_978, %add3A_981 : vector<16xi32>
    %select_n3A_983 = arith.select %le3A_979, %add3A_982, %select_n3A_978 : vector<16xi1>, vector<16xi32>
    %le3A_984 = arith.cmpi sle, %gather3A_34, %add3A_955 : vector<16xi32>
    %add3A_985 = arith.constant 1 : i32
    %add3A_986 = vector.broadcast %add3A_985 : i32 to vector<16xi32>
    %add3A_987 = arith.addi %select_n3A_983, %add3A_986 : vector<16xi32>
    %select_n3A_988 = arith.select %le3A_984, %add3A_987, %select_n3A_983 : vector<16xi1>, vector<16xi32>
    %le3A_989 = arith.cmpi sle, %gather3A_39, %add3A_955 : vector<16xi32>
    %add3A_990 = arith.constant 1 : i32
    %add3A_991 = vector.broadcast %add3A_990 : i32 to vector<16xi32>
    %add3A_992 = arith.addi %select_n3A_988, %add3A_991 : vector<16xi32>
    %select_n3A_993 = arith.select %le3A_989, %add3A_992, %select_n3A_988 : vector<16xi1>, vector<16xi32>
    %le3A_994 = arith.cmpi sle, %gather3A_44, %add3A_955 : vector<16xi32>
    %add3A_995 = arith.constant 1 : i32
    %add3A_996 = vector.broadcast %add3A_995 : i32 to vector<16xi32>
    %add3A_997 = arith.addi %select_n3A_993, %add3A_996 : vector<16xi32>
    %select_n3A_998 = arith.select %le3A_994, %add3A_997, %select_n3A_993 : vector<16xi1>, vector<16xi32>
    %swap3A_999 = arith.constant 0 : index
    %swap3A_1000 = tpu.vector_load %arg8[%swap3A_999] {strides = array<i32>} : memref<16xi32, #tpu.memory_space<vmem>>, vector<16xi32>,
    %swap3A_1001 = vector.shape_cast %swap3A_1000 : vector<16xi32> to vector<16xi32>
    %swap3A_1002 = vector.shape_cast %select_n3A_998 : vector<16xi32> to vector<16xi32>
    tpu.vector_store %arg8[%swap3A_999], %swap3A_1002 {strides = array<i32>} : memref<16xi32, #tpu.memory_space<vmem>>, vector<16xi32>,
    %dma_wait3A_1003 = arith.constant 0 : i32
    %dma_wait3A_1004 = tpu.memref_slice %arg2[%mul3A_794, %dma_wait3A_1003] : memref<8192x1024xf32, #tpu.memory_space<hbm>> -> memref<16x1024xf32, #tpu.memory_space<hbm>>
    %dma_wait3A_1005 = arith.constant 0 : i32
    %dma_wait3A_1006 = tpu.memref_slice %arg2[%mul3A_794, %dma_wait3A_1005] : memref<8192x1024xf32, #tpu.memory_space<hbm>> -> memref<16x1024xf32, #tpu.memory_space<hbm>>
    tpu.wait_dma2 semaphore(%arg21 : memref<!tpu.dma_semaphore, #tpu.memory_space<semaphore_mem>>) src(%dma_wait3A_1006 : memref<16x1024xf32, #tpu.memory_space<hbm>>) dst(%arg14 : memref<16x1024xf32, #tpu.memory_space<vmem>>)
    %dma_start3A_1007 = arith.constant 0 : i32
    %dma_start3A_1008 = arith.constant 0 : i32
    %dma_start3A_1009 = tpu.memref_slice %arg5[%dma_start3A_1007, %dma_start3A_1008] : memref<8200x1024xf32, #tpu.memory_space<hbm>> -> memref<8200x1024xf32, #tpu.memory_space<hbm>>
    tpu.enqueue_indirect_dma source(%arg14 : memref<16x1024xf32, #tpu.memory_space<vmem>>) target(%dma_start3A_1009 : memref<8200x1024xf32, #tpu.memory_space<hbm>>) offsets(%arg8 : memref<16xi32, #tpu.memory_space<vmem>>) semaphore(%arg27 : memref<!tpu.dma_semaphore, #tpu.memory_space<semaphore_mem>>)
    %dma_wait3A_1010 = arith.constant 0 : i32
    %dma_wait3A_1011 = arith.constant 0 : i32
    %dma_wait3A_1012 = tpu.memref_slice %arg5[%dma_wait3A_1010, %dma_wait3A_1011] : memref<8200x1024xf32, #tpu.memory_space<hbm>> -> memref<8200x1024xf32, #tpu.memory_space<hbm>>
    tpu.wait_indirect_dma semaphore(%arg30 : memref<!tpu.dma_semaphore, #tpu.memory_space<semaphore_mem>>) src(%arg17 : memref<16x1024xf32, #tpu.memory_space<vmem>>) dst(%dma_wait3A_1012 : memref<8200x1024xf32, #tpu.memory_space<hbm>>)
    %add3A_1013 = arith.constant 480 : i32
    %add3A_1014 = arith.addi %add3A, %add3A_1013 : i32
    %mul3A_1015 = arith.constant 16 : i32
    %mul3A_1016 = arith.muli %add3A_1014, %mul3A_1015 : i32
    %dma_start3A_1017 = arith.constant 0 : i32
    %dma_start3A_1018 = tpu.memref_slice %arg2[%mul3A_1016, %dma_start3A_1017] : memref<8192x1024xf32, #tpu.memory_space<hbm>> -> memref<16x1024xf32, #tpu.memory_space<hbm>>
    %dma_start3A_1019 = arith.constant 0 : i32
    %dma_start3A_1020 = tpu.memref_slice %arg2[%mul3A_1016, %dma_start3A_1019] : memref<8192x1024xf32, #tpu.memory_space<hbm>> -> memref<16x1024xf32, #tpu.memory_space<hbm>>
    tpu.enqueue_dma source(%dma_start3A_1020 : memref<16x1024xf32, #tpu.memory_space<hbm>>) target(%arg17 : memref<16x1024xf32, #tpu.memory_space<vmem>>) target_semaphore(%arg24 : memref<!tpu.dma_semaphore, #tpu.memory_space<semaphore_mem>>)
    %add3A_1021 = arith.constant 416 : i32
    %add3A_1022 = arith.addi %add3A, %add3A_1021 : i32
    %mul3A_1023 = arith.constant 16 : i32
    %mul3A_1024 = arith.muli %add3A_1022, %mul3A_1023 : i32
    %add3A_1025 = arith.constant 0 : i32
    %add3A_1026 = arith.addi %mul3A_1024, %add3A_1025 : i32
    %iota3A_1027 = tpu.iota {dimensions = array<i32: 0>} : vector<16xi32>
    %add3A_1028 = vector.broadcast %add3A_1026 : i32 to vector<16xi32>
    %add3A_1029 = arith.addi %add3A_1028, %iota3A_1027 : vector<16xi32>
    %add3A_1030 = arith.constant 1 : i32
    %add3A_1031 = vector.broadcast %add3A_1030 : i32 to vector<16xi32>
    %add3A_1032 = arith.addi %add3A_1029, %add3A_1031 : vector<16xi32>
    %le3A_1033 = arith.cmpi sle, %gather3A_9, %add3A_1029 : vector<16xi32>
    %add3A_1034 = arith.constant 1 : i32
    %add3A_1035 = vector.broadcast %add3A_1034 : i32 to vector<16xi32>
    %add3A_1036 = arith.addi %add3A_1032, %add3A_1035 : vector<16xi32>
    %select_n3A_1037 = arith.select %le3A_1033, %add3A_1036, %add3A_1032 : vector<16xi1>, vector<16xi32>
    %le3A_1038 = arith.cmpi sle, %gather3A_14, %add3A_1029 : vector<16xi32>
    %add3A_1039 = arith.constant 1 : i32
    %add3A_1040 = vector.broadcast %add3A_1039 : i32 to vector<16xi32>
    %add3A_1041 = arith.addi %select_n3A_1037, %add3A_1040 : vector<16xi32>
    %select_n3A_1042 = arith.select %le3A_1038, %add3A_1041, %select_n3A_1037 : vector<16xi1>, vector<16xi32>
    %le3A_1043 = arith.cmpi sle, %gather3A_19, %add3A_1029 : vector<16xi32>
    %add3A_1044 = arith.constant 1 : i32
    %add3A_1045 = vector.broadcast %add3A_1044 : i32 to vector<16xi32>
    %add3A_1046 = arith.addi %select_n3A_1042, %add3A_1045 : vector<16xi32>
    %select_n3A_1047 = arith.select %le3A_1043, %add3A_1046, %select_n3A_1042 : vector<16xi1>, vector<16xi32>
    %le3A_1048 = arith.cmpi sle, %gather3A_24, %add3A_1029 : vector<16xi32>
    %add3A_1049 = arith.constant 1 : i32
    %add3A_1050 = vector.broadcast %add3A_1049 : i32 to vector<16xi32>
    %add3A_1051 = arith.addi %select_n3A_1047, %add3A_1050 : vector<16xi32>
    %select_n3A_1052 = arith.select %le3A_1048, %add3A_1051, %select_n3A_1047 : vector<16xi1>, vector<16xi32>
    %le3A_1053 = arith.cmpi sle, %gather3A_29, %add3A_1029 : vector<16xi32>
    %add3A_1054 = arith.constant 1 : i32
    %add3A_1055 = vector.broadcast %add3A_1054 : i32 to vector<16xi32>
    %add3A_1056 = arith.addi %select_n3A_1052, %add3A_1055 : vector<16xi32>
    %select_n3A_1057 = arith.select %le3A_1053, %add3A_1056, %select_n3A_1052 : vector<16xi1>, vector<16xi32>
    %le3A_1058 = arith.cmpi sle, %gather3A_34, %add3A_1029 : vector<16xi32>
    %add3A_1059 = arith.constant 1 : i32
    %add3A_1060 = vector.broadcast %add3A_1059 : i32 to vector<16xi32>
    %add3A_1061 = arith.addi %select_n3A_1057, %add3A_1060 : vector<16xi32>
    %select_n3A_1062 = arith.select %le3A_1058, %add3A_1061, %select_n3A_1057 : vector<16xi1>, vector<16xi32>
    %le3A_1063 = arith.cmpi sle, %gather3A_39, %add3A_1029 : vector<16xi32>
    %add3A_1064 = arith.constant 1 : i32
    %add3A_1065 = vector.broadcast %add3A_1064 : i32 to vector<16xi32>
    %add3A_1066 = arith.addi %select_n3A_1062, %add3A_1065 : vector<16xi32>
    %select_n3A_1067 = arith.select %le3A_1063, %add3A_1066, %select_n3A_1062 : vector<16xi1>, vector<16xi32>
    %le3A_1068 = arith.cmpi sle, %gather3A_44, %add3A_1029 : vector<16xi32>
    %add3A_1069 = arith.constant 1 : i32
    %add3A_1070 = vector.broadcast %add3A_1069 : i32 to vector<16xi32>
    %add3A_1071 = arith.addi %select_n3A_1067, %add3A_1070 : vector<16xi32>
    %select_n3A_1072 = arith.select %le3A_1068, %add3A_1071, %select_n3A_1067 : vector<16xi1>, vector<16xi32>
    %swap3A_1073 = arith.constant 0 : index
    %swap3A_1074 = tpu.vector_load %arg9[%swap3A_1073] {strides = array<i32>} : memref<16xi32, #tpu.memory_space<vmem>>, vector<16xi32>,
    %swap3A_1075 = vector.shape_cast %swap3A_1074 : vector<16xi32> to vector<16xi32>
    %swap3A_1076 = vector.shape_cast %select_n3A_1072 : vector<16xi32> to vector<16xi32>
    tpu.vector_store %arg9[%swap3A_1073], %swap3A_1076 {strides = array<i32>} : memref<16xi32, #tpu.memory_space<vmem>>, vector<16xi32>,
    %dma_wait3A_1077 = arith.constant 0 : i32
    %dma_wait3A_1078 = tpu.memref_slice %arg2[%mul3A_868, %dma_wait3A_1077] : memref<8192x1024xf32, #tpu.memory_space<hbm>> -> memref<16x1024xf32, #tpu.memory_space<hbm>>
    %dma_wait3A_1079 = arith.constant 0 : i32
    %dma_wait3A_1080 = tpu.memref_slice %arg2[%mul3A_868, %dma_wait3A_1079] : memref<8192x1024xf32, #tpu.memory_space<hbm>> -> memref<16x1024xf32, #tpu.memory_space<hbm>>
    tpu.wait_dma2 semaphore(%arg22 : memref<!tpu.dma_semaphore, #tpu.memory_space<semaphore_mem>>) src(%dma_wait3A_1080 : memref<16x1024xf32, #tpu.memory_space<hbm>>) dst(%arg15 : memref<16x1024xf32, #tpu.memory_space<vmem>>)
    %dma_start3A_1081 = arith.constant 0 : i32
    %dma_start3A_1082 = arith.constant 0 : i32
    %dma_start3A_1083 = tpu.memref_slice %arg5[%dma_start3A_1081, %dma_start3A_1082] : memref<8200x1024xf32, #tpu.memory_space<hbm>> -> memref<8200x1024xf32, #tpu.memory_space<hbm>>
    tpu.enqueue_indirect_dma source(%arg15 : memref<16x1024xf32, #tpu.memory_space<vmem>>) target(%dma_start3A_1083 : memref<8200x1024xf32, #tpu.memory_space<hbm>>) offsets(%arg9 : memref<16xi32, #tpu.memory_space<vmem>>) semaphore(%arg28 : memref<!tpu.dma_semaphore, #tpu.memory_space<semaphore_mem>>)
    %add3A_1084 = arith.constant 448 : i32
    %add3A_1085 = arith.addi %add3A, %add3A_1084 : i32
    %mul3A_1086 = arith.constant 16 : i32
    %mul3A_1087 = arith.muli %add3A_1085, %mul3A_1086 : i32
    %add3A_1088 = arith.constant 0 : i32
    %add3A_1089 = arith.addi %mul3A_1087, %add3A_1088 : i32
    %iota3A_1090 = tpu.iota {dimensions = array<i32: 0>} : vector<16xi32>
    %add3A_1091 = vector.broadcast %add3A_1089 : i32 to vector<16xi32>
    %add3A_1092 = arith.addi %add3A_1091, %iota3A_1090 : vector<16xi32>
    %add3A_1093 = arith.constant 1 : i32
    %add3A_1094 = vector.broadcast %add3A_1093 : i32 to vector<16xi32>
    %add3A_1095 = arith.addi %add3A_1092, %add3A_1094 : vector<16xi32>
    %le3A_1096 = arith.cmpi sle, %gather3A_9, %add3A_1092 : vector<16xi32>
    %add3A_1097 = arith.constant 1 : i32
    %add3A_1098 = vector.broadcast %add3A_1097 : i32 to vector<16xi32>
    %add3A_1099 = arith.addi %add3A_1095, %add3A_1098 : vector<16xi32>
    %select_n3A_1100 = arith.select %le3A_1096, %add3A_1099, %add3A_1095 : vector<16xi1>, vector<16xi32>
    %le3A_1101 = arith.cmpi sle, %gather3A_14, %add3A_1092 : vector<16xi32>
    %add3A_1102 = arith.constant 1 : i32
    %add3A_1103 = vector.broadcast %add3A_1102 : i32 to vector<16xi32>
    %add3A_1104 = arith.addi %select_n3A_1100, %add3A_1103 : vector<16xi32>
    %select_n3A_1105 = arith.select %le3A_1101, %add3A_1104, %select_n3A_1100 : vector<16xi1>, vector<16xi32>
    %le3A_1106 = arith.cmpi sle, %gather3A_19, %add3A_1092 : vector<16xi32>
    %add3A_1107 = arith.constant 1 : i32
    %add3A_1108 = vector.broadcast %add3A_1107 : i32 to vector<16xi32>
    %add3A_1109 = arith.addi %select_n3A_1105, %add3A_1108 : vector<16xi32>
    %select_n3A_1110 = arith.select %le3A_1106, %add3A_1109, %select_n3A_1105 : vector<16xi1>, vector<16xi32>
    %le3A_1111 = arith.cmpi sle, %gather3A_24, %add3A_1092 : vector<16xi32>
    %add3A_1112 = arith.constant 1 : i32
    %add3A_1113 = vector.broadcast %add3A_1112 : i32 to vector<16xi32>
    %add3A_1114 = arith.addi %select_n3A_1110, %add3A_1113 : vector<16xi32>
    %select_n3A_1115 = arith.select %le3A_1111, %add3A_1114, %select_n3A_1110 : vector<16xi1>, vector<16xi32>
    %le3A_1116 = arith.cmpi sle, %gather3A_29, %add3A_1092 : vector<16xi32>
    %add3A_1117 = arith.constant 1 : i32
    %add3A_1118 = vector.broadcast %add3A_1117 : i32 to vector<16xi32>
    %add3A_1119 = arith.addi %select_n3A_1115, %add3A_1118 : vector<16xi32>
    %select_n3A_1120 = arith.select %le3A_1116, %add3A_1119, %select_n3A_1115 : vector<16xi1>, vector<16xi32>
    %le3A_1121 = arith.cmpi sle, %gather3A_34, %add3A_1092 : vector<16xi32>
    %add3A_1122 = arith.constant 1 : i32
    %add3A_1123 = vector.broadcast %add3A_1122 : i32 to vector<16xi32>
    %add3A_1124 = arith.addi %select_n3A_1120, %add3A_1123 : vector<16xi32>
    %select_n3A_1125 = arith.select %le3A_1121, %add3A_1124, %select_n3A_1120 : vector<16xi1>, vector<16xi32>
    %le3A_1126 = arith.cmpi sle, %gather3A_39, %add3A_1092 : vector<16xi32>
    %add3A_1127 = arith.constant 1 : i32
    %add3A_1128 = vector.broadcast %add3A_1127 : i32 to vector<16xi32>
    %add3A_1129 = arith.addi %select_n3A_1125, %add3A_1128 : vector<16xi32>
    %select_n3A_1130 = arith.select %le3A_1126, %add3A_1129, %select_n3A_1125 : vector<16xi1>, vector<16xi32>
    %le3A_1131 = arith.cmpi sle, %gather3A_44, %add3A_1092 : vector<16xi32>
    %add3A_1132 = arith.constant 1 : i32
    %add3A_1133 = vector.broadcast %add3A_1132 : i32 to vector<16xi32>
    %add3A_1134 = arith.addi %select_n3A_1130, %add3A_1133 : vector<16xi32>
    %select_n3A_1135 = arith.select %le3A_1131, %add3A_1134, %select_n3A_1130 : vector<16xi1>, vector<16xi32>
    %swap3A_1136 = arith.constant 0 : index
    %swap3A_1137 = tpu.vector_load %arg10[%swap3A_1136] {strides = array<i32>} : memref<16xi32, #tpu.memory_space<vmem>>, vector<16xi32>,
    %swap3A_1138 = vector.shape_cast %swap3A_1137 : vector<16xi32> to vector<16xi32>
    %swap3A_1139 = vector.shape_cast %select_n3A_1135 : vector<16xi32> to vector<16xi32>
    tpu.vector_store %arg10[%swap3A_1136], %swap3A_1139 {strides = array<i32>} : memref<16xi32, #tpu.memory_space<vmem>>, vector<16xi32>,
    %dma_wait3A_1140 = arith.constant 0 : i32
    %dma_wait3A_1141 = tpu.memref_slice %arg2[%mul3A_942, %dma_wait3A_1140] : memref<8192x1024xf32, #tpu.memory_space<hbm>> -> memref<16x1024xf32, #tpu.memory_space<hbm>>
    %dma_wait3A_1142 = arith.constant 0 : i32
    %dma_wait3A_1143 = tpu.memref_slice %arg2[%mul3A_942, %dma_wait3A_1142] : memref<8192x1024xf32, #tpu.memory_space<hbm>> -> memref<16x1024xf32, #tpu.memory_space<hbm>>
    tpu.wait_dma2 semaphore(%arg23 : memref<!tpu.dma_semaphore, #tpu.memory_space<semaphore_mem>>) src(%dma_wait3A_1143 : memref<16x1024xf32, #tpu.memory_space<hbm>>) dst(%arg16 : memref<16x1024xf32, #tpu.memory_space<vmem>>)
    %dma_start3A_1144 = arith.constant 0 : i32
    %dma_start3A_1145 = arith.constant 0 : i32
    %dma_start3A_1146 = tpu.memref_slice %arg5[%dma_start3A_1144, %dma_start3A_1145] : memref<8200x1024xf32, #tpu.memory_space<hbm>> -> memref<8200x1024xf32, #tpu.memory_space<hbm>>
    tpu.enqueue_indirect_dma source(%arg16 : memref<16x1024xf32, #tpu.memory_space<vmem>>) target(%dma_start3A_1146 : memref<8200x1024xf32, #tpu.memory_space<hbm>>) offsets(%arg10 : memref<16xi32, #tpu.memory_space<vmem>>) semaphore(%arg29 : memref<!tpu.dma_semaphore, #tpu.memory_space<semaphore_mem>>)
    %add3A_1147 = arith.constant 480 : i32
    %add3A_1148 = arith.addi %add3A, %add3A_1147 : i32
    %mul3A_1149 = arith.constant 16 : i32
    %mul3A_1150 = arith.muli %add3A_1148, %mul3A_1149 : i32
    %add3A_1151 = arith.constant 0 : i32
    %add3A_1152 = arith.addi %mul3A_1150, %add3A_1151 : i32
    %iota3A_1153 = tpu.iota {dimensions = array<i32: 0>} : vector<16xi32>
    %add3A_1154 = vector.broadcast %add3A_1152 : i32 to vector<16xi32>
    %add3A_1155 = arith.addi %add3A_1154, %iota3A_1153 : vector<16xi32>
    %add3A_1156 = arith.constant 1 : i32
    %add3A_1157 = vector.broadcast %add3A_1156 : i32 to vector<16xi32>
    %add3A_1158 = arith.addi %add3A_1155, %add3A_1157 : vector<16xi32>
    %le3A_1159 = arith.cmpi sle, %gather3A_9, %add3A_1155 : vector<16xi32>
    %add3A_1160 = arith.constant 1 : i32
    %add3A_1161 = vector.broadcast %add3A_1160 : i32 to vector<16xi32>
    %add3A_1162 = arith.addi %add3A_1158, %add3A_1161 : vector<16xi32>
    %select_n3A_1163 = arith.select %le3A_1159, %add3A_1162, %add3A_1158 : vector<16xi1>, vector<16xi32>
    %le3A_1164 = arith.cmpi sle, %gather3A_14, %add3A_1155 : vector<16xi32>
    %add3A_1165 = arith.constant 1 : i32
    %add3A_1166 = vector.broadcast %add3A_1165 : i32 to vector<16xi32>
    %add3A_1167 = arith.addi %select_n3A_1163, %add3A_1166 : vector<16xi32>
    %select_n3A_1168 = arith.select %le3A_1164, %add3A_1167, %select_n3A_1163 : vector<16xi1>, vector<16xi32>
    %le3A_1169 = arith.cmpi sle, %gather3A_19, %add3A_1155 : vector<16xi32>
    %add3A_1170 = arith.constant 1 : i32
    %add3A_1171 = vector.broadcast %add3A_1170 : i32 to vector<16xi32>
    %add3A_1172 = arith.addi %select_n3A_1168, %add3A_1171 : vector<16xi32>
    %select_n3A_1173 = arith.select %le3A_1169, %add3A_1172, %select_n3A_1168 : vector<16xi1>, vector<16xi32>
    %le3A_1174 = arith.cmpi sle, %gather3A_24, %add3A_1155 : vector<16xi32>
    %add3A_1175 = arith.constant 1 : i32
    %add3A_1176 = vector.broadcast %add3A_1175 : i32 to vector<16xi32>
    %add3A_1177 = arith.addi %select_n3A_1173, %add3A_1176 : vector<16xi32>
    %select_n3A_1178 = arith.select %le3A_1174, %add3A_1177, %select_n3A_1173 : vector<16xi1>, vector<16xi32>
    %le3A_1179 = arith.cmpi sle, %gather3A_29, %add3A_1155 : vector<16xi32>
    %add3A_1180 = arith.constant 1 : i32
    %add3A_1181 = vector.broadcast %add3A_1180 : i32 to vector<16xi32>
    %add3A_1182 = arith.addi %select_n3A_1178, %add3A_1181 : vector<16xi32>
    %select_n3A_1183 = arith.select %le3A_1179, %add3A_1182, %select_n3A_1178 : vector<16xi1>, vector<16xi32>
    %le3A_1184 = arith.cmpi sle, %gather3A_34, %add3A_1155 : vector<16xi32>
    %add3A_1185 = arith.constant 1 : i32
    %add3A_1186 = vector.broadcast %add3A_1185 : i32 to vector<16xi32>
    %add3A_1187 = arith.addi %select_n3A_1183, %add3A_1186 : vector<16xi32>
    %select_n3A_1188 = arith.select %le3A_1184, %add3A_1187, %select_n3A_1183 : vector<16xi1>, vector<16xi32>
    %le3A_1189 = arith.cmpi sle, %gather3A_39, %add3A_1155 : vector<16xi32>
    %add3A_1190 = arith.constant 1 : i32
    %add3A_1191 = vector.broadcast %add3A_1190 : i32 to vector<16xi32>
    %add3A_1192 = arith.addi %select_n3A_1188, %add3A_1191 : vector<16xi32>
    %select_n3A_1193 = arith.select %le3A_1189, %add3A_1192, %select_n3A_1188 : vector<16xi1>, vector<16xi32>
    %le3A_1194 = arith.cmpi sle, %gather3A_44, %add3A_1155 : vector<16xi32>
    %add3A_1195 = arith.constant 1 : i32
    %add3A_1196 = vector.broadcast %add3A_1195 : i32 to vector<16xi32>
    %add3A_1197 = arith.addi %select_n3A_1193, %add3A_1196 : vector<16xi32>
    %select_n3A_1198 = arith.select %le3A_1194, %add3A_1197, %select_n3A_1193 : vector<16xi1>, vector<16xi32>
    %swap3A_1199 = arith.constant 0 : index
    %swap3A_1200 = tpu.vector_load %arg11[%swap3A_1199] {strides = array<i32>} : memref<16xi32, #tpu.memory_space<vmem>>, vector<16xi32>,
    %swap3A_1201 = vector.shape_cast %swap3A_1200 : vector<16xi32> to vector<16xi32>
    %swap3A_1202 = vector.shape_cast %select_n3A_1198 : vector<16xi32> to vector<16xi32>
    tpu.vector_store %arg11[%swap3A_1199], %swap3A_1202 {strides = array<i32>} : memref<16xi32, #tpu.memory_space<vmem>>, vector<16xi32>,
    %dma_wait3A_1203 = arith.constant 0 : i32
    %dma_wait3A_1204 = tpu.memref_slice %arg2[%mul3A_1016, %dma_wait3A_1203] : memref<8192x1024xf32, #tpu.memory_space<hbm>> -> memref<16x1024xf32, #tpu.memory_space<hbm>>
    %dma_wait3A_1205 = arith.constant 0 : i32
    %dma_wait3A_1206 = tpu.memref_slice %arg2[%mul3A_1016, %dma_wait3A_1205] : memref<8192x1024xf32, #tpu.memory_space<hbm>> -> memref<16x1024xf32, #tpu.memory_space<hbm>>
    tpu.wait_dma2 semaphore(%arg24 : memref<!tpu.dma_semaphore, #tpu.memory_space<semaphore_mem>>) src(%dma_wait3A_1206 : memref<16x1024xf32, #tpu.memory_space<hbm>>) dst(%arg17 : memref<16x1024xf32, #tpu.memory_space<vmem>>)
    %dma_start3A_1207 = arith.constant 0 : i32
    %dma_start3A_1208 = arith.constant 0 : i32
    %dma_start3A_1209 = tpu.memref_slice %arg5[%dma_start3A_1207, %dma_start3A_1208] : memref<8200x1024xf32, #tpu.memory_space<hbm>> -> memref<8200x1024xf32, #tpu.memory_space<hbm>>
    tpu.enqueue_indirect_dma source(%arg17 : memref<16x1024xf32, #tpu.memory_space<vmem>>) target(%dma_start3A_1209 : memref<8200x1024xf32, #tpu.memory_space<hbm>>) offsets(%arg11 : memref<16xi32, #tpu.memory_space<vmem>>) semaphore(%arg30 : memref<!tpu.dma_semaphore, #tpu.memory_space<semaphore_mem>>)
    %dma_wait3A_1210 = arith.constant 0 : i32
    %dma_wait3A_1211 = arith.constant 0 : i32
    %dma_wait3A_1212 = tpu.memref_slice %arg5[%dma_wait3A_1210, %dma_wait3A_1211] : memref<8200x1024xf32, #tpu.memory_space<hbm>> -> memref<8200x1024xf32, #tpu.memory_space<hbm>>
    tpu.wait_indirect_dma semaphore(%arg31 : memref<!tpu.dma_semaphore, #tpu.memory_space<semaphore_mem>>) src(%arg18 : memref<16x1024xf32, #tpu.memory_space<vmem>>) dst(%dma_wait3A_1212 : memref<8200x1024xf32, #tpu.memory_space<hbm>>)
    %dma_wait3A_1213 = arith.constant 0 : i32
    %dma_wait3A_1214 = arith.constant 0 : i32
    %dma_wait3A_1215 = tpu.memref_slice %arg5[%dma_wait3A_1213, %dma_wait3A_1214] : memref<8200x1024xf32, #tpu.memory_space<hbm>> -> memref<8200x1024xf32, #tpu.memory_space<hbm>>
    tpu.wait_indirect_dma semaphore(%arg32 : memref<!tpu.dma_semaphore, #tpu.memory_space<semaphore_mem>>) src(%arg19 : memref<16x1024xf32, #tpu.memory_space<vmem>>) dst(%dma_wait3A_1215 : memref<8200x1024xf32, #tpu.memory_space<hbm>>)
    %dma_wait3A_1216 = arith.constant 0 : i32
    %dma_wait3A_1217 = arith.constant 0 : i32
    %dma_wait3A_1218 = tpu.memref_slice %arg5[%dma_wait3A_1216, %dma_wait3A_1217] : memref<8200x1024xf32, #tpu.memory_space<hbm>> -> memref<8200x1024xf32, #tpu.memory_space<hbm>>
    tpu.wait_indirect_dma semaphore(%arg27 : memref<!tpu.dma_semaphore, #tpu.memory_space<semaphore_mem>>) src(%arg14 : memref<16x1024xf32, #tpu.memory_space<vmem>>) dst(%dma_wait3A_1218 : memref<8200x1024xf32, #tpu.memory_space<hbm>>)
    %dma_wait3A_1219 = arith.constant 0 : i32
    %dma_wait3A_1220 = arith.constant 0 : i32
    %dma_wait3A_1221 = tpu.memref_slice %arg5[%dma_wait3A_1219, %dma_wait3A_1220] : memref<8200x1024xf32, #tpu.memory_space<hbm>> -> memref<8200x1024xf32, #tpu.memory_space<hbm>>
    tpu.wait_indirect_dma semaphore(%arg28 : memref<!tpu.dma_semaphore, #tpu.memory_space<semaphore_mem>>) src(%arg15 : memref<16x1024xf32, #tpu.memory_space<vmem>>) dst(%dma_wait3A_1221 : memref<8200x1024xf32, #tpu.memory_space<hbm>>)
    %dma_wait3A_1222 = arith.constant 0 : i32
    %dma_wait3A_1223 = arith.constant 0 : i32
    %dma_wait3A_1224 = tpu.memref_slice %arg5[%dma_wait3A_1222, %dma_wait3A_1223] : memref<8200x1024xf32, #tpu.memory_space<hbm>> -> memref<8200x1024xf32, #tpu.memory_space<hbm>>
    tpu.wait_indirect_dma semaphore(%arg29 : memref<!tpu.dma_semaphore, #tpu.memory_space<semaphore_mem>>) src(%arg16 : memref<16x1024xf32, #tpu.memory_space<vmem>>) dst(%dma_wait3A_1224 : memref<8200x1024xf32, #tpu.memory_space<hbm>>)
    %dma_wait3A_1225 = arith.constant 0 : i32
    %dma_wait3A_1226 = arith.constant 0 : i32
    %dma_wait3A_1227 = tpu.memref_slice %arg5[%dma_wait3A_1225, %dma_wait3A_1226] : memref<8200x1024xf32, #tpu.memory_space<hbm>> -> memref<8200x1024xf32, #tpu.memory_space<hbm>>
    tpu.wait_indirect_dma semaphore(%arg30 : memref<!tpu.dma_semaphore, #tpu.memory_space<semaphore_mem>>) src(%arg17 : memref<16x1024xf32, #tpu.memory_space<vmem>>) dst(%dma_wait3A_1227 : memref<8200x1024xf32, #tpu.memory_space<hbm>>)
    %eq3A_1228 = arith.constant 1 : i32
    %eq3A_1229 = arith.cmpi eq, %add3A, %eq3A_1228 : i32
    %convert_element_type3A_1230 = arith.extui %eq3A_1229 : i1 to i32
    %cond3A_1231 = arith.constant 0 : i32
    %cond3A_1232 = arith.cmpi ne, %convert_element_type3A_1230, %cond3A_1231 : i32
    scf.if %cond3A_1232 {
      %dma_wait3A_1233 = arith.constant 0 : i32
      %dma_wait3A_1234 = arith.constant 0 : i32
      %dma_wait3A_1235 = tpu.memref_slice %arg5[%dma_wait3A_1233, %dma_wait3A_1234] : memref<8200x1024xf32, #tpu.memory_space<hbm>> -> memref<8200x1024xf32, #tpu.memory_space<hbm>>
      tpu.wait_indirect_dma semaphore(%arg33 : memref<!tpu.dma_semaphore, #tpu.memory_space<semaphore_mem>>) src(%arg20 : memref<16x1024xf32, #tpu.memory_space<vmem>>) dst(%dma_wait3A_1235 : memref<8200x1024xf32, #tpu.memory_space<hbm>>)
    } else {
    }
    return
  }
}

</mosaic_0001>

<sc_bundles>
// kernel: kernel.3.cloned.1.call-start
scs
__scs_entry_jumppad:
0x0: {  	(pc) =	sbr.rel $0x88, $3  }
0x1: {  	(tag) =	ssettag $0x0;
	lr =	simm.s32 $0x1  }
0x2: {  	[smem:$0x3F9E] =	sst lr;
	_ =	strace $0xD0000000  }
0x3: {  	_ = 	snop  }
0x4: {  	_ = 	snop  }
0x5: {  	_ = 	snop  }
0x6: {  	_ = 	snop  }
0x7: {  	_ = 	snop  }
__scs_overlays_trampoline_lowered:
0x8: {  	[smem:$0x3FAD] =	sst s0  }
0x9: {  	[smem:$0x3FAE] =	sst s1  }
0xa: {  	[smem:$0x3FAF] =	sst s2  }
0xb: {  	[smem:$0x3FB0] =	sst s3  }
0xc: {  	[smem:$0x3FB1] =	sst s4  }
0xd: {  	[smem:$0x3FB2] =	sst s5  }
0xe: {  	[smem:$0x3FB3] =	sst s6  }
0xf: {  	[smem:$0x3FB4] =	sst s7  }
0x10: {  	[smem:$0x3FB5] =	sst s8  }
0x11: {  	[smem:$0x3FB6] =	sst s9;
	s0 =	simm.s32 @!p0 $0x0  }
0x12: {  	s1 =	sld [smem:$0x3F9C];
	s0 =	simm.s32 @p0 $0x1  }
0x13: {  	[smem:$0x3FB7] =	sst s0;
	s0 =	simm.s32 @!p1 $0x0  }
0x14: {  	s2 =	sld [smem:$0x3F9B];
	s0 =	simm.s32 @p1 $0x1  }
0x15: {  	[smem:$0x3FB8] =	sst s0;
	s0 =	simm.s32 @!p2 $0x0  }
0x16: {  	s3 =	sld [smem:$0x3FDB];
	s0 =	simm.s32 @p2 $0x1  }
0x17: {  	s4 =	simm.s32 $0x1BF5;
	[smem:$0x3FBA] =	sst s0  }
0x18: {  	s0 =	sld [smem:$0x3F9D];
	_ =	swait.ge [sflag:s4], $0x0  }
0x19: {  	s7 =	sld [smem:$0x3F9E]  }
0x1a: {  	s8 =	sadd.s32 $0xFFFFE003, lr  }
0x1b: {  	s9 =	sadd.s32 $0xFFFFFEF7, lr;
	s5 =	simm.s32 $0xFFFFFFFF;
	p2 =	slt.u32 s8, $0xFFFFF086  }
0x1c: {  	p1 =	slt.u32 s9, $0xF7A;
	s5 =	simm.s32 @!p2 $0x0  }
0x1d: {  	s5 =	simm.s32 @p1 $0x1;
	p0 =	seq.s32 s7, s2  }
0x1e: {  	s7 =	smul.u32 @!p0 $0xF7A, s2;
	p2 =	seq.s32 @!p0 s5, $0x0  }
0x1f: {  	s9 =	smul.u32 $0xF7A, s1;
	s8 =	simm.s32 @!p0 $0x1BF5;
	p2 =	por !p2, p0  }
0x20: {  	[sflag:s8] =	ssyncset.s32 @!p0 $0xFFFFF086;
	s6 =	sadd.s32 @!p0 s3, s7;
	s7 =	simm.s32 @!p0 $0x108  }
0x21: {  	s3 =	sadd.s32 s3, s9;
	s6 =	sadd.s32 @!p0 $0x88, s6;
	s7 =	simm.s32 @p2 $0x1082  }
0x22: {  	[simem:s7], [sflag:s8] =	dma.local @!p0 [hbm:s6], $0xF7A  }
0x23: {  	s9 =	sor.u32 $0xD0000000, s2;
	s6 =	simm.s32 $0x108;
	_ =	swait.ge @!p0 [sflag:s8], $0x0  }
0x24: {  	s3 =	sadd.s32 $0x88, s3;
	s6 =	simm.s32 @!p1 $0x1082;
	[sflag:s4] =	ssyncset.s32 $0xFFFFF086  }
0x25: {  	[simem:s6], [sflag:s4] =	dma.local [hbm:s3], $0xF7A  }
0x26: {  	[smem:$0x3F9E] =	sst s1;
	(tag) =	ssettag s2;
	_ =	strace s9  }
0x27: {  	s1 =	sld [smem:$0x3FAE]  }
0x28: {  	s2 =	sld [smem:$0x3FAF]  }
0x29: {  	s4 =	sld [smem:$0x3FB1]  }
0x2a: {  	p0 =	seq.s32 s5, $0x0;
	s5 =	sld [smem:$0x3FB2]  }
0x2b: {  	s6 =	sld [smem:$0x3FB3]  }
0x2c: {  	s7 =	sld [smem:$0x3FB4]  }
0x2d: {  	s3 =	simm.s32 $0x108;
	s8 =	sld [smem:$0x3FB5]  }
0x2e: {  	s3 =	simm.s32 @!p0 $0x1082;
	s9 =	sld [smem:$0x3FB6]  }
0x2f: {  	lr =	sadd.s32 s0, s3;
	s0 =	sld [smem:$0x3FAD]  }
0x30: {  	s3 =	sld [smem:$0x3FB0]  }
0x31: {  	[smem:$0x3FB9] =	sst s10  }
0x32: {  	s10 =	sld [smem:$0x3FB7];
	_ =	sdelay $0x3  }
0x33: {  	p0 =	seq.s32 s10, $0x1;
	s10 =	sld [smem:$0x3FB9];
	_ =	sdelay $0x3  }
0x34: {  	[smem:$0x3FB9] =	sst s10  }
0x35: {  	s10 =	sld [smem:$0x3FB8];
	_ =	sdelay $0x3  }
0x36: {  	p1 =	seq.s32 s10, $0x1;
	s10 =	sld [smem:$0x3FB9];
	_ =	sdelay $0x3  }
0x37: {  	[smem:$0x3FB9] =	sst s10  }
0x38: {  	s10 =	sld [smem:$0x3FBA]  }
0x39: {  	_ = 	snop;
	(pc) =	sbr.ind lr, $3  }
0x3a: {  	_ = 	snop  }
0x3b: {  	_ = 	snop  }
0x3c: {  	p2 =	seq.s32 s10, $0x1;
	s10 =	sld [smem:$0x3FB9]  }
0x3d: {  	_ =	shalt  }
0x3e: {  	_ =	shalt  }
0x3f: {  	_ =	shalt  }
0x40: {  	_ =	shalt  }
0x41: {  	_ =	shalt  }
0x42: {  	_ =	shalt  }
0x43: {  	_ =	shalt  }
0x44: {  	_ =	shalt  }
0x45: {  	_ =	shalt  }
0x46: {  	_ =	shalt  }
0x47: {  	_ =	shalt  }
0x48: {  	_ =	shalt  }
0x49: {  	_ =	shalt  }
0x4a: {  	_ =	shalt  }
0x4b: {  	_ =	shalt  }
0x4c: {  	_ =	shalt  }
0x4d: {  	_ =	shalt  }
0x4e: {  	_ =	shalt  }
0x4f: {  	_ =	shalt  }
0x50: {  	_ =	shalt  }
0x51: {  	_ =	shalt  }
0x52: {  	_ =	shalt  }
0x53: {  	_ =	shalt  }
0x54: {  	_ =	shalt  }
0x55: {  	_ =	shalt  }
0x56: {  	_ =	shalt  }
0x57: {  	_ =	shalt  }
0x58: {  	_ =	shalt  }
0x59: {  	_ =	shalt  }
0x5a: {  	_ =	shalt  }
0x5b: {  	_ =	shalt  }
0x5c: {  	_ =	shalt  }
0x5d: {  	_ =	shalt  }
0x5e: {  	_ =	shalt  }
0x5f: {  	_ =	shalt  }
0x60: {  	_ =	shalt  }
0x61: {  	_ =	shalt  }
0x62: {  	_ =	shalt  }
0x63: {  	_ =	shalt  }
0x64: {  	_ =	shalt  }
0x65: {  	_ =	shalt  }
0x66: {  	_ =	shalt  }
0x67: {  	_ =	shalt  }
0x68: {  	_ =	shalt  }
0x69: {  	_ =	shalt  }
0x6a: {  	_ =	shalt  }
0x6b: {  	_ =	shalt  }
0x6c: {  	_ =	shalt  }
0x6d: {  	_ =	shalt  }
0x6e: {  	_ =	shalt  }
0x6f: {  	_ =	shalt  }
0x70: {  	_ =	shalt  }
0x71: {  	_ =	shalt  }
0x72: {  	_ =	shalt  }
0x73: {  	_ =	shalt  }
0x74: {  	_ =	shalt  }
0x75: {  	_ =	shalt  }
0x76: {  	_ =	shalt  }
0x77: {  	_ =	shalt  }
0x78: {  	_ =	shalt  }
0x79: {  	_ =	shalt  }
0x7a: {  	_ =	shalt  }
0x7b: {  	_ =	shalt  }
0x7c: {  	_ =	shalt  }
0x7d: {  	_ =	shalt  }
0x7e: {  	_ =	shalt  }
0x7f: {  	_ =	shalt  }
0x80: {  	_ =	shalt  }
0x81: {  	_ =	shalt  }
0x82: {  	_ =	shalt  }
0x83: {  	_ =	shalt  }
0x84: {  	_ =	shalt  }
0x85: {  	_ =	shalt  }
0x86: {  	_ =	shalt  }
0x87: {  	_ =	shalt  }
.Lfunc_end0:
.L_simem_size_0:
called_computation_lowered:
.L_overlay_start_0:
0x88: {  	s2 =	sld [smem:$0x3FD9]  }
0x89: {  	s3 =	sld [smem:$0x3FFE];
	_ =	sdelay $0x1  }
0x8a: {  	s1 =	srdreg.scid  }
0x8b: {  	s0 =	sand.u32 $0x1, s1  }
0x8c: {  	s18 =	sshll.u32 s0, $0xA;
	s2 =	sadd.s32 s3, s2  }
0x8d: {  	s2 =	sadd.s32 s2, s18  }
0x8e: {  	[smem:$0x3FC5] =	sst s2  }
0x8f: {  	_ = 	snop  }
0x90: {  	s2 =	sld [smem:$0x3FC9]  }
0x91: {  	s19 =	sld [smem:$0x3FC8]  }
0x92: {  	s4 =	sld [smem:$0x3FC7]  }
0x93: {  	s5 =	sld [smem:$0x3FD0];
	(tm) =	ssettm $0x1  }
0x94: {  	s6 =	sld [smem:$0x3FFB];
	_ =	sdelay $0x3  }
0x95: {  	_ =	strace s6  }
0x96: {  	s6 =	sld [smem:$0x3FFC];
	_ =	sdelay $0x3  }
0x97: {  	_ =	strace s6  }
0x98: {  	s6 =	sld [smem:$0x3FFD];
	_ =	sdelay $0x3  }
0x99: {  	_ =	strace s6  }
0x9a: {  	_ =	strace $0x8FFFFFFF  }
0x9b: {  	s20 =	sld [smem:$0x3FDB];
	_ =	sdelay $0x1  }
0x9c: {  	s7 =	simm.s32 $_scs_section_size  }
0x9d: {  	s8 =	simm.s32 $_size__tile_overlayer_lowered;
	s9 =	simm.s32 $_tile_overlayer_lowered  }
0x9e: {  	s23 =	simm.s32 $0x1BFF;
	s22 =	sshll.u32 s9, $0x1;
	s6 =	sadd.s32 s7, s20  }
0x9f: {  	s10 =	simm.s32 $0x0;
	s21 =	sshll.u32 s8, $0x1;
	s8 =	sadd.s32 s22, s6  }
0xa0: {  	[timem:s10], [sflag:s23] =	dma.local [hbm:s8], s21  }
0xa1: {  	_ =	swait.ge [sflag:s23], s21  }
0xa2: {  	s7 =	ssub.s32 $0x0, s21;
	[sflag:s23] =	ssyncset.done $0x0  }
0xa3: {  	[sflag:s23] =	ssyncadd.s32 s7;
	_ =	sdelay $0x1  }
0xa4: {  	s24 =	simm.s32 $0x1B8B  }
0xa5: {  	_ =	swait.ge [sflag:s24], $0x1  }
0xa6: {  	[sflag:s24] =	ssyncset.done $0x0  }
0xa7: {  	s25 =	simm.s32 $0x1B8E;
	[sflag:s24] =	ssyncadd.s32 $0xFFFFFFFF  }
0xa8: {  	s26 =	simm.s32 $execute0_lowered;
	[smem:$0x3FD2] =	sst s25  }
0xa9: {  	s7 =	sshll.u32 s26, $0x1;
	_ =	strace $0x80000046;
	[dreg:$0x1] =	wrdreg $0xFFFFFFFF  }
0xaa: {  	s28 =	simm.s32 $_size_execute0_lowered;
	s6 =	sadd.s32 s6, s7;
	[dreg:$0x0] =	wrdreg $0x0  }
0xab: {  	s7 =	sshll.u32 s28, $0x1;
	[dreg:$0x2] =	wrdreg s6  }
0xac: {  	[dreg:$0x3] =	wrdreg s7  }
0xad: {  	[dreg:$0x4] =	wrdreg $0xC0  }
0xae: {  	_ =	task [dreg:s10], $0x5FFFF  }
0xaf: {  	[dreg:$0x1] =	wrdreg $0xFFFFFFFF  }
0xb0: {  	[dreg:$0x0] =	wrdreg $0x60  }
0xb1: {  	[dreg:$0x2] =	wrdreg s2  }
0xb2: {  	[dreg:$0x3] =	wrdreg s19  }
0xb3: {  	[dreg:$0x4] =	wrdreg s4  }
0xb4: {  	[dreg:$0x5] =	wrdreg s5  }
0xb5: {  	[dreg:$0x6] =	wrdreg $0x9  }
0xb6: {  	_ =	task.clear_ibuf [dreg:s10], $0x7FFFF;
	_ =	strace $0x90000046  }
0xb7: {  	s29 =	simm.s32 $0x9;
	_ =	strace $0x80000048  }
0xb8: {  	_ =	swait.ge [sflag:s29], $0x1  }
0xb9: {  	[sflag:s29] =	ssyncadd.s32 $0xFFFFFFFF  }
0xba: {  	_ =	strace $0x90000048  }
0xbb: {  	_ =	sfence  }
0xbc: {  	s30 =	sld [smem:$0x0];
	_ =	sdelay $0x2  }
0xbd: {  	s31 =	sshll.u32 s1, $0xD;
	s1 =	sshrl.u32 s1, $0x2  }
0xbe: {  	s3 =	sand.u32 $0x4000, s31;
	s1 =	sadd.s32 s1, s30  }
0xbf: {  	s0 =	sor.u32 s3, s0;
	s1 =	sshll.u32 s1, $0x11  }
0xc0: {  	s0 =	sor.u32 s1, s0  }
0xc1: {  	s0 =	sadd.s32 $0x8F2B, s0  }
0xc2: {  	[sflag:s0] =	ssyncadd.remote.s32 $0x1  }
0xc3: {  	_ =	sfence.sel $0xFFFF  }
0xc4: {  	[dreg:$0x0] =	wrdreg $0xFFFFFFFF;
	(pc) =	sbr.abs _section_cstart, $3  }
0xc5: {  	[dreg:$0x1] =	wrdreg $0xFFFFFFFF  }
0xc6: {  	_ =	task.clear_ibuf [dreg:s10], $0x2FFFF;
	_ =	strace $0x9FFFFFFF  }
0xc7: {  	(tm) =	ssettm $0x7FFFFFFF  }
tec
execute0_lowered:
.L_overlay_start_1:
0x0: {  	(tag) =	ssettag $0x1  }
0x1: {  	s0 =	srdreg.scid;
	s1 =	stileid.u32  }
0x2: {  	s2 =	rddreg [dreg:$0x0];
	s0 =	sand.u32 $0x1, s0;
	s3 =	sshll.u32 s1, $0x1  }
0x3: {  	s1 =	simm.s32 $0x0;
	s4 =	ssub.s32 $0x2, s0;
	s0 =	sor.u32 s0, s3  }
0x4: {  	[smem:$0x7FF] =	sst s1;
	s24 =	sshrl.u32 s4, $0x1;
	s20 =	sshll.u32 s0, $0x4  }
0x5: {  	s25 =	sshll.u32 s0, $0xB;
	p0 =	sne.s32 s0, $0x1;
	s3 =	ssub.s32 s4, s24  }
0x6: {  	s7 =	sor.u32 $0x200, s20;
	s4 =	sadd.s32 s2, s25;
	s6 =	sor.u32 $0x400, s20  }
0x7: {  	s9 =	sor.u32 $0x600, s20;
	s14 =	sor.u32 $0x800, s20;
	s10 =	sor.u32 $0xA00, s20  }
0x8: {  	s21 =	sor.u32 $0xC00, s20;
	s13 =	sor.u32 $0xE00, s20;
	[dreg:$0x5] =	wrdreg s4  }
0x9: {  	s26 =	sshll.u32 s7, $0x7;
	s28 =	sshll.u32 s6, $0x7;
	s5 =	sshll.u32 s9, $0x7  }
0xa: {  	v45 =	vlaneseq.u32;
	s8 =	sshll.u32 s14, $0x7;
	s11 =	sshll.u32 s10, $0x7;
	s12 =	sshll.u32 s21, $0x7;
	v4 =	vmov s6;
	v8 =	vmov s14  }
0xb: {  	s15 =	sshll.u32 s13, $0x7;
	v9 =	vor.u32 s14, v45;
	v14 =	vmov s13;
	v15 =	vor.u32 s13, v45;
	s14 =	simm.s32 $0xD400;
	s13 =	simm.s32 $0xE400  }
0xc: {  	v5 =	vor.u32 s6, v45;
	v6 =	vmov s9;
	v7 =	vor.u32 s9, v45;
	s9 =	simm.s32 $0xF400;
	s6 =	simm.s32 $0xD;
	s4 =	sadd.s32 s2, s26  }
0xd: {  	s26 =	sor.u32 $0x1E00, s20;
	[dreg:$0x6] =	wrdreg s4;
	s4 =	sadd.s32 s2, s28  }
0xe: {  	s28 =	sor.u32 $0x1400, s20;
	s25 =	sshll.u32 s26, $0x7;
	[dreg:$0x7] =	wrdreg s4  }
0xf: {  	s4 =	sadd.s32 s2, s5;
	s18 =	sshll.u32 s28, $0x7;
	s5 =	rddreg [dreg:$0x2]  }
0x10: {  	[dreg:$0x8] =	wrdreg s4;
	s4 =	sadd.s32 s2, s8;
	s8 =	sor.u32 $0x1000, s20  }
0x11: {  	s29 =	sadd.s32 $0x30, s5;
	s30 =	sadd.s32 $0x40, s5;
	s31 =	sadd.s32 $0x50, s5  }
0x12: {  	s0 =	sadd.s32 $0x70, s5;
	[dreg:$0x9] =	wrdreg s4;
	s4 =	sadd.s32 s2, s11  }
0x13: {  	s16 =	sshll.u32 s8, $0x7;
	s11 =	sor.u32 $0x1600, s20;
	v16 =	vmov s8;
	v17 =	vor.u32 s8, v45;
	s8 =	simm.s32 $0xFC00  }
0x14: {  	[dreg:$0xa] =	wrdreg s4;
	s4 =	sadd.s32 s2, s12;
	s19 =	sshll.u32 s11, $0x7  }
0x15: {  	s12 =	sor.u32 $0x1A00, s20;
	v22 =	vmov s11;
	v23 =	vor.u32 s11, v45;
	s11 =	simm.s32 $0xEC00;
	[dreg:$0xb] =	wrdreg s4  }
0x16: {  	s4 =	sadd.s32 s2, s15;
	s15 =	sor.u32 $0x1200, s20;
	s23 =	sshll.u32 s12, $0x7  }
0x17: {  	v32 =	vimm.s32 $0x1;
	v33 =	vimm.s32 $0x2;
	v34 =	vimm.s32 $0x3;
	[dreg:$0xc] =	wrdreg s4;
	s4 =	sadd.s32 s2, s16;
	s17 =	sshll.u32 s15, $0x7  }
0x18: {  	v35 =	vimm.s32 $0x4;
	v36 =	vimm.s32 $0x5;
	v37 =	vimm.s32 $0x6;
	s16 =	sor.u32 $0x1800, s20;
	[dreg:$0xd] =	wrdreg s4;
	s4 =	sadd.s32 s2, s17  }
0x19: {  	v38 =	vimm.s32 $0x7;
	v18 =	vmov s15;
	v19 =	vor.u32 s15, v45;
	s15 =	simm.s32 $0xCC00;
	[dreg:$0xe] =	wrdreg s4;
	s4 =	sadd.s32 s2, s18  }
0x1a: {  	v39 =	vimm.s32 $0x8;
	v42 =	vimm.s32 $0x0;
	vm0 =	vmmov $0xffff;
	s22 =	sshll.u32 s16, $0x7;
	s17 =	sadd.s32 $0x10, s5;
	[dreg:$0xf] =	wrdreg s4  }
0x1b: {  	v40 =	vadd.s32 $0x2, v45;
	v41 =	vadd.s32 $0x1, v45;
	v44 =	vshrl.u32 v45, $0x3;
	s18 =	sadd.s32 $0x20, s5;
	s4 =	sadd.s32 s2, s19;
	s19 =	rddreg [dreg:$0x3]  }
0x1c: {  	v43 =	vand.u32 $0x7, v45;
	v44 =	vmul.u32 $0x8, v44;
	v0 =	vmov s20;
	[dreg:$0x10] =	wrdreg s4;
	s4 =	sadd.s32 s2, s22;
	s22 =	sor.u32 $0x1C00, s20  }
0x1d: {  	v1 =	vor.u32 s20, v45;
	v2 =	vmov s7;
	v3 =	vor.u32 s7, v45;
	[dreg:$0x11] =	wrdreg s4;
	s4 =	sadd.s32 s2, s23;
	s24 =	sshll.u32 s22, $0x7  }
.Ltmp0:
0x1e: {  	v10 =	vmov s10;
	v11 =	vor.u32 s10, v45;
	v12 =	vmov s21;
	[dreg:$0x12] =	wrdreg s4;
	s4 =	sadd.s32 s2, s24;
	(pc) =	sbr.rel .LBB2_1-.Ltmp0, $4  }
0x1f: {  	v13 =	vor.u32 s21, v45;
	v30 =	vmov s26;
	v31 =	vor.u32 s26, v45;
	s23 =	sadd.s32 $0x100, s19;
	s2 =	sadd.s32 s2, s25;
	[dreg:$0x13] =	wrdreg s4  }
0x20: {  	v20 =	vmov s28;
	v21 =	vor.u32 s28, v45;
	v26 =	vmov s12;
	s24 =	sadd.s32 $0x200, s19;
	s25 =	sadd.s32 $0x300, s19;
	[dreg:$0x14] =	wrdreg s2  }
0x21: {  	v27 =	vor.u32 s12, v45;
	v24 =	vmov s16;
	v25 =	vor.u32 s16, v45;
	s2 =	smax.u32 s3, $0x1;
	_ =	strace $0x80000047;
	[dreg:$0x15] =	wrdreg s17  }
0x22: {  	v28 =	vmov s22;
	v29 =	vor.u32 s22, v45;
	v45 =	vor.u32 $0x8, v45;
	[dreg:$0x16] =	wrdreg s18;
	s17 =	sadd.s32 $0x60, s5;
	s18 =	simm.s32 $0xDC00  }
.LBB2_5:
0x23: {  	vm1 =	vgt.s32 v53, v19  }
0x24: {  	v54 =	vsel vm1, v41, v40;
	vm1 =	vle.s32 v52, v19  }
0x25: {  	v54 =	vadd.s32 v18, v54;
	v55 =	vsel vm1, $0x1, v42;
	vm1 =	vle.s32 v51, v19  }
0x26: {  	v54 =	vadd.s32 v55, v54;
	v60 =	vsel vm1, $0x1, v42;
	vm1 =	vle.s32 v50, v19  }
0x27: {  	v54 =	vadd.s32 v60, v54;
	v61 =	vsel vm1, $0x1, v42;
	vm1 =	vle.s32 v49, v19  }
0x28: {  	v54 =	vadd.s32 v61, v54;
	v62 =	vsel vm1, $0x1, v42;
	vm1 =	vle.s32 v48, v19  }
0x29: {  	v54 =	vadd.s32 v62, v54;
	v63 =	vsel vm1, $0x1, v42;
	vm1 =	vle.s32 v47, v19  }
0x2a: {  	v54 =	vadd.s32 v63, v54;
	v57 =	vsel vm1, $0x1, v42;
	vm1 =	vle.s32 v46, v19  }
0x2b: {  	v54 =	vadd.s32 v57, v54;
	v58 =	vsel vm1, $0x1, v42  }
0x2c: {  	v54 =	vadd.s32 v58, v54  }
0x2d: {  	v55 =	vshll.u32 v54, $0x3  }
0x2e: {  	s28 =	simm.s32 $0xC;
	v56 =	vand.u32 $0x7, v54;
	v55 =	vand.u32 $0xFFFFFFC0, v55  }
0x2f: {  	_ =	swait.ge [sflag:s28], $0x4000;
	v55 =	vor.u32 v56, v55  }
0x30: {  	[sflag:s28] =	ssyncset.done $0x0;
	v56 =	vperm.xlane v55, v43  }
0x31: {  	s5 =	simm.s32 $0x14400;
	s2 =	rddreg [dreg:$0x10];
	[sflag:s28] =	ssyncadd.s32 $0xFFFFC000  }
0x32: {  	[tilespmem:s5], [sflag:$0x6] =	stream.linear.gather [hbm4b:s2+s1], $0x4000, $0x38;
	v56 =	vadd.s32 v44, v56;
	[tilespmem:$0x1C400] =	vst v63  }
0x33: {  	s7 =	simm.s32 $0x4;
	[tilespmem:$0x280] =	vst v54  }
0x34: {  	_ =	swait.ge [sflag:s7], $0x4000  }
0x35: {  	[sflag:s7] =	ssyncset.done $0x0  }
0x36: {  	s21 =	simm.s32 $0xC400;
	[sflag:s7] =	ssyncadd.s32 $0xFFFFC000  }
0x37: {  	[hbm4b:s19+s1] =	stream.indirect_vreg.scatter [tilespmem:s21], [sflag:$0xA], $0x80, v56, vm0, $0xb8;
	[tilespmem:$0x1C400] =	vst v63  }
0x38: {  	s13 =	simm.s32 $0xCC00;
	v59 =	vperm.xlane v55, v45  }
0x39: {  	[hbm4b:s23+s1] =	stream.indirect_vreg.scatter [tilespmem:s13], [sflag:$0xA], $0x80, v56, vm0, $0xb8;
	[tilespmem:$0x1C400] =	vst v63  }
0x3a: {  	s18 =	simm.s32 $0xD400;
	vm1 =	vgt.s32 v53, v21;
	v54 =	vadd.s32 v44, v59  }
0x3b: {  	v60 =	vsel vm1, v41, v40;
	vm1 =	vle.s32 v52, v21;
	[hbm4b:s24+s1] =	stream.indirect_vreg.scatter [tilespmem:s18], [sflag:$0xA], $0x80, v56, vm0, $0xb8;
	[tilespmem:$0x1C400] =	vst v63  }
0x3c: {  	s11 =	simm.s32 $0xDC00;
	v57 =	vsel vm1, $0x1, v42;
	vm1 =	vle.s32 v51, v21;
	v55 =	vadd.s32 v20, v60  }
0x3d: {  	v61 =	vsel vm1, $0x1, v42;
	vm1 =	vle.s32 v50, v21;
	v55 =	vadd.s32 v57, v55;
	[hbm4b:s25+s1] =	stream.indirect_vreg.scatter [tilespmem:s11], [sflag:$0xA], $0x80, v56, vm0, $0xb8;
	[tilespmem:$0x1C400] =	vst v63  }
0x3e: {  	s9 =	simm.s32 $0xE400;
	v62 =	vsel vm1, $0x1, v42;
	vm1 =	vle.s32 v49, v21;
	v55 =	vadd.s32 v61, v55  }
0x3f: {  	v63 =	vsel vm1, $0x1, v42;
	vm1 =	vle.s32 v48, v21;
	v55 =	vadd.s32 v62, v55;
	[hbm4b:s19+s1] =	stream.indirect_vreg.scatter [tilespmem:s9], [sflag:$0xA], $0x80, v54, vm0, $0xb8;
	[tilespmem:$0x1C400] =	vst v63  }
0x40: {  	s22 =	simm.s32 $0xEC00;
	v60 =	vsel vm1, $0x1, v42;
	vm1 =	vle.s32 v47, v21;
	v55 =	vadd.s32 v63, v55  }
0x41: {  	v61 =	vsel vm1, $0x1, v42;
	vm1 =	vle.s32 v46, v21;
	v55 =	vadd.s32 v60, v55;
	[hbm4b:s23+s1] =	stream.indirect_vreg.scatter [tilespmem:s22], [sflag:$0xA], $0x80, v54, vm0, $0xb8;
	[tilespmem:$0x1C400] =	vst v63  }
0x42: {  	s8 =	simm.s32 $0xF400;
	v62 =	vsel vm1, $0x1, v42;
	v55 =	vadd.s32 v61, v55  }
0x43: {  	v55 =	vadd.s32 v62, v55;
	[hbm4b:s24+s1] =	stream.indirect_vreg.scatter [tilespmem:s8], [sflag:$0xA], $0x80, v54, vm0, $0xb8;
	[tilespmem:$0x1C400] =	vst v63  }
0x44: {  	s20 =	simm.s32 $0xFC00;
	s16 =	simm.s32 $0x7;
	v56 =	vshll.u32 v55, $0x3  }
0x45: {  	v63 =	vand.u32 $0x7, v55;
	v56 =	vand.u32 $0xFFFFFFC0, v56;
	[hbm4b:s25+s1] =	stream.indirect_vreg.scatter [tilespmem:s20], [sflag:$0xA], $0x80, v54, vm0, $0xb8;
	[tilespmem:$0x1C400] =	vst v63  }
0x46: {  	v54 =	vor.u32 v63, v56;
	_ =	swait.ge [sflag:s16], $0x4000  }
0x47: {  	v56 =	vperm.xlane v54, v43;
	[sflag:s16] =	ssyncset.done $0x0  }
0x48: {  	s3 =	simm.s32 $0x400;
	s12 =	rddreg [dreg:$0x11];
	[sflag:s16] =	ssyncadd.s32 $0xFFFFC000  }
0x49: {  	v56 =	vadd.s32 v44, v56;
	[tilespmem:s3], [sflag:$0x1] =	stream.linear.gather [hbm4b:s12+s1], $0x4000, $0x38;
	[tilespmem:$0x1C400] =	vst v63  }
0x4a: {  	s26 =	simm.s32 $0x5;
	[tilespmem:$0x300] =	vst v55  }
0x4b: {  	_ =	swait.ge [sflag:s26], $0x4000  }
0x4c: {  	[sflag:s26] =	ssyncset.done $0x0  }
0x4d: {  	[sflag:s26] =	ssyncadd.s32 $0xFFFFC000  }
0x4e: {  	[hbm4b:s19+s1] =	stream.indirect_vreg.scatter [tilespmem:s4], [sflag:$0xB], $0x80, v56, vm0, $0xb8;
	[tilespmem:$0x1C400] =	vst v63  }
0x4f: {  	v54 =	vperm.xlane v54, v45;
	s4 =	simm.s32 $0x10C00  }
0x50: {  	[hbm4b:s23+s1] =	stream.indirect_vreg.scatter [tilespmem:s4], [sflag:$0xB], $0x80, v56, vm0, $0xb8;
	[tilespmem:$0x1C400] =	vst v63  }
0x51: {  	vm1 =	vgt.s32 v53, v23;
	v54 =	vadd.s32 v44, v54;
	s12 =	simm.s32 $0x11400  }
0x52: {  	v59 =	vsel vm1, v41, v40;
	vm1 =	vle.s32 v52, v23;
	[hbm4b:s24+s1] =	stream.indirect_vreg.scatter [tilespmem:s12], [sflag:$0xB], $0x80, v56, vm0, $0xb8;
	[tilespmem:$0x1C400] =	vst v63  }
0x53: {  	v60 =	vsel vm1, $0x1, v42;
	vm1 =	vle.s32 v51, v23;
	v55 =	vadd.s32 v22, v59;
	s26 =	simm.s32 $0x11C00  }
0x54: {  	v61 =	vsel vm1, $0x1, v42;
	vm1 =	vle.s32 v50, v23;
	v55 =	vadd.s32 v60, v55;
	[hbm4b:s25+s1] =	stream.indirect_vreg.scatter [tilespmem:s26], [sflag:$0xB], $0x80, v56, vm0, $0xb8;
	[tilespmem:$0x1C400] =	vst v63  }
0x55: {  	v62 =	vsel vm1, $0x1, v42;
	vm1 =	vle.s32 v49, v23;
	v55 =	vadd.s32 v61, v55;
	s4 =	simm.s32 $0x12400  }
0x56: {  	v63 =	vsel vm1, $0x1, v42;
	vm1 =	vle.s32 v48, v23;
	v55 =	vadd.s32 v62, v55;
	[hbm4b:s19+s1] =	stream.indirect_vreg.scatter [tilespmem:s4], [sflag:$0xB], $0x80, v54, vm0, $0xb8;
	[tilespmem:$0x1C400] =	vst v63  }
0x57: {  	v60 =	vsel vm1, $0x1, v42;
	vm1 =	vle.s32 v47, v23;
	v55 =	vadd.s32 v63, v55;
	s12 =	simm.s32 $0x12C00  }
0x58: {  	v61 =	vsel vm1, $0x1, v42;
	vm1 =	vle.s32 v46, v23;
	v55 =	vadd.s32 v60, v55;
	[hbm4b:s23+s1] =	stream.indirect_vreg.scatter [tilespmem:s12], [sflag:$0xB], $0x80, v54, vm0, $0xb8;
	[tilespmem:$0x1C400] =	vst v63  }
0x59: {  	v62 =	vsel vm1, $0x1, v42;
	v55 =	vadd.s32 v61, v55;
	s26 =	simm.s32 $0x13400  }
0x5a: {  	v55 =	vadd.s32 v62, v55;
	[hbm4b:s24+s1] =	stream.indirect_vreg.scatter [tilespmem:s26], [sflag:$0xB], $0x80, v54, vm0, $0xb8;
	[tilespmem:$0x1C400] =	vst v63  }
0x5b: {  	v56 =	vshll.u32 v55, $0x3;
	s4 =	simm.s32 $0x13C00;
	s26 =	simm.s32 $0x8  }
0x5c: {  	v63 =	vand.u32 $0x7, v55;
	v56 =	vand.u32 $0xFFFFFFC0, v56;
	[hbm4b:s25+s1] =	stream.indirect_vreg.scatter [tilespmem:s4], [sflag:$0xB], $0x80, v54, vm0, $0xb8;
	[tilespmem:$0x1C400] =	vst v63  }
0x5d: {  	v54 =	vor.u32 v63, v56;
	_ =	swait.ge [sflag:s26], $0x4000  }
0x5e: {  	v56 =	vperm.xlane v54, v43;
	[sflag:s26] =	ssyncset.done $0x0  }
0x5f: {  	s4 =	simm.s32 $0x4400;
	s12 =	rddreg [dreg:$0x12];
	[sflag:s26] =	ssyncadd.s32 $0xFFFFC000  }
0x60: {  	v56 =	vadd.s32 v44, v56;
	[tilespmem:s4], [sflag:$0x2] =	stream.linear.gather [hbm4b:s12+s1], $0x4000, $0x38;
	[tilespmem:$0x1C400] =	vst v63  }
0x61: {  	s12 =	simm.s32 $0x6;
	[tilespmem:$0x380] =	vst v55  }
0x62: {  	_ =	swait.ge [sflag:s12], $0x4000  }
0x63: {  	[sflag:s12] =	ssyncset.done $0x0  }
0x64: {  	[sflag:s12] =	ssyncadd.s32 $0xFFFFC000  }
0x65: {  	[hbm4b:s19+s1] =	stream.indirect_vreg.scatter [tilespmem:s5], [sflag:$0xC], $0x80, v56, vm0, $0xb8;
	[tilespmem:$0x1C400] =	vst v63  }
0x66: {  	v54 =	vperm.xlane v54, v45;
	s12 =	simm.s32 $0x14C00  }
0x67: {  	[hbm4b:s23+s1] =	stream.indirect_vreg.scatter [tilespmem:s12], [sflag:$0xC], $0x80, v56, vm0, $0xb8;
	[tilespmem:$0x1C400] =	vst v63  }
0x68: {  	v54 =	vadd.s32 v44, v54;
	s5 =	simm.s32 $0x15400  }
0x69: {  	vm1 =	vgt.s32 v53, v25;
	[hbm4b:s24+s1] =	stream.indirect_vreg.scatter [tilespmem:s5], [sflag:$0xC], $0x80, v56, vm0, $0xb8;
	[tilespmem:$0x1C400] =	vst v63  }
0x6a: {  	v60 =	vsel vm1, v41, v40;
	vm1 =	vle.s32 v52, v25;
	s12 =	simm.s32 $0x15C00  }
0x6b: {  	v61 =	vsel vm1, $0x1, v42;
	vm1 =	vle.s32 v51, v25;
	v55 =	vadd.s32 v24, v60;
	[hbm4b:s25+s1] =	stream.indirect_vreg.scatter [tilespmem:s12], [sflag:$0xC], $0x80, v56, vm0, $0xb8;
	[tilespmem:$0x1C400] =	vst v63  }
0x6c: {  	v62 =	vsel vm1, $0x1, v42;
	vm1 =	vle.s32 v50, v25;
	v55 =	vadd.s32 v61, v55;
	s5 =	simm.s32 $0x16400  }
0x6d: {  	v63 =	vsel vm1, $0x1, v42;
	vm1 =	vle.s32 v49, v25;
	v55 =	vadd.s32 v62, v55;
	[hbm4b:s19+s1] =	stream.indirect_vreg.scatter [tilespmem:s5], [sflag:$0xC], $0x80, v54, vm0, $0xb8;
	[tilespmem:$0x1C400] =	vst v63  }
0x6e: {  	v60 =	vsel vm1, $0x1, v42;
	vm1 =	vle.s32 v48, v25;
	v55 =	vadd.s32 v63, v55;
	s12 =	simm.s32 $0x16C00  }
0x6f: {  	v61 =	vsel vm1, $0x1, v42;
	vm1 =	vle.s32 v47, v25;
	v55 =	vadd.s32 v60, v55;
	[hbm4b:s23+s1] =	stream.indirect_vreg.scatter [tilespmem:s12], [sflag:$0xC], $0x80, v54, vm0, $0xb8;
	[tilespmem:$0x1C400] =	vst v63  }
0x70: {  	v62 =	vsel vm1, $0x1, v42;
	vm1 =	vle.s32 v46, v25;
	v55 =	vadd.s32 v61, v55;
	s5 =	simm.s32 $0x17400  }
0x71: {  	v63 =	vsel vm1, $0x1, v42;
	v55 =	vadd.s32 v62, v55;
	[hbm4b:s24+s1] =	stream.indirect_vreg.scatter [tilespmem:s5], [sflag:$0xC], $0x80, v54, vm0, $0xb8;
	[tilespmem:$0x1C400] =	vst v63  }
0x72: {  	v55 =	vadd.s32 v63, v55;
	s12 =	simm.s32 $0x17C00  }
0x73: {  	v56 =	vshll.u32 v55, $0x3;
	[hbm4b:s25+s1] =	stream.indirect_vreg.scatter [tilespmem:s12], [sflag:$0xC], $0x80, v54, vm0, $0xb8;
	[tilespmem:$0x1C400] =	vst v63  }
0x74: {  	v60 =	vand.u32 $0x7, v55;
	v56 =	vand.u32 $0xFFFFFFC0, v56;
	s12 =	simm.s32 $0x9  }
0x75: {  	v54 =	vor.u32 v60, v56;
	_ =	swait.ge [sflag:s12], $0x4000  }
0x76: {  	v56 =	vperm.xlane v54, v43;
	[sflag:s12] =	ssyncset.done $0x0  }
0x77: {  	s5 =	simm.s32 $0x8400;
	s2 =	rddreg [dreg:$0x13];
	[sflag:s12] =	ssyncadd.s32 $0xFFFFC000  }
0x78: {  	v56 =	vadd.s32 v44, v56;
	[tilespmem:s5], [sflag:$0x3] =	stream.linear.gather [hbm4b:s2+s1], $0x4000, $0x38;
	[tilespmem:$0x1C400] =	vst v63  }
0x79: {  	s2 =	simm.s32 $0x1;
	[tilespmem:$0x100] =	vst v55  }
0x7a: {  	_ =	swait.ge [sflag:s2], $0x4000  }
0x7b: {  	[sflag:s2] =	ssyncset.done $0x0  }
0x7c: {  	[sflag:s2] =	ssyncadd.s32 $0xFFFFC000  }
0x7d: {  	[hbm4b:s19+s1] =	stream.indirect_vreg.scatter [tilespmem:s3], [sflag:$0x7], $0x80, v56, vm0, $0xb8;
	[tilespmem:$0x1C400] =	vst v63  }
0x7e: {  	v54 =	vperm.xlane v54, v45  }
0x7f: {  	[hbm4b:s23+s1] =	stream.indirect_vreg.scatter [tilespmem:s15], [sflag:$0x7], $0x80, v56, vm0, $0xb8;
	[tilespmem:$0x1C400] =	vst v63  }
0x80: {  	vm1 =	vgt.s32 v53, v27;
	v54 =	vadd.s32 v44, v54;
	s15 =	simm.s32 $0x1400  }
0x81: {  	v61 =	vsel vm1, v41, v40;
	vm1 =	vle.s32 v52, v27;
	[hbm4b:s24+s1] =	stream.indirect_vreg.scatter [tilespmem:s15], [sflag:$0x7], $0x80, v56, vm0, $0xb8;
	[tilespmem:$0x1C400] =	vst v63  }
0x82: {  	v62 =	vsel vm1, $0x1, v42;
	vm1 =	vle.s32 v51, v27;
	v55 =	vadd.s32 v26, v61;
	s3 =	simm.s32 $0x1C00  }
0x83: {  	v63 =	vsel vm1, $0x1, v42;
	vm1 =	vle.s32 v50, v27;
	v55 =	vadd.s32 v62, v55;
	[hbm4b:s25+s1] =	stream.indirect_vreg.scatter [tilespmem:s3], [sflag:$0x7], $0x80, v56, vm0, $0xb8;
	[tilespmem:$0x1C400] =	vst v63  }
0x84: {  	v60 =	vsel vm1, $0x1, v42;
	vm1 =	vle.s32 v49, v27;
	v55 =	vadd.s32 v63, v55;
	s15 =	simm.s32 $0x2400  }
0x85: {  	v61 =	vsel vm1, $0x1, v42;
	vm1 =	vle.s32 v48, v27;
	v55 =	vadd.s32 v60, v55;
	[hbm4b:s19+s1] =	stream.indirect_vreg.scatter [tilespmem:s15], [sflag:$0x7], $0x80, v54, vm0, $0xb8;
	[tilespmem:$0x1C400] =	vst v63  }
0x86: {  	v62 =	vsel vm1, $0x1, v42;
	vm1 =	vle.s32 v47, v27;
	v55 =	vadd.s32 v61, v55  }
0x87: {  	v63 =	vsel vm1, $0x1, v42;
	vm1 =	vle.s32 v46, v27;
	v55 =	vadd.s32 v62, v55;
	[hbm4b:s23+s1] =	stream.indirect_vreg.scatter [tilespmem:s14], [sflag:$0x7], $0x80, v54, vm0, $0xb8;
	[tilespmem:$0x1C400] =	vst v63  }
0x88: {  	v60 =	vsel vm1, $0x1, v42;
	v55 =	vadd.s32 v63, v55;
	s3 =	simm.s32 $0x3400  }
0x89: {  	v55 =	vadd.s32 v60, v55;
	[hbm4b:s24+s1] =	stream.indirect_vreg.scatter [tilespmem:s3], [sflag:$0x7], $0x80, v54, vm0, $0xb8;
	[tilespmem:$0x1C400] =	vst v63  }
0x8a: {  	v56 =	vshll.u32 v55, $0x3;
	s14 =	simm.s32 $0x3C00;
	s3 =	simm.s32 $0xA  }
0x8b: {  	v61 =	vand.u32 $0x7, v55;
	v56 =	vand.u32 $0xFFFFFFC0, v56;
	[hbm4b:s25+s1] =	stream.indirect_vreg.scatter [tilespmem:s14], [sflag:$0x7], $0x80, v54, vm0, $0xb8;
	[tilespmem:$0x1C400] =	vst v63  }
0x8c: {  	v54 =	vor.u32 v61, v56;
	_ =	swait.ge [sflag:s3], $0x4000  }
0x8d: {  	v56 =	vperm.xlane v54, v43;
	[sflag:s3] =	ssyncset.done $0x0  }
0x8e: {  	s15 =	rddreg [dreg:$0x14];
	[sflag:s3] =	ssyncadd.s32 $0xFFFFC000  }
0x8f: {  	v56 =	vadd.s32 v44, v56;
	[tilespmem:s21], [sflag:$0x4] =	stream.linear.gather [hbm4b:s15+s1], $0x4000, $0x38;
	[tilespmem:$0x1C400] =	vst v63  }
0x90: {  	s14 =	simm.s32 $0x2;
	[tilespmem:$0x180] =	vst v55  }
0x91: {  	vm1 =	vgt.s32 v53, v29;
	_ =	swait.ge [sflag:s14], $0x4000  }
0x92: {  	v62 =	vsel vm1, v41, v40;
	vm1 =	vle.s32 v52, v29;
	[sflag:s14] =	ssyncset.done $0x0  }
0x93: {  	v63 =	vsel vm1, $0x1, v42;
	vm1 =	vle.s32 v51, v29;
	[sflag:s14] =	ssyncadd.s32 $0xFFFFC000  }
0x94: {  	v60 =	vsel vm1, $0x1, v42;
	[hbm4b:s19+s1] =	stream.indirect_vreg.scatter [tilespmem:s4], [sflag:$0x8], $0x80, v56, vm0, $0xb8;
	[tilespmem:$0x1C400] =	vst v63  }
0x95: {  	vm1 =	vle.s32 v50, v29;
	v54 =	vperm.xlane v54, v45;
	s15 =	simm.s32 $0x4C00;
	v55 =	vadd.s32 v28, v62  }
0x96: {  	v61 =	vsel vm1, $0x1, v42;
	v55 =	vadd.s32 v63, v55;
	[hbm4b:s23+s1] =	stream.indirect_vreg.scatter [tilespmem:s15], [sflag:$0x8], $0x80, v56, vm0, $0xb8;
	[tilespmem:$0x1C400] =	vst v63  }
0x97: {  	vm1 =	vle.s32 v49, v29;
	v54 =	vadd.s32 v44, v54;
	v55 =	vadd.s32 v60, v55;
	s4 =	simm.s32 $0x5400  }
0x98: {  	v62 =	vsel vm1, $0x1, v42;
	vm1 =	vle.s32 v48, v29;
	v55 =	vadd.s32 v61, v55;
	[hbm4b:s24+s1] =	stream.indirect_vreg.scatter [tilespmem:s4], [sflag:$0x8], $0x80, v56, vm0, $0xb8;
	[tilespmem:$0x1C400] =	vst v63  }
0x99: {  	v63 =	vsel vm1, $0x1, v42;
	vm1 =	vle.s32 v47, v29;
	s14 =	simm.s32 $0x5C00;
	v55 =	vadd.s32 v62, v55  }
0x9a: {  	v60 =	vsel vm1, $0x1, v42;
	vm1 =	vle.s32 v46, v29;
	v55 =	vadd.s32 v63, v55;
	[hbm4b:s25+s1] =	stream.indirect_vreg.scatter [tilespmem:s14], [sflag:$0x8], $0x80, v56, vm0, $0xb8;
	[tilespmem:$0x1C400] =	vst v63  }
0x9b: {  	v61 =	vsel vm1, $0x1, v42;
	v55 =	vadd.s32 v60, v55;
	s15 =	simm.s32 $0x6400  }
0x9c: {  	v55 =	vadd.s32 v61, v55;
	[hbm4b:s19+s1] =	stream.indirect_vreg.scatter [tilespmem:s15], [sflag:$0x8], $0x80, v54, vm0, $0xb8;
	[tilespmem:$0x1C400] =	vst v63  }
0x9d: {  	s4 =	simm.s32 $0x6C00;
	v56 =	vshll.u32 v55, $0x3  }
0x9e: {  	v62 =	vand.u32 $0x7, v55;
	v56 =	vand.u32 $0xFFFFFFC0, v56;
	[hbm4b:s23+s1] =	stream.indirect_vreg.scatter [tilespmem:s4], [sflag:$0x8], $0x80, v54, vm0, $0xb8;
	[tilespmem:$0x1C400] =	vst v63  }
0x9f: {  	s14 =	simm.s32 $0x7400;
	v56 =	vor.u32 v62, v56  }
0xa0: {  	v57 =	vperm.xlane v56, v43;
	[hbm4b:s24+s1] =	stream.indirect_vreg.scatter [tilespmem:s14], [sflag:$0x8], $0x80, v54, vm0, $0xb8;
	[tilespmem:$0x1C400] =	vst v63  }
0xa1: {  	s15 =	simm.s32 $0x7C00  }
0xa2: {  	[hbm4b:s25+s1] =	stream.indirect_vreg.scatter [tilespmem:s15], [sflag:$0x8], $0x80, v54, vm0, $0xb8;
	v54 =	vadd.s32 v44, v57;
	[tilespmem:$0x1C400] =	vst v63  }
0xa3: {  	s4 =	simm.s32 $0x3;
	[tilespmem:$0x200] =	vst v55  }
0xa4: {  	v63 =	vperm.xlane v56, v45;
	_ =	swait.ge [sflag:s4], $0x4000  }
0xa5: {  	[sflag:s4] =	ssyncset.done $0x0  }
0xa6: {  	vm1 =	vgt.s32 v53, v31;
	v53 =	vadd.s32 v44, v63;
	[sflag:s4] =	ssyncadd.s32 $0xFFFFC000  }
0xa7: {  	v57 =	vsel vm1, v41, v40;
	vm1 =	vle.s32 v52, v31;
	[hbm4b:s19+s1] =	stream.indirect_vreg.scatter [tilespmem:s5], [sflag:$0x9], $0x80, v54, vm0, $0xb8;
	[tilespmem:$0x1C400] =	vst v63  }
0xa8: {  	v58 =	vadd.s32 v30, v57;
	v59 =	vsel vm1, $0x1, v42;
	vm1 =	vle.s32 v51, v31;
	s5 =	simm.s32 $0x8C00  }
0xa9: {  	v60 =	vadd.s32 v59, v58;
	v61 =	vsel vm1, $0x1, v42;
	vm1 =	vle.s32 v50, v31;
	[hbm4b:s23+s1] =	stream.indirect_vreg.scatter [tilespmem:s5], [sflag:$0x9], $0x80, v54, vm0, $0xb8;
	[tilespmem:$0x1C400] =	vst v63  }
0xaa: {  	s14 =	simm.s32 $0x9400;
	v62 =	vadd.s32 v61, v60;
	v63 =	vsel vm1, $0x1, v42;
	vm1 =	vle.s32 v49, v31  }
0xab: {  	v52 =	vadd.s32 v63, v62;
	v55 =	vsel vm1, $0x1, v42;
	vm1 =	vle.s32 v48, v31;
	[hbm4b:s24+s1] =	stream.indirect_vreg.scatter [tilespmem:s14], [sflag:$0x9], $0x80, v54, vm0, $0xb8;
	[tilespmem:$0x1C400] =	vst v63  }
0xac: {  	s15 =	simm.s32 $0x9C00;
	v56 =	vadd.s32 v55, v52;
	v57 =	vsel vm1, $0x1, v42;
	vm1 =	vle.s32 v47, v31  }
0xad: {  	v58 =	vadd.s32 v57, v56;
	v59 =	vsel vm1, $0x1, v42;
	vm1 =	vle.s32 v46, v31;
	[hbm4b:s25+s1] =	stream.indirect_vreg.scatter [tilespmem:s15], [sflag:$0x9], $0x80, v54, vm0, $0xb8;
	[tilespmem:$0x1C400] =	vst v63  }
0xae: {  	s4 =	simm.s32 $0xA400;
	v60 =	vadd.s32 v59, v58;
	v61 =	vsel vm1, $0x1, v42  }
0xaf: {  	v46 =	vadd.s32 v61, v60;
	[hbm4b:s19+s1] =	stream.indirect_vreg.scatter [tilespmem:s4], [sflag:$0x9], $0x80, v53, vm0, $0xb8;
	[tilespmem:$0x1C400] =	vst v63  }
0xb0: {  	s5 =	simm.s32 $0xAC00;
	v47 =	vshll.u32 v46, $0x3  }
0xb1: {  	v62 =	vand.u32 $0x7, v46;
	v47 =	vand.u32 $0xFFFFFFC0, v47;
	[hbm4b:s23+s1] =	stream.indirect_vreg.scatter [tilespmem:s5], [sflag:$0x9], $0x80, v53, vm0, $0xb8;
	[tilespmem:$0x1C400] =	vst v63  }
0xb2: {  	s14 =	simm.s32 $0xB400;
	v47 =	vor.u32 v62, v47  }
0xb3: {  	v48 =	vperm.xlane v47, v43;
	[hbm4b:s24+s1] =	stream.indirect_vreg.scatter [tilespmem:s14], [sflag:$0x9], $0x80, v53, vm0, $0xb8;
	[tilespmem:$0x1C400] =	vst v63  }
0xb4: {  	s15 =	simm.s32 $0xBC00  }
0xb5: {  	v48 =	vadd.s32 v44, v48;
	[hbm4b:s25+s1] =	stream.indirect_vreg.scatter [tilespmem:s15], [sflag:$0x9], $0x80, v53, vm0, $0xb8;
	[tilespmem:$0x1C400] =	vst v63  }
0xb6: {  	[tilespmem:$0x280] =	vst v46  }
0xb7: {  	_ =	swait.ge [sflag:s7], $0x4000  }
0xb8: {  	[sflag:s7] =	ssyncset.done $0x0  }
0xb9: {  	[sflag:s7] =	ssyncadd.s32 $0xFFFFC000  }
0xba: {  	[hbm4b:s19+s1] =	stream.indirect_vreg.scatter [tilespmem:s21], [sflag:$0xA], $0x80, v48, vm0, $0xb8;
	[tilespmem:$0x1C400] =	vst v63  }
0xbb: {  	v63 =	vperm.xlane v47, v45  }
0xbc: {  	[hbm4b:s23+s1] =	stream.indirect_vreg.scatter [tilespmem:s13], [sflag:$0xA], $0x80, v48, vm0, $0xb8;
	[tilespmem:$0x1C400] =	vst v63  }
0xbd: {  	v46 =	vadd.s32 v44, v63  }
0xbe: {  	[hbm4b:s24+s1] =	stream.indirect_vreg.scatter [tilespmem:s18], [sflag:$0xA], $0x80, v48, vm0, $0xb8;
	[tilespmem:$0x1C400] =	vst v63  }
0xbf: {  	_ = 	snop  }
0xc0: {  	[hbm4b:s25+s1] =	stream.indirect_vreg.scatter [tilespmem:s11], [sflag:$0xA], $0x80, v48, vm0, $0xb8;
	[tilespmem:$0x1C400] =	vst v63  }
0xc1: {  	_ = 	snop  }
0xc2: {  	[hbm4b:s19+s1] =	stream.indirect_vreg.scatter [tilespmem:s9], [sflag:$0xA], $0x80, v46, vm0, $0xb8;
	[tilespmem:$0x1C400] =	vst v63  }
0xc3: {  	_ = 	snop  }
0xc4: {  	[hbm4b:s23+s1] =	stream.indirect_vreg.scatter [tilespmem:s22], [sflag:$0xA], $0x80, v46, vm0, $0xb8;
	[tilespmem:$0x1C400] =	vst v63  }
0xc5: {  	_ = 	snop  }
0xc6: {  	[hbm4b:s24+s1] =	stream.indirect_vreg.scatter [tilespmem:s8], [sflag:$0xA], $0x80, v46, vm0, $0xb8;
	[tilespmem:$0x1C400] =	vst v63  }
0xc7: {  	s22 =	simm.s32 $0xB  }
0xc8: {  	[hbm4b:s25+s1] =	stream.indirect_vreg.scatter [tilespmem:s20], [sflag:$0xA], $0x80, v46, vm0, $0xb8;
	[tilespmem:$0x1C400] =	vst v63  }
0xc9: {  	_ =	swait.ge [sflag:s22], $0x4000  }
0xca: {  	[sflag:s22] =	ssyncset.done $0x0  }
0xcb: {  	[sflag:s22] =	ssyncadd.s32 $0xFFFFC000  }
0xcc: {  	_ =	swait.ge [sflag:s28], $0x4000  }
0xcd: {  	[sflag:s28] =	ssyncset.done $0x0  }
0xce: {  	[sflag:s28] =	ssyncadd.s32 $0xFFFFC000  }
0xcf: {  	_ =	swait.ge [sflag:s16], $0x4000  }
0xd0: {  	[sflag:s16] =	ssyncset.done $0x0  }
0xd1: {  	[sflag:s16] =	ssyncadd.s32 $0xFFFFC000  }
0xd2: {  	_ =	swait.ge [sflag:s26], $0x4000  }
0xd3: {  	[sflag:s26] =	ssyncset.done $0x0  }
0xd4: {  	[sflag:s26] =	ssyncadd.s32 $0xFFFFC000  }
0xd5: {  	_ =	swait.ge [sflag:s12], $0x4000  }
0xd6: {  	[sflag:s12] =	ssyncset.done $0x0  }
0xd7: {  	s10 =	sadd.s32 $0xFFFFFFFF, s10;
	[sflag:s12] =	ssyncadd.s32 $0xFFFFC000  }
0xd8: {  	p1 =	sne.s32 s10, $0x0;
	_ =	swait.ge [sflag:s3], $0x4000  }
.Ltmp1:
0xd9: {  	s2 =	simm.s32 @!p0 $0xD;
	[sflag:s3] =	ssyncset.done $0x0;
	(pc) =	sbr.rel @!p1 .LBB2_6-.Ltmp1, $4  }
0xda: {  	s14 =	simm.s32 $0xD400;
	s15 =	simm.s32 $0xCC00;
	[sflag:s3] =	ssyncadd.s32 $0xFFFFC000  }
0xdb: {  	s13 =	simm.s32 $0xE400;
	s18 =	simm.s32 $0xDC00;
	_ =	swait.ge @!p0 [sflag:s2], $0x4000  }
0xdc: {  	s11 =	simm.s32 $0xEC00;
	s9 =	simm.s32 $0xF400;
	[sflag:s2] =	ssyncset.done @!p0 $0x0  }
0xdd: {  	s8 =	simm.s32 $0xFC00;
	[sflag:s2] =	ssyncadd.s32 @!p0 $0xFFFFC000;
	s2 =	smov.u32 s10  }
.LBB2_1:
.Ltmp2:
0xde: {  	(pc) =	sbr.rel @p0 .LBB2_3-.Ltmp2, $2  }
0xdf: {  	_ =	sdelay $0x2  }
0xe0: {  	[dreg:$0x17] =	wrdreg s2  }
0xe1: {  	s2 =	simm.s32 $0x18400;
	s3 =	rddreg [dreg:$0x2]  }
0xe2: {  	[tilespmem:s2], [sflag:$0xD] =	stream.linear.gather [hbm4b:s3+s1], $0x80, $0x38;
	[tilespmem:$0x1C400] =	vst v63  }
0xe3: {  	s5 =	simm.s32 $0x18800;
	s4 =	rddreg [dreg:$0x15]  }
0xe4: {  	[tilespmem:s5], [sflag:$0xD] =	stream.linear.gather [hbm4b:s4+s1], $0x80, $0x38;
	[tilespmem:$0x1C400] =	vst v63  }
0xe5: {  	s7 =	simm.s32 $0x18C00;
	s5 =	rddreg [dreg:$0x16]  }
0xe6: {  	[tilespmem:s7], [sflag:$0xD] =	stream.linear.gather [hbm4b:s5+s1], $0x80, $0x38;
	[tilespmem:$0x1C400] =	vst v63  }
0xe7: {  	s10 =	simm.s32 $0x19000  }
0xe8: {  	[tilespmem:s10], [sflag:$0xD] =	stream.linear.gather [hbm4b:s29+s1], $0x80, $0x38;
	[tilespmem:$0x1C400] =	vst v63  }
0xe9: {  	s12 =	simm.s32 $0x19400  }
0xea: {  	[tilespmem:s12], [sflag:$0xD] =	stream.linear.gather [hbm4b:s30+s1], $0x80, $0x38;
	[tilespmem:$0x1C400] =	vst v63  }
0xeb: {  	s16 =	simm.s32 $0x19800  }
0xec: {  	[tilespmem:s16], [sflag:$0xD] =	stream.linear.gather [hbm4b:s31+s1], $0x80, $0x38;
	[tilespmem:$0x1C400] =	vst v63  }
0xed: {  	s20 =	simm.s32 $0x19C00  }
0xee: {  	[tilespmem:s20], [sflag:$0xD] =	stream.linear.gather [hbm4b:s17+s1], $0x80, $0x38;
	[tilespmem:$0x1C400] =	vst v63  }
0xef: {  	s21 =	simm.s32 $0x1A000  }
0xf0: {  	[tilespmem:s21], [sflag:$0xD] =	stream.linear.gather [hbm4b:s0+s1], $0x80, $0x38;
	[tilespmem:$0x1C400] =	vst v63  }
0xf1: {  	s22 =	simm.s32 $0x18480  }
0xf2: {  	[tilespmem:s22], [sflag:$0xD] =	stream.linear.gather [hbm4b:s3+s1], $0x80, $0x38;
	[tilespmem:$0x1C400] =	vst v63  }
0xf3: {  	s26 =	simm.s32 $0x18880  }
0xf4: {  	[tilespmem:s26], [sflag:$0xD] =	stream.linear.gather [hbm4b:s4+s1], $0x80, $0x38;
	[tilespmem:$0x1C400] =	vst v63  }
0xf5: {  	s28 =	simm.s32 $0x18C80  }
0xf6: {  	[tilespmem:s28], [sflag:$0xD] =	stream.linear.gather [hbm4b:s5+s1], $0x80, $0x38;
	[tilespmem:$0x1C400] =	vst v63  }
0xf7: {  	s7 =	simm.s32 $0x19080  }
0xf8: {  	[tilespmem:s7], [sflag:$0xD] =	stream.linear.gather [hbm4b:s29+s1], $0x80, $0x38;
	[tilespmem:$0x1C400] =	vst v63  }
0xf9: {  	s10 =	simm.s32 $0x19480  }
0xfa: {  	[tilespmem:s10], [sflag:$0xD] =	stream.linear.gather [hbm4b:s30+s1], $0x80, $0x38;
	[tilespmem:$0x1C400] =	vst v63  }
0xfb: {  	s12 =	simm.s32 $0x19880  }
0xfc: {  	[tilespmem:s12], [sflag:$0xD] =	stream.linear.gather [hbm4b:s31+s1], $0x80, $0x38;
	[tilespmem:$0x1C400] =	vst v63  }
0xfd: {  	s16 =	simm.s32 $0x19C80  }
0xfe: {  	[tilespmem:s16], [sflag:$0xD] =	stream.linear.gather [hbm4b:s17+s1], $0x80, $0x38;
	[tilespmem:$0x1C400] =	vst v63  }
0xff: {  	s20 =	simm.s32 $0x1A080  }
0x100: {  	[tilespmem:s20], [sflag:$0xD] =	stream.linear.gather [hbm4b:s0+s1], $0x80, $0x38;
	[tilespmem:$0x1C400] =	vst v63  }
0x101: {  	s21 =	simm.s32 $0x18500  }
0x102: {  	[tilespmem:s21], [sflag:$0xD] =	stream.linear.gather [hbm4b:s3+s1], $0x80, $0x38;
	[tilespmem:$0x1C400] =	vst v63  }
0x103: {  	s22 =	simm.s32 $0x18900  }
0x104: {  	[tilespmem:s22], [sflag:$0xD] =	stream.linear.gather [hbm4b:s4+s1], $0x80, $0x38;
	[tilespmem:$0x1C400] =	vst v63  }
0x105: {  	s26 =	simm.s32 $0x18D00  }
0x106: {  	[tilespmem:s26], [sflag:$0xD] =	stream.linear.gather [hbm4b:s5+s1], $0x80, $0x38;
	[tilespmem:$0x1C400] =	vst v63  }
0x107: {  	s28 =	simm.s32 $0x19100  }
0x108: {  	[tilespmem:s28], [sflag:$0xD] =	stream.linear.gather [hbm4b:s29+s1], $0x80, $0x38;
	[tilespmem:$0x1C400] =	vst v63  }
0x109: {  	s7 =	simm.s32 $0x19500  }
0x10a: {  	[tilespmem:s7], [sflag:$0xD] =	stream.linear.gather [hbm4b:s30+s1], $0x80, $0x38;
	[tilespmem:$0x1C400] =	vst v63  }
0x10b: {  	s10 =	simm.s32 $0x19900  }
0x10c: {  	[tilespmem:s10], [sflag:$0xD] =	stream.linear.gather [hbm4b:s31+s1], $0x80, $0x38;
	[tilespmem:$0x1C400] =	vst v63  }
0x10d: {  	s12 =	simm.s32 $0x19D00  }
0x10e: {  	[tilespmem:s12], [sflag:$0xD] =	stream.linear.gather [hbm4b:s17+s1], $0x80, $0x38;
	[tilespmem:$0x1C400] =	vst v63  }
0x10f: {  	s16 =	simm.s32 $0x1A100  }
0x110: {  	[tilespmem:s16], [sflag:$0xD] =	stream.linear.gather [hbm4b:s0+s1], $0x80, $0x38;
	[tilespmem:$0x1C400] =	vst v63  }
0x111: {  	s20 =	simm.s32 $0x18580  }
0x112: {  	[tilespmem:s20], [sflag:$0xD] =	stream.linear.gather [hbm4b:s3+s1], $0x80, $0x38;
	[tilespmem:$0x1C400] =	vst v63  }
0x113: {  	s21 =	simm.s32 $0x18980  }
0x114: {  	[tilespmem:s21], [sflag:$0xD] =	stream.linear.gather [hbm4b:s4+s1], $0x80, $0x38;
	[tilespmem:$0x1C400] =	vst v63  }
0x115: {  	s22 =	simm.s32 $0x18D80  }
0x116: {  	[tilespmem:s22], [sflag:$0xD] =	stream.linear.gather [hbm4b:s5+s1], $0x80, $0x38;
	[tilespmem:$0x1C400] =	vst v63  }
0x117: {  	s26 =	simm.s32 $0x19180  }
0x118: {  	[tilespmem:s26], [sflag:$0xD] =	stream.linear.gather [hbm4b:s29+s1], $0x80, $0x38;
	[tilespmem:$0x1C400] =	vst v63  }
0x119: {  	s28 =	simm.s32 $0x19580  }
0x11a: {  	[tilespmem:s28], [sflag:$0xD] =	stream.linear.gather [hbm4b:s30+s1], $0x80, $0x38;
	[tilespmem:$0x1C400] =	vst v63  }
0x11b: {  	s7 =	simm.s32 $0x19980  }
0x11c: {  	[tilespmem:s7], [sflag:$0xD] =	stream.linear.gather [hbm4b:s31+s1], $0x80, $0x38;
	[tilespmem:$0x1C400] =	vst v63  }
0x11d: {  	s10 =	simm.s32 $0x19D80  }
0x11e: {  	[tilespmem:s10], [sflag:$0xD] =	stream.linear.gather [hbm4b:s17+s1], $0x80, $0x38;
	[tilespmem:$0x1C400] =	vst v63  }
0x11f: {  	s12 =	simm.s32 $0x1A180  }
0x120: {  	[tilespmem:s12], [sflag:$0xD] =	stream.linear.gather [hbm4b:s0+s1], $0x80, $0x38;
	[tilespmem:$0x1C400] =	vst v63  }
0x121: {  	s16 =	simm.s32 $0x18600  }
0x122: {  	[tilespmem:s16], [sflag:$0xD] =	stream.linear.gather [hbm4b:s3+s1], $0x80, $0x38;
	[tilespmem:$0x1C400] =	vst v63  }
0x123: {  	s20 =	simm.s32 $0x18A00  }
0x124: {  	[tilespmem:s20], [sflag:$0xD] =	stream.linear.gather [hbm4b:s4+s1], $0x80, $0x38;
	[tilespmem:$0x1C400] =	vst v63  }
0x125: {  	s21 =	simm.s32 $0x18E00  }
0x126: {  	[tilespmem:s21], [sflag:$0xD] =	stream.linear.gather [hbm4b:s5+s1], $0x80, $0x38;
	[tilespmem:$0x1C400] =	vst v63  }
0x127: {  	s22 =	simm.s32 $0x19200  }
0x128: {  	[tilespmem:s22], [sflag:$0xD] =	stream.linear.gather [hbm4b:s29+s1], $0x80, $0x38;
	[tilespmem:$0x1C400] =	vst v63  }
0x129: {  	s26 =	simm.s32 $0x19600  }
0x12a: {  	[tilespmem:s26], [sflag:$0xD] =	stream.linear.gather [hbm4b:s30+s1], $0x80, $0x38;
	[tilespmem:$0x1C400] =	vst v63  }
0x12b: {  	s28 =	simm.s32 $0x19A00  }
0x12c: {  	[tilespmem:s28], [sflag:$0xD] =	stream.linear.gather [hbm4b:s31+s1], $0x80, $0x38;
	[tilespmem:$0x1C400] =	vst v63  }
0x12d: {  	s7 =	simm.s32 $0x19E00  }
0x12e: {  	[tilespmem:s7], [sflag:$0xD] =	stream.linear.gather [hbm4b:s17+s1], $0x80, $0x38;
	[tilespmem:$0x1C400] =	vst v63  }
0x12f: {  	s10 =	simm.s32 $0x1A200  }
0x130: {  	[tilespmem:s10], [sflag:$0xD] =	stream.linear.gather [hbm4b:s0+s1], $0x80, $0x38;
	[tilespmem:$0x1C400] =	vst v63  }
0x131: {  	s12 =	simm.s32 $0x18680  }
0x132: {  	[tilespmem:s12], [sflag:$0xD] =	stream.linear.gather [hbm4b:s3+s1], $0x80, $0x38;
	[tilespmem:$0x1C400] =	vst v63  }
0x133: {  	s16 =	simm.s32 $0x18A80  }
0x134: {  	[tilespmem:s16], [sflag:$0xD] =	stream.linear.gather [hbm4b:s4+s1], $0x80, $0x38;
	[tilespmem:$0x1C400] =	vst v63  }
0x135: {  	s20 =	simm.s32 $0x18E80  }
0x136: {  	[tilespmem:s20], [sflag:$0xD] =	stream.linear.gather [hbm4b:s5+s1], $0x80, $0x38;
	[tilespmem:$0x1C400] =	vst v63  }
0x137: {  	s21 =	simm.s32 $0x19280  }
0x138: {  	[tilespmem:s21], [sflag:$0xD] =	stream.linear.gather [hbm4b:s29+s1], $0x80, $0x38;
	[tilespmem:$0x1C400] =	vst v63  }
0x139: {  	s22 =	simm.s32 $0x19680  }
0x13a: {  	[tilespmem:s22], [sflag:$0xD] =	stream.linear.gather [hbm4b:s30+s1], $0x80, $0x38;
	[tilespmem:$0x1C400] =	vst v63  }
0x13b: {  	s26 =	simm.s32 $0x19A80  }
0x13c: {  	[tilespmem:s26], [sflag:$0xD] =	stream.linear.gather [hbm4b:s31+s1], $0x80, $0x38;
	[tilespmem:$0x1C400] =	vst v63  }
0x13d: {  	s28 =	simm.s32 $0x19E80  }
0x13e: {  	[tilespmem:s28], [sflag:$0xD] =	stream.linear.gather [hbm4b:s17+s1], $0x80, $0x38;
	[tilespmem:$0x1C400] =	vst v63  }
0x13f: {  	s7 =	simm.s32 $0x1A280  }
0x140: {  	[tilespmem:s7], [sflag:$0xD] =	stream.linear.gather [hbm4b:s0+s1], $0x80, $0x38;
	[tilespmem:$0x1C400] =	vst v63  }
0x141: {  	s10 =	simm.s32 $0x18700  }
0x142: {  	[tilespmem:s10], [sflag:$0xD] =	stream.linear.gather [hbm4b:s3+s1], $0x80, $0x38;
	[tilespmem:$0x1C400] =	vst v63  }
0x143: {  	s12 =	simm.s32 $0x18B00  }
0x144: {  	[tilespmem:s12], [sflag:$0xD] =	stream.linear.gather [hbm4b:s4+s1], $0x80, $0x38;
	[tilespmem:$0x1C400] =	vst v63  }
0x145: {  	s16 =	simm.s32 $0x18F00  }
0x146: {  	[tilespmem:s16], [sflag:$0xD] =	stream.linear.gather [hbm4b:s5+s1], $0x80, $0x38;
	[tilespmem:$0x1C400] =	vst v63  }
0x147: {  	s20 =	simm.s32 $0x19300  }
0x148: {  	[tilespmem:s20], [sflag:$0xD] =	stream.linear.gather [hbm4b:s29+s1], $0x80, $0x38;
	[tilespmem:$0x1C400] =	vst v63  }
0x149: {  	s21 =	simm.s32 $0x19700  }
0x14a: {  	[tilespmem:s21], [sflag:$0xD] =	stream.linear.gather [hbm4b:s30+s1], $0x80, $0x38;
	[tilespmem:$0x1C400] =	vst v63  }
0x14b: {  	s22 =	simm.s32 $0x19B00  }
0x14c: {  	[tilespmem:s22], [sflag:$0xD] =	stream.linear.gather [hbm4b:s31+s1], $0x80, $0x38;
	[tilespmem:$0x1C400] =	vst v63  }
0x14d: {  	s26 =	simm.s32 $0x19F00  }
0x14e: {  	[tilespmem:s26], [sflag:$0xD] =	stream.linear.gather [hbm4b:s17+s1], $0x80, $0x38;
	[tilespmem:$0x1C400] =	vst v63  }
0x14f: {  	s28 =	simm.s32 $0x1A300  }
0x150: {  	[tilespmem:s28], [sflag:$0xD] =	stream.linear.gather [hbm4b:s0+s1], $0x80, $0x38;
	[tilespmem:$0x1C400] =	vst v63  }
0x151: {  	s7 =	simm.s32 $0x18780  }
0x152: {  	[tilespmem:s7], [sflag:$0xD] =	stream.linear.gather [hbm4b:s3+s1], $0x80, $0x38;
	[tilespmem:$0x1C400] =	vst v63  }
0x153: {  	s10 =	simm.s32 $0x18B80  }
0x154: {  	[tilespmem:s10], [sflag:$0xD] =	stream.linear.gather [hbm4b:s4+s1], $0x80, $0x38;
	[tilespmem:$0x1C400] =	vst v63  }
0x155: {  	s12 =	simm.s32 $0x18F80  }
0x156: {  	[tilespmem:s12], [sflag:$0xD] =	stream.linear.gather [hbm4b:s5+s1], $0x80, $0x38;
	[tilespmem:$0x1C400] =	vst v63  }
0x157: {  	s16 =	simm.s32 $0x19380  }
0x158: {  	[tilespmem:s16], [sflag:$0xD] =	stream.linear.gather [hbm4b:s29+s1], $0x80, $0x38;
	[tilespmem:$0x1C400] =	vst v63  }
0x159: {  	s20 =	simm.s32 $0x19780  }
0x15a: {  	[tilespmem:s20], [sflag:$0xD] =	stream.linear.gather [hbm4b:s30+s1], $0x80, $0x38;
	[tilespmem:$0x1C400] =	vst v63  }
0x15b: {  	s21 =	simm.s32 $0x19B80  }
0x15c: {  	[tilespmem:s21], [sflag:$0xD] =	stream.linear.gather [hbm4b:s31+s1], $0x80, $0x38;
	[tilespmem:$0x1C400] =	vst v63  }
0x15d: {  	s22 =	simm.s32 $0x19F80  }
0x15e: {  	[tilespmem:s22], [sflag:$0xD] =	stream.linear.gather [hbm4b:s17+s1], $0x80, $0x38;
	[tilespmem:$0x1C400] =	vst v63  }
0x15f: {  	s26 =	simm.s32 $0x1A380  }
0x160: {  	[tilespmem:s26], [sflag:$0xD] =	stream.linear.gather [hbm4b:s0+s1], $0x80, $0x38;
	[tilespmem:$0x1C400] =	vst v63  }
0x161: {  	s28 =	simm.s32 $0x1A400  }
0x162: {  	[tilespmem:s28], [sflag:$0xD] =	stream.linear.gather [hbm4b:s3+s1], $0x80, $0x38;
	[tilespmem:$0x1C400] =	vst v63  }
0x163: {  	s7 =	simm.s32 $0x1A800  }
0x164: {  	[tilespmem:s7], [sflag:$0xD] =	stream.linear.gather [hbm4b:s4+s1], $0x80, $0x38;
	[tilespmem:$0x1C400] =	vst v63  }
0x165: {  	s10 =	simm.s32 $0x1AC00  }
0x166: {  	[tilespmem:s10], [sflag:$0xD] =	stream.linear.gather [hbm4b:s5+s1], $0x80, $0x38;
	[tilespmem:$0x1C400] =	vst v63  }
0x167: {  	s12 =	simm.s32 $0x1B000  }
0x168: {  	[tilespmem:s12], [sflag:$0xD] =	stream.linear.gather [hbm4b:s29+s1], $0x80, $0x38;
	[tilespmem:$0x1C400] =	vst v63  }
0x169: {  	s16 =	simm.s32 $0x1B400  }
0x16a: {  	[tilespmem:s16], [sflag:$0xD] =	stream.linear.gather [hbm4b:s30+s1], $0x80, $0x38;
	[tilespmem:$0x1C400] =	vst v63  }
0x16b: {  	s20 =	simm.s32 $0x1B800  }
0x16c: {  	[tilespmem:s20], [sflag:$0xD] =	stream.linear.gather [hbm4b:s31+s1], $0x80, $0x38;
	[tilespmem:$0x1C400] =	vst v63  }
0x16d: {  	s21 =	simm.s32 $0x1BC00  }
0x16e: {  	[tilespmem:s21], [sflag:$0xD] =	stream.linear.gather [hbm4b:s17+s1], $0x80, $0x38;
	[tilespmem:$0x1C400] =	vst v63  }
0x16f: {  	s22 =	simm.s32 $0x1C000  }
0x170: {  	[tilespmem:s22], [sflag:$0xD] =	stream.linear.gather [hbm4b:s0+s1], $0x80, $0x38;
	[tilespmem:$0x1C400] =	vst v63  }
0x171: {  	s26 =	simm.s32 $0x1A480  }
0x172: {  	[tilespmem:s26], [sflag:$0xD] =	stream.linear.gather [hbm4b:s3+s1], $0x80, $0x38;
	[tilespmem:$0x1C400] =	vst v63  }
0x173: {  	s28 =	simm.s32 $0x1A880  }
0x174: {  	[tilespmem:s28], [sflag:$0xD] =	stream.linear.gather [hbm4b:s4+s1], $0x80, $0x38;
	[tilespmem:$0x1C400] =	vst v63  }
0x175: {  	s7 =	simm.s32 $0x1AC80  }
0x176: {  	[tilespmem:s7], [sflag:$0xD] =	stream.linear.gather [hbm4b:s5+s1], $0x80, $0x38;
	[tilespmem:$0x1C400] =	vst v63  }
0x177: {  	s10 =	simm.s32 $0x1B080  }
0x178: {  	[tilespmem:s10], [sflag:$0xD] =	stream.linear.gather [hbm4b:s29+s1], $0x80, $0x38;
	[tilespmem:$0x1C400] =	vst v63  }
0x179: {  	s12 =	simm.s32 $0x1B480  }
0x17a: {  	[tilespmem:s12], [sflag:$0xD] =	stream.linear.gather [hbm4b:s30+s1], $0x80, $0x38;
	[tilespmem:$0x1C400] =	vst v63  }
0x17b: {  	s16 =	simm.s32 $0x1B880  }
0x17c: {  	[tilespmem:s16], [sflag:$0xD] =	stream.linear.gather [hbm4b:s31+s1], $0x80, $0x38;
	[tilespmem:$0x1C400] =	vst v63  }
0x17d: {  	s20 =	simm.s32 $0x1BC80  }
0x17e: {  	[tilespmem:s20], [sflag:$0xD] =	stream.linear.gather [hbm4b:s17+s1], $0x80, $0x38;
	[tilespmem:$0x1C400] =	vst v63  }
0x17f: {  	s21 =	simm.s32 $0x1C080  }
0x180: {  	[tilespmem:s21], [sflag:$0xD] =	stream.linear.gather [hbm4b:s0+s1], $0x80, $0x38;
	[tilespmem:$0x1C400] =	vst v63  }
0x181: {  	s22 =	simm.s32 $0x1A500  }
0x182: {  	[tilespmem:s22], [sflag:$0xD] =	stream.linear.gather [hbm4b:s3+s1], $0x80, $0x38;
	[tilespmem:$0x1C400] =	vst v63  }
0x183: {  	s26 =	simm.s32 $0x1A900  }
0x184: {  	[tilespmem:s26], [sflag:$0xD] =	stream.linear.gather [hbm4b:s4+s1], $0x80, $0x38;
	[tilespmem:$0x1C400] =	vst v63  }
0x185: {  	s28 =	simm.s32 $0x1AD00  }
0x186: {  	[tilespmem:s28], [sflag:$0xD] =	stream.linear.gather [hbm4b:s5+s1], $0x80, $0x38;
	[tilespmem:$0x1C400] =	vst v63  }
0x187: {  	s7 =	simm.s32 $0x1B100  }
0x188: {  	[tilespmem:s7], [sflag:$0xD] =	stream.linear.gather [hbm4b:s29+s1], $0x80, $0x38;
	[tilespmem:$0x1C400] =	vst v63  }
0x189: {  	s10 =	simm.s32 $0x1B500  }
0x18a: {  	[tilespmem:s10], [sflag:$0xD] =	stream.linear.gather [hbm4b:s30+s1], $0x80, $0x38;
	[tilespmem:$0x1C400] =	vst v63  }
0x18b: {  	s12 =	simm.s32 $0x1B900  }
0x18c: {  	[tilespmem:s12], [sflag:$0xD] =	stream.linear.gather [hbm4b:s31+s1], $0x80, $0x38;
	[tilespmem:$0x1C400] =	vst v63  }
0x18d: {  	s16 =	simm.s32 $0x1BD00  }
0x18e: {  	[tilespmem:s16], [sflag:$0xD] =	stream.linear.gather [hbm4b:s17+s1], $0x80, $0x38;
	[tilespmem:$0x1C400] =	vst v63  }
0x18f: {  	s20 =	simm.s32 $0x1C100  }
0x190: {  	[tilespmem:s20], [sflag:$0xD] =	stream.linear.gather [hbm4b:s0+s1], $0x80, $0x38;
	[tilespmem:$0x1C400] =	vst v63  }
0x191: {  	s21 =	simm.s32 $0x1A580  }
0x192: {  	[tilespmem:s21], [sflag:$0xD] =	stream.linear.gather [hbm4b:s3+s1], $0x80, $0x38;
	[tilespmem:$0x1C400] =	vst v63  }
0x193: {  	s22 =	simm.s32 $0x1A980  }
0x194: {  	[tilespmem:s22], [sflag:$0xD] =	stream.linear.gather [hbm4b:s4+s1], $0x80, $0x38;
	[tilespmem:$0x1C400] =	vst v63  }
0x195: {  	s26 =	simm.s32 $0x1AD80  }
0x196: {  	[tilespmem:s26], [sflag:$0xD] =	stream.linear.gather [hbm4b:s5+s1], $0x80, $0x38;
	[tilespmem:$0x1C400] =	vst v63  }
0x197: {  	s28 =	simm.s32 $0x1B180  }
0x198: {  	[tilespmem:s28], [sflag:$0xD] =	stream.linear.gather [hbm4b:s29+s1], $0x80, $0x38;
	[tilespmem:$0x1C400] =	vst v63  }
0x199: {  	s7 =	simm.s32 $0x1B580  }
0x19a: {  	[tilespmem:s7], [sflag:$0xD] =	stream.linear.gather [hbm4b:s30+s1], $0x80, $0x38;
	[tilespmem:$0x1C400] =	vst v63  }
0x19b: {  	s10 =	simm.s32 $0x1B980  }
0x19c: {  	[tilespmem:s10], [sflag:$0xD] =	stream.linear.gather [hbm4b:s31+s1], $0x80, $0x38;
	[tilespmem:$0x1C400] =	vst v63  }
0x19d: {  	s12 =	simm.s32 $0x1BD80  }
0x19e: {  	[tilespmem:s12], [sflag:$0xD] =	stream.linear.gather [hbm4b:s17+s1], $0x80, $0x38;
	[tilespmem:$0x1C400] =	vst v63  }
0x19f: {  	s16 =	simm.s32 $0x1C180  }
0x1a0: {  	[tilespmem:s16], [sflag:$0xD] =	stream.linear.gather [hbm4b:s0+s1], $0x80, $0x38;
	[tilespmem:$0x1C400] =	vst v63  }
0x1a1: {  	s20 =	simm.s32 $0x1A600  }
0x1a2: {  	[tilespmem:s20], [sflag:$0xD] =	stream.linear.gather [hbm4b:s3+s1], $0x80, $0x38;
	[tilespmem:$0x1C400] =	vst v63  }
0x1a3: {  	s21 =	simm.s32 $0x1AA00  }
0x1a4: {  	[tilespmem:s21], [sflag:$0xD] =	stream.linear.gather [hbm4b:s4+s1], $0x80, $0x38;
	[tilespmem:$0x1C400] =	vst v63  }
0x1a5: {  	s22 =	simm.s32 $0x1AE00  }
0x1a6: {  	[tilespmem:s22], [sflag:$0xD] =	stream.linear.gather [hbm4b:s5+s1], $0x80, $0x38;
	[tilespmem:$0x1C400] =	vst v63  }
0x1a7: {  	s26 =	simm.s32 $0x1B200  }
0x1a8: {  	[tilespmem:s26], [sflag:$0xD] =	stream.linear.gather [hbm4b:s29+s1], $0x80, $0x38;
	[tilespmem:$0x1C400] =	vst v63  }
0x1a9: {  	s28 =	simm.s32 $0x1B600  }
0x1aa: {  	[tilespmem:s28], [sflag:$0xD] =	stream.linear.gather [hbm4b:s30+s1], $0x80, $0x38;
	[tilespmem:$0x1C400] =	vst v63  }
0x1ab: {  	s7 =	simm.s32 $0x1BA00  }
0x1ac: {  	[tilespmem:s7], [sflag:$0xD] =	stream.linear.gather [hbm4b:s31+s1], $0x80, $0x38;
	[tilespmem:$0x1C400] =	vst v63  }
0x1ad: {  	s10 =	simm.s32 $0x1BE00  }
0x1ae: {  	[tilespmem:s10], [sflag:$0xD] =	stream.linear.gather [hbm4b:s17+s1], $0x80, $0x38;
	[tilespmem:$0x1C400] =	vst v63  }
0x1af: {  	s12 =	simm.s32 $0x1C200  }
0x1b0: {  	[tilespmem:s12], [sflag:$0xD] =	stream.linear.gather [hbm4b:s0+s1], $0x80, $0x38;
	[tilespmem:$0x1C400] =	vst v63  }
0x1b1: {  	s16 =	simm.s32 $0x1A680  }
0x1b2: {  	[tilespmem:s16], [sflag:$0xD] =	stream.linear.gather [hbm4b:s3+s1], $0x80, $0x38;
	[tilespmem:$0x1C400] =	vst v63  }
0x1b3: {  	s20 =	simm.s32 $0x1AA80  }
0x1b4: {  	[tilespmem:s20], [sflag:$0xD] =	stream.linear.gather [hbm4b:s4+s1], $0x80, $0x38;
	[tilespmem:$0x1C400] =	vst v63  }
0x1b5: {  	s21 =	simm.s32 $0x1AE80  }
0x1b6: {  	[tilespmem:s21], [sflag:$0xD] =	stream.linear.gather [hbm4b:s5+s1], $0x80, $0x38;
	[tilespmem:$0x1C400] =	vst v63  }
0x1b7: {  	s22 =	simm.s32 $0x1B280  }
0x1b8: {  	[tilespmem:s22], [sflag:$0xD] =	stream.linear.gather [hbm4b:s29+s1], $0x80, $0x38;
	[tilespmem:$0x1C400] =	vst v63  }
0x1b9: {  	s26 =	simm.s32 $0x1B680  }
0x1ba: {  	[tilespmem:s26], [sflag:$0xD] =	stream.linear.gather [hbm4b:s30+s1], $0x80, $0x38;
	[tilespmem:$0x1C400] =	vst v63  }
0x1bb: {  	s28 =	simm.s32 $0x1BA80  }
0x1bc: {  	[tilespmem:s28], [sflag:$0xD] =	stream.linear.gather [hbm4b:s31+s1], $0x80, $0x38;
	[tilespmem:$0x1C400] =	vst v63  }
0x1bd: {  	s7 =	simm.s32 $0x1BE80  }
0x1be: {  	[tilespmem:s7], [sflag:$0xD] =	stream.linear.gather [hbm4b:s17+s1], $0x80, $0x38;
	[tilespmem:$0x1C400] =	vst v63  }
0x1bf: {  	s10 =	simm.s32 $0x1C280  }
0x1c0: {  	[tilespmem:s10], [sflag:$0xD] =	stream.linear.gather [hbm4b:s0+s1], $0x80, $0x38;
	[tilespmem:$0x1C400] =	vst v63  }
0x1c1: {  	s12 =	simm.s32 $0x1A700  }
0x1c2: {  	[tilespmem:s12], [sflag:$0xD] =	stream.linear.gather [hbm4b:s3+s1], $0x80, $0x38;
	[tilespmem:$0x1C400] =	vst v63  }
0x1c3: {  	s16 =	simm.s32 $0x1AB00  }
0x1c4: {  	[tilespmem:s16], [sflag:$0xD] =	stream.linear.gather [hbm4b:s4+s1], $0x80, $0x38;
	[tilespmem:$0x1C400] =	vst v63  }
0x1c5: {  	s20 =	simm.s32 $0x1AF00  }
0x1c6: {  	[tilespmem:s20], [sflag:$0xD] =	stream.linear.gather [hbm4b:s5+s1], $0x80, $0x38;
	[tilespmem:$0x1C400] =	vst v63  }
0x1c7: {  	s21 =	simm.s32 $0x1B300  }
0x1c8: {  	[tilespmem:s21], [sflag:$0xD] =	stream.linear.gather [hbm4b:s29+s1], $0x80, $0x38;
	[tilespmem:$0x1C400] =	vst v63  }
0x1c9: {  	s22 =	simm.s32 $0x1B700  }
0x1ca: {  	[tilespmem:s22], [sflag:$0xD] =	stream.linear.gather [hbm4b:s30+s1], $0x80, $0x38;
	[tilespmem:$0x1C400] =	vst v63  }
0x1cb: {  	s26 =	simm.s32 $0x1BB00  }
0x1cc: {  	[tilespmem:s26], [sflag:$0xD] =	stream.linear.gather [hbm4b:s31+s1], $0x80, $0x38;
	[tilespmem:$0x1C400] =	vst v63  }
0x1cd: {  	s28 =	simm.s32 $0x1BF00  }
0x1ce: {  	[tilespmem:s28], [sflag:$0xD] =	stream.linear.gather [hbm4b:s17+s1], $0x80, $0x38;
	[tilespmem:$0x1C400] =	vst v63  }
0x1cf: {  	s7 =	simm.s32 $0x1C300  }
0x1d0: {  	[tilespmem:s7], [sflag:$0xD] =	stream.linear.gather [hbm4b:s0+s1], $0x80, $0x38;
	[tilespmem:$0x1C400] =	vst v63  }
0x1d1: {  	s10 =	simm.s32 $0x1A780  }
0x1d2: {  	[tilespmem:s10], [sflag:$0xD] =	stream.linear.gather [hbm4b:s3+s1], $0x80, $0x38;
	[tilespmem:$0x1C400] =	vst v63  }
0x1d3: {  	s12 =	simm.s32 $0x1AB80  }
0x1d4: {  	[tilespmem:s12], [sflag:$0xD] =	stream.linear.gather [hbm4b:s4+s1], $0x80, $0x38;
	[tilespmem:$0x1C400] =	vst v63  }
0x1d5: {  	s16 =	simm.s32 $0x1AF80  }
0x1d6: {  	[tilespmem:s16], [sflag:$0xD] =	stream.linear.gather [hbm4b:s5+s1], $0x80, $0x38;
	[tilespmem:$0x1C400] =	vst v63  }
0x1d7: {  	s20 =	simm.s32 $0x1B380  }
0x1d8: {  	[tilespmem:s20], [sflag:$0xD] =	stream.linear.gather [hbm4b:s29+s1], $0x80, $0x38;
	[tilespmem:$0x1C400] =	vst v63  }
0x1d9: {  	s21 =	simm.s32 $0x1B780  }
0x1da: {  	[tilespmem:s21], [sflag:$0xD] =	stream.linear.gather [hbm4b:s30+s1], $0x80, $0x38;
	[tilespmem:$0x1C400] =	vst v63  }
0x1db: {  	s22 =	simm.s32 $0x1BB80  }
0x1dc: {  	[tilespmem:s22], [sflag:$0xD] =	stream.linear.gather [hbm4b:s31+s1], $0x80, $0x38;
	[tilespmem:$0x1C400] =	vst v63  }
0x1dd: {  	s26 =	simm.s32 $0x1BF80  }
0x1de: {  	[tilespmem:s26], [sflag:$0xD] =	stream.linear.gather [hbm4b:s17+s1], $0x80, $0x38;
	[tilespmem:$0x1C400] =	vst v63  }
0x1df: {  	s28 =	simm.s32 $0x1C380  }
0x1e0: {  	[tilespmem:s28], [sflag:$0xD] =	stream.linear.gather [hbm4b:s0+s1], $0x80, $0x38;
	[tilespmem:$0x1C400] =	vst v63  }
.LBB2_3:
0x1e1: {  	s2 =	rddreg [dreg:$0x1];
	s12 =	simm.s32 $0xE  }
0x1e2: {  	[tilespmem:s1], [sflag:$0xE] =	stream.linear.gather [hbm4b:s2+s1], $0x9, $0x38;
	[tilespmem:$0x1C400] =	vst v63  }
0x1e3: {  	_ =	swait.ge [sflag:s12], $0x9  }
0x1e4: {  	[sflag:s12] =	ssyncset.done $0x0  }
0x1e5: {  	[sflag:s12] =	ssyncadd.s32 $0xFFFFFFF7  }
0x1e6: {  	v54 =	vld [tilespmem:$0x0];
	_ =	sdelay $0x4  }
0x1e7: {  	v53 =	vperm.xlane v54, v32  }
0x1e8: {  	v52 =	vperm.xlane v54, v33;
	v51 =	vperm.xlane v54, v34  }
0x1e9: {  	v50 =	vperm.xlane v54, v35;
	v49 =	vperm.xlane v54, v36  }
0x1ea: {  	v48 =	vperm.xlane v54, v37;
	v47 =	vperm.xlane v54, v38;
	vm1 =	vgt.s32 v53, v1  }
0x1eb: {  	v46 =	vperm.xlane v54, v39;
	v55 =	vsel vm1, v41, v40;
	vm1 =	vle.s32 v52, v1  }
0x1ec: {  	v55 =	vadd.s32 v0, v55;
	v56 =	vsel vm1, $0x1, v42;
	vm1 =	vle.s32 v51, v1  }
0x1ed: {  	v55 =	vadd.s32 v56, v55;
	v63 =	vsel vm1, $0x1, v42;
	vm1 =	vle.s32 v50, v1  }
0x1ee: {  	s3 =	simm.s32 $0x400;
	s16 =	rddreg [dreg:$0x5];
	v55 =	vadd.s32 v63, v55;
	v60 =	vsel vm1, $0x1, v42;
	vm1 =	vle.s32 v49, v1  }
0x1ef: {  	[tilespmem:s3], [sflag:$0x1] =	stream.linear.gather [hbm4b:s16+s1], $0x4000, $0x38;
	v55 =	vadd.s32 v60, v55;
	v61 =	vsel vm1, $0x1, v42;
	vm1 =	vle.s32 v48, v1;
	[tilespmem:$0x1C400] =	vst v63  }
0x1f0: {  	s4 =	simm.s32 $0x4400;
	s20 =	rddreg [dreg:$0x6];
	v55 =	vadd.s32 v61, v55;
	v62 =	vsel vm1, $0x1, v42;
	vm1 =	vle.s32 v47, v1  }
0x1f1: {  	[tilespmem:s4], [sflag:$0x2] =	stream.linear.gather [hbm4b:s20+s1], $0x4000, $0x38;
	v55 =	vadd.s32 v62, v55;
	v63 =	vsel vm1, $0x1, v42;
	vm1 =	vle.s32 v46, v1;
	[tilespmem:$0x1C400] =	vst v63  }
0x1f2: {  	s5 =	simm.s32 $0x8400;
	s21 =	rddreg [dreg:$0x7];
	v55 =	vadd.s32 v63, v55;
	v60 =	vsel vm1, $0x1, v42  }
0x1f3: {  	[tilespmem:s5], [sflag:$0x3] =	stream.linear.gather [hbm4b:s21+s1], $0x4000, $0x38;
	v55 =	vadd.s32 v60, v55;
	[tilespmem:$0x1C400] =	vst v63  }
0x1f4: {  	s22 =	rddreg [dreg:$0x8];
	s21 =	simm.s32 $0xC400;
	v56 =	vshll.u32 v55, $0x3  }
0x1f5: {  	[tilespmem:s21], [sflag:$0x4] =	stream.linear.gather [hbm4b:s22+s1], $0x4000, $0x38;
	v57 =	vand.u32 $0x7, v55;
	v56 =	vand.u32 $0xFFFFFFC0, v56;
	[tilespmem:$0x1C400] =	vst v63  }
0x1f6: {  	s26 =	rddreg [dreg:$0x9];
	s12 =	simm.s32 $0x10400;
	v56 =	vor.u32 v57, v56  }
0x1f7: {  	[tilespmem:s12], [sflag:$0x5] =	stream.linear.gather [hbm4b:s26+s1], $0x4000, $0x38;
	v57 =	vperm.xlane v56, v43;
	[tilespmem:$0x1C400] =	vst v63  }
0x1f8: {  	s28 =	rddreg [dreg:$0xa];
	s26 =	simm.s32 $0x14400  }
0x1f9: {  	[tilespmem:s26], [sflag:$0x6] =	stream.linear.gather [hbm4b:s28+s1], $0x4000, $0x38;
	v57 =	vadd.s32 v44, v57;
	[tilespmem:$0x1C400] =	vst v63  }
0x1fa: {  	s20 =	simm.s32 $0x1;
	[tilespmem:$0x100] =	vst v55  }
0x1fb: {  	vm1 =	vgt.s32 v53, v3;
	_ =	swait.ge [sflag:s20], $0x4000  }
0x1fc: {  	v62 =	vsel vm1, v41, v40;
	vm1 =	vle.s32 v52, v3;
	[sflag:s20] =	ssyncset.done $0x0  }
0x1fd: {  	v58 =	vsel vm1, $0x1, v42;
	vm1 =	vle.s32 v51, v3;
	[sflag:s20] =	ssyncadd.s32 $0xFFFFC000  }
0x1fe: {  	v63 =	vsel vm1, $0x1, v42;
	[hbm4b:s19+s1] =	stream.indirect_vreg.scatter [tilespmem:s3], [sflag:$0x7], $0x80, v57, vm0, $0xb8;
	[tilespmem:$0x1C400] =	vst v63  }
0x1ff: {  	s7 =	simm.s32 $0xC00;
	vm1 =	vle.s32 v50, v3;
	v61 =	vperm.xlane v56, v45;
	v56 =	vadd.s32 v2, v62  }
0x200: {  	v60 =	vsel vm1, $0x1, v42;
	v56 =	vadd.s32 v58, v56;
	[hbm4b:s23+s1] =	stream.indirect_vreg.scatter [tilespmem:s7], [sflag:$0x7], $0x80, v57, vm0, $0xb8;
	[tilespmem:$0x1C400] =	vst v63  }
0x201: {  	s10 =	simm.s32 $0x1400;
	vm1 =	vle.s32 v49, v3;
	v55 =	vadd.s32 v44, v61;
	v56 =	vadd.s32 v63, v56  }
0x202: {  	v61 =	vsel vm1, $0x1, v42;
	vm1 =	vle.s32 v48, v3;
	v56 =	vadd.s32 v60, v56;
	[hbm4b:s24+s1] =	stream.indirect_vreg.scatter [tilespmem:s10], [sflag:$0x7], $0x80, v57, vm0, $0xb8;
	[tilespmem:$0x1C400] =	vst v63  }
0x203: {  	s16 =	simm.s32 $0x1C00;
	v62 =	vsel vm1, $0x1, v42;
	vm1 =	vle.s32 v47, v3;
	v56 =	vadd.s32 v61, v56  }
0x204: {  	v63 =	vsel vm1, $0x1, v42;
	vm1 =	vle.s32 v46, v3;
	v56 =	vadd.s32 v62, v56;
	[hbm4b:s25+s1] =	stream.indirect_vreg.scatter [tilespmem:s16], [sflag:$0x7], $0x80, v57, vm0, $0xb8;
	[tilespmem:$0x1C400] =	vst v63  }
0x205: {  	s22 =	simm.s32 $0x2400;
	v60 =	vsel vm1, $0x1, v42;
	v56 =	vadd.s32 v63, v56  }
0x206: {  	v56 =	vadd.s32 v60, v56;
	[hbm4b:s19+s1] =	stream.indirect_vreg.scatter [tilespmem:s22], [sflag:$0x7], $0x80, v55, vm0, $0xb8;
	[tilespmem:$0x1C400] =	vst v63  }
0x207: {  	s28 =	simm.s32 $0x2C00;
	v57 =	vshll.u32 v56, $0x3  }
0x208: {  	v61 =	vand.u32 $0x7, v56;
	v57 =	vand.u32 $0xFFFFFFC0, v57;
	[hbm4b:s23+s1] =	stream.indirect_vreg.scatter [tilespmem:s28], [sflag:$0x7], $0x80, v55, vm0, $0xb8;
	[tilespmem:$0x1C400] =	vst v63  }
0x209: {  	s7 =	simm.s32 $0x3400;
	v57 =	vor.u32 v61, v57  }
0x20a: {  	v58 =	vperm.xlane v57, v43;
	[hbm4b:s24+s1] =	stream.indirect_vreg.scatter [tilespmem:s7], [sflag:$0x7], $0x80, v55, vm0, $0xb8;
	[tilespmem:$0x1C400] =	vst v63  }
0x20b: {  	s10 =	simm.s32 $0x3C00  }
0x20c: {  	[hbm4b:s25+s1] =	stream.indirect_vreg.scatter [tilespmem:s10], [sflag:$0x7], $0x80, v55, vm0, $0xb8;
	v55 =	vadd.s32 v44, v58;
	[tilespmem:$0x1C400] =	vst v63  }
0x20d: {  	s10 =	simm.s32 $0x2;
	[tilespmem:$0x180] =	vst v56  }
0x20e: {  	vm1 =	vgt.s32 v53, v5;
	_ =	swait.ge [sflag:s10], $0x4000  }
0x20f: {  	v63 =	vsel vm1, v41, v40;
	vm1 =	vle.s32 v52, v5;
	[sflag:s10] =	ssyncset.done $0x0  }
0x210: {  	v60 =	vsel vm1, $0x1, v42;
	vm1 =	vle.s32 v51, v5;
	[sflag:s10] =	ssyncadd.s32 $0xFFFFC000  }
0x211: {  	v62 =	vperm.xlane v57, v45;
	v57 =	vadd.s32 v4, v63;
	[hbm4b:s19+s1] =	stream.indirect_vreg.scatter [tilespmem:s4], [sflag:$0x8], $0x80, v55, vm0, $0xb8;
	[tilespmem:$0x1C400] =	vst v63  }
0x212: {  	s16 =	simm.s32 $0x4C00;
	v61 =	vsel vm1, $0x1, v42;
	v57 =	vadd.s32 v60, v57  }
0x213: {  	vm1 =	vle.s32 v50, v5;
	v57 =	vadd.s32 v61, v57;
	[hbm4b:s23+s1] =	stream.indirect_vreg.scatter [tilespmem:s16], [sflag:$0x8], $0x80, v55, vm0, $0xb8;
	[tilespmem:$0x1C400] =	vst v63  }
0x214: {  	s22 =	simm.s32 $0x5400;
	v56 =	vadd.s32 v44, v62;
	v62 =	vsel vm1, $0x1, v42;
	vm1 =	vle.s32 v49, v5  }
0x215: {  	v57 =	vadd.s32 v62, v57;
	v63 =	vsel vm1, $0x1, v42;
	vm1 =	vle.s32 v48, v5;
	[hbm4b:s24+s1] =	stream.indirect_vreg.scatter [tilespmem:s22], [sflag:$0x8], $0x80, v55, vm0, $0xb8;
	[tilespmem:$0x1C400] =	vst v63  }
0x216: {  	s28 =	simm.s32 $0x5C00;
	v57 =	vadd.s32 v63, v57;
	v60 =	vsel vm1, $0x1, v42;
	vm1 =	vle.s32 v47, v5  }
0x217: {  	v61 =	vadd.s32 v60, v57;
	v62 =	vsel vm1, $0x1, v42;
	vm1 =	vle.s32 v46, v5;
	[hbm4b:s25+s1] =	stream.indirect_vreg.scatter [tilespmem:s28], [sflag:$0x8], $0x80, v55, vm0, $0xb8;
	[tilespmem:$0x1C400] =	vst v63  }
0x218: {  	s7 =	simm.s32 $0x6400;
	v63 =	vsel vm1, $0x1, v42;
	v55 =	vadd.s32 v62, v61  }
0x219: {  	v55 =	vadd.s32 v63, v55;
	[hbm4b:s19+s1] =	stream.indirect_vreg.scatter [tilespmem:s7], [sflag:$0x8], $0x80, v56, vm0, $0xb8;
	[tilespmem:$0x1C400] =	vst v63  }
0x21a: {  	s16 =	simm.s32 $0x6C00;
	v57 =	vshll.u32 v55, $0x3  }
0x21b: {  	v60 =	vand.u32 $0x7, v55;
	v57 =	vand.u32 $0xFFFFFFC0, v57;
	[hbm4b:s23+s1] =	stream.indirect_vreg.scatter [tilespmem:s16], [sflag:$0x8], $0x80, v56, vm0, $0xb8;
	[tilespmem:$0x1C400] =	vst v63  }
0x21c: {  	s22 =	simm.s32 $0x7400;
	v57 =	vor.u32 v60, v57  }
0x21d: {  	v58 =	vperm.xlane v57, v43;
	[hbm4b:s24+s1] =	stream.indirect_vreg.scatter [tilespmem:s22], [sflag:$0x8], $0x80, v56, vm0, $0xb8;
	[tilespmem:$0x1C400] =	vst v63  }
0x21e: {  	s28 =	simm.s32 $0x7C00  }
0x21f: {  	[hbm4b:s25+s1] =	stream.indirect_vreg.scatter [tilespmem:s28], [sflag:$0x8], $0x80, v56, vm0, $0xb8;
	v56 =	vadd.s32 v44, v58;
	[tilespmem:$0x1C400] =	vst v63  }
0x220: {  	s22 =	simm.s32 $0x3;
	[tilespmem:$0x200] =	vst v55  }
0x221: {  	vm1 =	vgt.s32 v53, v7;
	_ =	swait.ge [sflag:s22], $0x4000  }
0x222: {  	v62 =	vsel vm1, v41, v40;
	vm1 =	vle.s32 v52, v7;
	[sflag:s22] =	ssyncset.done $0x0  }
0x223: {  	v63 =	vsel vm1, $0x1, v42;
	vm1 =	vle.s32 v51, v7;
	[sflag:s22] =	ssyncadd.s32 $0xFFFFC000  }
0x224: {  	v61 =	vperm.xlane v57, v45;
	v57 =	vadd.s32 v6, v62;
	[hbm4b:s19+s1] =	stream.indirect_vreg.scatter [tilespmem:s5], [sflag:$0x9], $0x80, v56, vm0, $0xb8;
	[tilespmem:$0x1C400] =	vst v63  }
0x225: {  	v60 =	vsel vm1, $0x1, v42;
	v57 =	vadd.s32 v63, v57;
	s28 =	simm.s32 $0x8C00  }
0x226: {  	vm1 =	vle.s32 v50, v7;
	v57 =	vadd.s32 v60, v57;
	[hbm4b:s23+s1] =	stream.indirect_vreg.scatter [tilespmem:s28], [sflag:$0x9], $0x80, v56, vm0, $0xb8;
	[tilespmem:$0x1C400] =	vst v63  }
0x227: {  	s7 =	simm.s32 $0x9400;
	v55 =	vadd.s32 v44, v61;
	v61 =	vsel vm1, $0x1, v42;
	vm1 =	vle.s32 v49, v7  }
0x228: {  	v57 =	vadd.s32 v61, v57;
	v62 =	vsel vm1, $0x1, v42;
	vm1 =	vle.s32 v48, v7;
	[hbm4b:s24+s1] =	stream.indirect_vreg.scatter [tilespmem:s7], [sflag:$0x9], $0x80, v56, vm0, $0xb8;
	[tilespmem:$0x1C400] =	vst v63  }
0x229: {  	s16 =	simm.s32 $0x9C00;
	v57 =	vadd.s32 v62, v57;
	v63 =	vsel vm1, $0x1, v42;
	vm1 =	vle.s32 v47, v7  }
0x22a: {  	v60 =	vadd.s32 v63, v57;
	v61 =	vsel vm1, $0x1, v42;
	vm1 =	vle.s32 v46, v7;
	[hbm4b:s25+s1] =	stream.indirect_vreg.scatter [tilespmem:s16], [sflag:$0x9], $0x80, v56, vm0, $0xb8;
	[tilespmem:$0x1C400] =	vst v63  }
0x22b: {  	v62 =	vsel vm1, $0x1, v42;
	s7 =	simm.s32 $0xA400;
	v56 =	vadd.s32 v61, v60  }
0x22c: {  	v56 =	vadd.s32 v62, v56;
	[hbm4b:s19+s1] =	stream.indirect_vreg.scatter [tilespmem:s7], [sflag:$0x9], $0x80, v55, vm0, $0xb8;
	[tilespmem:$0x1C400] =	vst v63  }
0x22d: {  	s16 =	simm.s32 $0xAC00;
	v57 =	vshll.u32 v56, $0x3  }
0x22e: {  	v63 =	vand.u32 $0x7, v56;
	v57 =	vand.u32 $0xFFFFFFC0, v57;
	[hbm4b:s23+s1] =	stream.indirect_vreg.scatter [tilespmem:s16], [sflag:$0x9], $0x80, v55, vm0, $0xb8;
	[tilespmem:$0x1C400] =	vst v63  }
0x22f: {  	s7 =	simm.s32 $0xB400;
	v57 =	vor.u32 v63, v57  }
0x230: {  	v58 =	vperm.xlane v57, v43;
	[hbm4b:s24+s1] =	stream.indirect_vreg.scatter [tilespmem:s7], [sflag:$0x9], $0x80, v55, vm0, $0xb8;
	[tilespmem:$0x1C400] =	vst v63  }
0x231: {  	s7 =	simm.s32 $0xBC00  }
0x232: {  	v60 =	vadd.s32 v44, v58;
	[hbm4b:s25+s1] =	stream.indirect_vreg.scatter [tilespmem:s7], [sflag:$0x9], $0x80, v55, vm0, $0xb8;
	[tilespmem:$0x1C400] =	vst v63  }
0x233: {  	s2 =	simm.s32 $0x4;
	[tilespmem:$0x280] =	vst v56  }
0x234: {  	_ =	swait.ge [sflag:s2], $0x4000  }
0x235: {  	[sflag:s2] =	ssyncset.done $0x0  }
0x236: {  	[sflag:s2] =	ssyncadd.s32 $0xFFFFC000  }
0x237: {  	[hbm4b:s19+s1] =	stream.indirect_vreg.scatter [tilespmem:s21], [sflag:$0xA], $0x80, v60, vm0, $0xb8;
	[tilespmem:$0x1C400] =	vst v63  }
0x238: {  	v61 =	vperm.xlane v57, v45  }
0x239: {  	[hbm4b:s23+s1] =	stream.indirect_vreg.scatter [tilespmem:s15], [sflag:$0xA], $0x80, v60, vm0, $0xb8;
	[tilespmem:$0x1C400] =	vst v63  }
0x23a: {  	v56 =	vadd.s32 v44, v61  }
0x23b: {  	vm1 =	vgt.s32 v53, v9;
	[hbm4b:s24+s1] =	stream.indirect_vreg.scatter [tilespmem:s14], [sflag:$0xA], $0x80, v60, vm0, $0xb8;
	[tilespmem:$0x1C400] =	vst v63  }
0x23c: {  	v62 =	vsel vm1, v41, v40;
	vm1 =	vle.s32 v52, v9  }
0x23d: {  	v63 =	vsel vm1, $0x1, v42;
	vm1 =	vle.s32 v51, v9;
	v57 =	vadd.s32 v8, v62;
	[hbm4b:s25+s1] =	stream.indirect_vreg.scatter [tilespmem:s18], [sflag:$0xA], $0x80, v60, vm0, $0xb8;
	[tilespmem:$0x1C400] =	vst v63  }
0x23e: {  	v61 =	vsel vm1, $0x1, v42;
	vm1 =	vle.s32 v50, v9;
	v60 =	vadd.s32 v63, v57  }
0x23f: {  	v62 =	vsel vm1, $0x1, v42;
	vm1 =	vle.s32 v49, v9;
	v55 =	vadd.s32 v61, v60;
	[hbm4b:s19+s1] =	stream.indirect_vreg.scatter [tilespmem:s13], [sflag:$0xA], $0x80, v56, vm0, $0xb8;
	[tilespmem:$0x1C400] =	vst v63  }
0x240: {  	v63 =	vsel vm1, $0x1, v42;
	vm1 =	vle.s32 v48, v9;
	v55 =	vadd.s32 v62, v55  }
0x241: {  	v60 =	vsel vm1, $0x1, v42;
	vm1 =	vle.s32 v47, v9;
	v55 =	vadd.s32 v63, v55;
	[hbm4b:s23+s1] =	stream.indirect_vreg.scatter [tilespmem:s11], [sflag:$0xA], $0x80, v56, vm0, $0xb8;
	[tilespmem:$0x1C400] =	vst v63  }
0x242: {  	v61 =	vsel vm1, $0x1, v42;
	vm1 =	vle.s32 v46, v9;
	v55 =	vadd.s32 v60, v55  }
0x243: {  	v62 =	vsel vm1, $0x1, v42;
	v55 =	vadd.s32 v61, v55;
	[hbm4b:s24+s1] =	stream.indirect_vreg.scatter [tilespmem:s9], [sflag:$0xA], $0x80, v56, vm0, $0xb8;
	[tilespmem:$0x1C400] =	vst v63  }
0x244: {  	v55 =	vadd.s32 v62, v55  }
0x245: {  	v57 =	vshll.u32 v55, $0x3;
	[hbm4b:s25+s1] =	stream.indirect_vreg.scatter [tilespmem:s8], [sflag:$0xA], $0x80, v56, vm0, $0xb8;
	[tilespmem:$0x1C400] =	vst v63  }
0x246: {  	v63 =	vand.u32 $0x7, v55;
	v57 =	vand.u32 $0xFFFFFFC0, v57;
	s8 =	simm.s32 $0x7  }
0x247: {  	_ =	swait.ge [sflag:s8], $0x4000;
	v56 =	vor.u32 v63, v57  }
0x248: {  	[sflag:s8] =	ssyncset.done $0x0;
	v57 =	vperm.xlane v56, v43  }
0x249: {  	s9 =	rddreg [dreg:$0xb];
	[sflag:s8] =	ssyncadd.s32 $0xFFFFC000  }
0x24a: {  	[tilespmem:s3], [sflag:$0x1] =	stream.linear.gather [hbm4b:s9+s1], $0x4000, $0x38;
	v57 =	vadd.s32 v44, v57;
	[tilespmem:$0x1C400] =	vst v63  }
0x24b: {  	s11 =	simm.s32 $0x5;
	[tilespmem:$0x300] =	vst v55  }
0x24c: {  	_ =	swait.ge [sflag:s11], $0x4000  }
0x24d: {  	[sflag:s11] =	ssyncset.done $0x0  }
0x24e: {  	[sflag:s11] =	ssyncadd.s32 $0xFFFFC000  }
0x24f: {  	[hbm4b:s19+s1] =	stream.indirect_vreg.scatter [tilespmem:s12], [sflag:$0xB], $0x80, v57, vm0, $0xb8;
	[tilespmem:$0x1C400] =	vst v63  }
0x250: {  	s13 =	simm.s32 $0x10C00;
	v59 =	vperm.xlane v56, v45  }
0x251: {  	[hbm4b:s23+s1] =	stream.indirect_vreg.scatter [tilespmem:s13], [sflag:$0xB], $0x80, v57, vm0, $0xb8;
	[tilespmem:$0x1C400] =	vst v63  }
0x252: {  	s14 =	simm.s32 $0x11400;
	vm1 =	vgt.s32 v53, v11;
	v55 =	vadd.s32 v44, v59  }
0x253: {  	v60 =	vsel vm1, v41, v40;
	vm1 =	vle.s32 v52, v11;
	[hbm4b:s24+s1] =	stream.indirect_vreg.scatter [tilespmem:s14], [sflag:$0xB], $0x80, v57, vm0, $0xb8;
	[tilespmem:$0x1C400] =	vst v63  }
0x254: {  	s15 =	simm.s32 $0x11C00;
	v61 =	vsel vm1, $0x1, v42;
	vm1 =	vle.s32 v51, v11;
	v56 =	vadd.s32 v10, v60  }
0x255: {  	v62 =	vsel vm1, $0x1, v42;
	vm1 =	vle.s32 v50, v11;
	v56 =	vadd.s32 v61, v56;
	[hbm4b:s25+s1] =	stream.indirect_vreg.scatter [tilespmem:s15], [sflag:$0xB], $0x80, v57, vm0, $0xb8;
	[tilespmem:$0x1C400] =	vst v63  }
0x256: {  	s18 =	simm.s32 $0x12400;
	v63 =	vsel vm1, $0x1, v42;
	vm1 =	vle.s32 v49, v11;
	v56 =	vadd.s32 v62, v56  }
0x257: {  	v60 =	vsel vm1, $0x1, v42;
	vm1 =	vle.s32 v48, v11;
	v56 =	vadd.s32 v63, v56;
	[hbm4b:s19+s1] =	stream.indirect_vreg.scatter [tilespmem:s18], [sflag:$0xB], $0x80, v55, vm0, $0xb8;
	[tilespmem:$0x1C400] =	vst v63  }
0x258: {  	v61 =	vsel vm1, $0x1, v42;
	vm1 =	vle.s32 v47, v11;
	s8 =	simm.s32 $0x12C00;
	v56 =	vadd.s32 v60, v56  }
0x259: {  	v62 =	vsel vm1, $0x1, v42;
	vm1 =	vle.s32 v46, v11;
	v56 =	vadd.s32 v61, v56;
	[hbm4b:s23+s1] =	stream.indirect_vreg.scatter [tilespmem:s8], [sflag:$0xB], $0x80, v55, vm0, $0xb8;
	[tilespmem:$0x1C400] =	vst v63  }
0x25a: {  	s9 =	simm.s32 $0x13400;
	v63 =	vsel vm1, $0x1, v42;
	v56 =	vadd.s32 v62, v56  }
0x25b: {  	v56 =	vadd.s32 v63, v56;
	[hbm4b:s24+s1] =	stream.indirect_vreg.scatter [tilespmem:s9], [sflag:$0xB], $0x80, v55, vm0, $0xb8;
	[tilespmem:$0x1C400] =	vst v63  }
0x25c: {  	s11 =	simm.s32 $0x13C00;
	s13 =	simm.s32 $0x8;
	v57 =	vshll.u32 v56, $0x3  }
0x25d: {  	v60 =	vand.u32 $0x7, v56;
	v57 =	vand.u32 $0xFFFFFFC0, v57;
	[hbm4b:s25+s1] =	stream.indirect_vreg.scatter [tilespmem:s11], [sflag:$0xB], $0x80, v55, vm0, $0xb8;
	[tilespmem:$0x1C400] =	vst v63  }
0x25e: {  	v55 =	vor.u32 v60, v57;
	_ =	swait.ge [sflag:s13], $0x4000  }
0x25f: {  	v57 =	vperm.xlane v55, v43;
	[sflag:s13] =	ssyncset.done $0x0  }
0x260: {  	s14 =	rddreg [dreg:$0xc];
	[sflag:s13] =	ssyncadd.s32 $0xFFFFC000  }
0x261: {  	v57 =	vadd.s32 v44, v57;
	[tilespmem:s4], [sflag:$0x2] =	stream.linear.gather [hbm4b:s14+s1], $0x4000, $0x38;
	[tilespmem:$0x1C400] =	vst v63  }
0x262: {  	s15 =	simm.s32 $0x6;
	[tilespmem:$0x380] =	vst v56  }
0x263: {  	_ =	swait.ge [sflag:s15], $0x4000  }
0x264: {  	[sflag:s15] =	ssyncset.done $0x0  }
0x265: {  	[sflag:s15] =	ssyncadd.s32 $0xFFFFC000  }
0x266: {  	[hbm4b:s19+s1] =	stream.indirect_vreg.scatter [tilespmem:s26], [sflag:$0xC], $0x80, v57, vm0, $0xb8;
	[tilespmem:$0x1C400] =	vst v63  }
0x267: {  	s18 =	simm.s32 $0x14C00;
	v55 =	vperm.xlane v55, v45  }
0x268: {  	[hbm4b:s23+s1] =	stream.indirect_vreg.scatter [tilespmem:s18], [sflag:$0xC], $0x80, v57, vm0, $0xb8;
	[tilespmem:$0x1C400] =	vst v63  }
0x269: {  	vm1 =	vgt.s32 v53, v13;
	v55 =	vadd.s32 v44, v55;
	s26 =	simm.s32 $0x15400  }
0x26a: {  	v61 =	vsel vm1, v41, v40;
	vm1 =	vle.s32 v52, v13;
	[hbm4b:s24+s1] =	stream.indirect_vreg.scatter [tilespmem:s26], [sflag:$0xC], $0x80, v57, vm0, $0xb8;
	[tilespmem:$0x1C400] =	vst v63  }
0x26b: {  	v62 =	vsel vm1, $0x1, v42;
	vm1 =	vle.s32 v51, v13;
	s8 =	simm.s32 $0x15C00;
	v56 =	vadd.s32 v12, v61  }
0x26c: {  	v63 =	vsel vm1, $0x1, v42;
	vm1 =	vle.s32 v50, v13;
	v56 =	vadd.s32 v62, v56;
	[hbm4b:s25+s1] =	stream.indirect_vreg.scatter [tilespmem:s8], [sflag:$0xC], $0x80, v57, vm0, $0xb8;
	[tilespmem:$0x1C400] =	vst v63  }
0x26d: {  	s9 =	simm.s32 $0x16400;
	v60 =	vsel vm1, $0x1, v42;
	vm1 =	vle.s32 v49, v13;
	v56 =	vadd.s32 v63, v56  }
0x26e: {  	v61 =	vsel vm1, $0x1, v42;
	vm1 =	vle.s32 v48, v13;
	v56 =	vadd.s32 v60, v56;
	[hbm4b:s19+s1] =	stream.indirect_vreg.scatter [tilespmem:s9], [sflag:$0xC], $0x80, v55, vm0, $0xb8;
	[tilespmem:$0x1C400] =	vst v63  }
0x26f: {  	s11 =	simm.s32 $0x16C00;
	v62 =	vsel vm1, $0x1, v42;
	vm1 =	vle.s32 v47, v13;
	v56 =	vadd.s32 v61, v56  }
0x270: {  	v63 =	vsel vm1, $0x1, v42;
	vm1 =	vle.s32 v46, v13;
	v56 =	vadd.s32 v62, v56;
	[hbm4b:s23+s1] =	stream.indirect_vreg.scatter [tilespmem:s11], [sflag:$0xC], $0x80, v55, vm0, $0xb8;
	[tilespmem:$0x1C400] =	vst v63  }
0x271: {  	s13 =	simm.s32 $0x17400;
	v60 =	vsel vm1, $0x1, v42;
	v56 =	vadd.s32 v63, v56  }
0x272: {  	v56 =	vadd.s32 v60, v56;
	[hbm4b:s24+s1] =	stream.indirect_vreg.scatter [tilespmem:s13], [sflag:$0xC], $0x80, v55, vm0, $0xb8;
	[tilespmem:$0x1C400] =	vst v63  }
0x273: {  	s14 =	simm.s32 $0x17C00;
	s15 =	simm.s32 $0x9;
	v57 =	vshll.u32 v56, $0x3  }
0x274: {  	v61 =	vand.u32 $0x7, v56;
	v57 =	vand.u32 $0xFFFFFFC0, v57;
	[hbm4b:s25+s1] =	stream.indirect_vreg.scatter [tilespmem:s14], [sflag:$0xC], $0x80, v55, vm0, $0xb8;
	[tilespmem:$0x1C400] =	vst v63  }
0x275: {  	v55 =	vor.u32 v61, v57;
	_ =	swait.ge [sflag:s15], $0x4000  }
0x276: {  	v57 =	vperm.xlane v55, v43;
	[sflag:s15] =	ssyncset.done $0x0  }
0x277: {  	s18 =	rddreg [dreg:$0xd];
	[sflag:s15] =	ssyncadd.s32 $0xFFFFC000  }
0x278: {  	v57 =	vadd.s32 v44, v57;
	[tilespmem:s5], [sflag:$0x3] =	stream.linear.gather [hbm4b:s18+s1], $0x4000, $0x38;
	[tilespmem:$0x1C400] =	vst v63  }
0x279: {  	[tilespmem:$0x100] =	vst v56  }
0x27a: {  	_ =	swait.ge [sflag:s20], $0x4000  }
0x27b: {  	[sflag:s20] =	ssyncset.done $0x0  }
0x27c: {  	[sflag:s20] =	ssyncadd.s32 $0xFFFFC000  }
0x27d: {  	[hbm4b:s19+s1] =	stream.indirect_vreg.scatter [tilespmem:s3], [sflag:$0x7], $0x80, v57, vm0, $0xb8;
	[tilespmem:$0x1C400] =	vst v63  }
0x27e: {  	s26 =	simm.s32 $0xC00;
	v55 =	vperm.xlane v55, v45  }
0x27f: {  	[hbm4b:s23+s1] =	stream.indirect_vreg.scatter [tilespmem:s26], [sflag:$0x7], $0x80, v57, vm0, $0xb8;
	[tilespmem:$0x1C400] =	vst v63  }
0x280: {  	vm1 =	vgt.s32 v53, v15;
	v55 =	vadd.s32 v44, v55;
	s3 =	simm.s32 $0x1400  }
0x281: {  	v62 =	vsel vm1, v41, v40;
	vm1 =	vle.s32 v52, v15;
	[hbm4b:s24+s1] =	stream.indirect_vreg.scatter [tilespmem:s3], [sflag:$0x7], $0x80, v57, vm0, $0xb8;
	[tilespmem:$0x1C400] =	vst v63  }
0x282: {  	v63 =	vsel vm1, $0x1, v42;
	vm1 =	vle.s32 v51, v15;
	s8 =	simm.s32 $0x1C00;
	v56 =	vadd.s32 v14, v62  }
0x283: {  	v60 =	vsel vm1, $0x1, v42;
	vm1 =	vle.s32 v50, v15;
	v56 =	vadd.s32 v63, v56;
	[hbm4b:s25+s1] =	stream.indirect_vreg.scatter [tilespmem:s8], [sflag:$0x7], $0x80, v57, vm0, $0xb8;
	[tilespmem:$0x1C400] =	vst v63  }
0x284: {  	s9 =	simm.s32 $0x2400;
	v61 =	vsel vm1, $0x1, v42;
	vm1 =	vle.s32 v49, v15;
	v56 =	vadd.s32 v60, v56  }
0x285: {  	v62 =	vsel vm1, $0x1, v42;
	vm1 =	vle.s32 v48, v15;
	v56 =	vadd.s32 v61, v56;
	[hbm4b:s19+s1] =	stream.indirect_vreg.scatter [tilespmem:s9], [sflag:$0x7], $0x80, v55, vm0, $0xb8;
	[tilespmem:$0x1C400] =	vst v63  }
0x286: {  	s11 =	simm.s32 $0x2C00;
	v63 =	vsel vm1, $0x1, v42;
	vm1 =	vle.s32 v47, v15;
	v56 =	vadd.s32 v62, v56  }
0x287: {  	v60 =	vsel vm1, $0x1, v42;
	vm1 =	vle.s32 v46, v15;
	v56 =	vadd.s32 v63, v56;
	[hbm4b:s23+s1] =	stream.indirect_vreg.scatter [tilespmem:s11], [sflag:$0x7], $0x80, v55, vm0, $0xb8;
	[tilespmem:$0x1C400] =	vst v63  }
0x288: {  	s13 =	simm.s32 $0x3400;
	v61 =	vsel vm1, $0x1, v42;
	v56 =	vadd.s32 v60, v56  }
0x289: {  	v56 =	vadd.s32 v61, v56;
	[hbm4b:s24+s1] =	stream.indirect_vreg.scatter [tilespmem:s13], [sflag:$0x7], $0x80, v55, vm0, $0xb8;
	[tilespmem:$0x1C400] =	vst v63  }
0x28a: {  	s18 =	simm.s32 $0x3C00;
	s20 =	simm.s32 $0xA;
	v57 =	vshll.u32 v56, $0x3  }
0x28b: {  	v62 =	vand.u32 $0x7, v56;
	v57 =	vand.u32 $0xFFFFFFC0, v57;
	[hbm4b:s25+s1] =	stream.indirect_vreg.scatter [tilespmem:s18], [sflag:$0x7], $0x80, v55, vm0, $0xb8;
	[tilespmem:$0x1C400] =	vst v63  }
0x28c: {  	v55 =	vor.u32 v62, v57;
	_ =	swait.ge [sflag:s20], $0x4000  }
0x28d: {  	v57 =	vperm.xlane v55, v43;
	[sflag:s20] =	ssyncset.done $0x0  }
0x28e: {  	s26 =	rddreg [dreg:$0xe];
	[sflag:s20] =	ssyncadd.s32 $0xFFFFC000  }
0x28f: {  	v57 =	vadd.s32 v44, v57;
	[tilespmem:s21], [sflag:$0x4] =	stream.linear.gather [hbm4b:s26+s1], $0x4000, $0x38;
	[tilespmem:$0x1C400] =	vst v63  }
0x290: {  	[tilespmem:$0x180] =	vst v56  }
0x291: {  	_ =	swait.ge [sflag:s10], $0x4000  }
0x292: {  	[sflag:s10] =	ssyncset.done $0x0  }
0x293: {  	[sflag:s10] =	ssyncadd.s32 $0xFFFFC000  }
0x294: {  	[hbm4b:s19+s1] =	stream.indirect_vreg.scatter [tilespmem:s4], [sflag:$0x8], $0x80, v57, vm0, $0xb8;
	[tilespmem:$0x1C400] =	vst v63  }
0x295: {  	s3 =	simm.s32 $0x4C00;
	v55 =	vperm.xlane v55, v45  }
0x296: {  	[hbm4b:s23+s1] =	stream.indirect_vreg.scatter [tilespmem:s3], [sflag:$0x8], $0x80, v57, vm0, $0xb8;
	[tilespmem:$0x1C400] =	vst v63  }
0x297: {  	vm1 =	vgt.s32 v53, v17;
	v55 =	vadd.s32 v44, v55;
	s4 =	simm.s32 $0x5400  }
0x298: {  	v63 =	vsel vm1, v41, v40;
	vm1 =	vle.s32 v52, v17;
	[hbm4b:s24+s1] =	stream.indirect_vreg.scatter [tilespmem:s4], [sflag:$0x8], $0x80, v57, vm0, $0xb8;
	[tilespmem:$0x1C400] =	vst v63  }
0x299: {  	v60 =	vsel vm1, $0x1, v42;
	vm1 =	vle.s32 v51, v17;
	s8 =	simm.s32 $0x5C00;
	v56 =	vadd.s32 v16, v63  }
0x29a: {  	v61 =	vsel vm1, $0x1, v42;
	vm1 =	vle.s32 v50, v17;
	v56 =	vadd.s32 v60, v56;
	[hbm4b:s25+s1] =	stream.indirect_vreg.scatter [tilespmem:s8], [sflag:$0x8], $0x80, v57, vm0, $0xb8;
	[tilespmem:$0x1C400] =	vst v63  }
0x29b: {  	s9 =	simm.s32 $0x6400;
	v62 =	vsel vm1, $0x1, v42;
	vm1 =	vle.s32 v49, v17;
	v56 =	vadd.s32 v61, v56  }
0x29c: {  	v63 =	vsel vm1, $0x1, v42;
	vm1 =	vle.s32 v48, v17;
	v56 =	vadd.s32 v62, v56;
	[hbm4b:s19+s1] =	stream.indirect_vreg.scatter [tilespmem:s9], [sflag:$0x8], $0x80, v55, vm0, $0xb8;
	[tilespmem:$0x1C400] =	vst v63  }
0x29d: {  	v60 =	vsel vm1, $0x1, v42;
	vm1 =	vle.s32 v47, v17;
	s10 =	simm.s32 $0x6C00;
	v56 =	vadd.s32 v63, v56  }
0x29e: {  	v61 =	vsel vm1, $0x1, v42;
	vm1 =	vle.s32 v46, v17;
	v56 =	vadd.s32 v60, v56;
	[hbm4b:s23+s1] =	stream.indirect_vreg.scatter [tilespmem:s10], [sflag:$0x8], $0x80, v55, vm0, $0xb8;
	[tilespmem:$0x1C400] =	vst v63  }
0x29f: {  	s11 =	simm.s32 $0x7400;
	v62 =	vsel vm1, $0x1, v42;
	v56 =	vadd.s32 v61, v56  }
0x2a0: {  	v56 =	vadd.s32 v62, v56;
	[hbm4b:s24+s1] =	stream.indirect_vreg.scatter [tilespmem:s11], [sflag:$0x8], $0x80, v55, vm0, $0xb8;
	[tilespmem:$0x1C400] =	vst v63  }
0x2a1: {  	s13 =	simm.s32 $0x7C00;
	s18 =	simm.s32 $0xB;
	v57 =	vshll.u32 v56, $0x3  }
0x2a2: {  	v63 =	vand.u32 $0x7, v56;
	v57 =	vand.u32 $0xFFFFFFC0, v57;
	[hbm4b:s25+s1] =	stream.indirect_vreg.scatter [tilespmem:s13], [sflag:$0x8], $0x80, v55, vm0, $0xb8;
	[tilespmem:$0x1C400] =	vst v63  }
0x2a3: {  	v55 =	vor.u32 v63, v57;
	_ =	swait.ge [sflag:s18], $0x4000  }
0x2a4: {  	v57 =	vperm.xlane v55, v43;
	[sflag:s18] =	ssyncset.done $0x0  }
0x2a5: {  	s20 =	rddreg [dreg:$0xf];
	[sflag:s18] =	ssyncadd.s32 $0xFFFFC000  }
0x2a6: {  	v57 =	vadd.s32 v44, v57;
	[tilespmem:s12], [sflag:$0x5] =	stream.linear.gather [hbm4b:s20+s1], $0x4000, $0x38;
	[tilespmem:$0x1C400] =	vst v63  }
0x2a7: {  	[tilespmem:$0x200] =	vst v56  }
0x2a8: {  	_ =	swait.ge [sflag:s22], $0x4000  }
0x2a9: {  	[sflag:s22] =	ssyncset.done $0x0  }
0x2aa: {  	[sflag:s22] =	ssyncadd.s32 $0xFFFFC000  }
0x2ab: {  	[hbm4b:s19+s1] =	stream.indirect_vreg.scatter [tilespmem:s5], [sflag:$0x9], $0x80, v57, vm0, $0xb8;
	[tilespmem:$0x1C400] =	vst v63  }
0x2ac: {  	v55 =	vperm.xlane v55, v45  }
0x2ad: {  	[hbm4b:s23+s1] =	stream.indirect_vreg.scatter [tilespmem:s28], [sflag:$0x9], $0x80, v57, vm0, $0xb8;
	[tilespmem:$0x1C400] =	vst v63  }
0x2ae: {  	s21 =	simm.s32 $0x9400;
	v55 =	vadd.s32 v44, v55  }
0x2af: {  	[hbm4b:s24+s1] =	stream.indirect_vreg.scatter [tilespmem:s21], [sflag:$0x9], $0x80, v57, vm0, $0xb8;
	[tilespmem:$0x1C400] =	vst v63  }
0x2b0: {  	s22 =	simm.s32 $0x9C00  }
0x2b1: {  	[hbm4b:s25+s1] =	stream.indirect_vreg.scatter [tilespmem:s22], [sflag:$0x9], $0x80, v57, vm0, $0xb8;
	[tilespmem:$0x1C400] =	vst v63  }
0x2b2: {  	s26 =	simm.s32 $0xA400  }
0x2b3: {  	[hbm4b:s19+s1] =	stream.indirect_vreg.scatter [tilespmem:s26], [sflag:$0x9], $0x80, v55, vm0, $0xb8;
	[tilespmem:$0x1C400] =	vst v63  }
0x2b4: {  	s28 =	simm.s32 $0xAC00  }
0x2b5: {  	[hbm4b:s23+s1] =	stream.indirect_vreg.scatter [tilespmem:s28], [sflag:$0x9], $0x80, v55, vm0, $0xb8;
	[tilespmem:$0x1C400] =	vst v63  }
.Ltmp3:
0x2b6: {  	_ = 	snop;
	(pc) =	sbr.rel @p0 .LBB2_5-.Ltmp3, $4  }
0x2b7: {  	s16 =	simm.s32 $0xB400;
	s14 =	simm.s32 $0x2C00  }
0x2b8: {  	[hbm4b:s24+s1] =	stream.indirect_vreg.scatter [tilespmem:s16], [sflag:$0x9], $0x80, v55, vm0, $0xb8;
	[tilespmem:$0x1C400] =	vst v63  }
0x2b9: {  	s15 =	simm.s32 $0xC00;
	s4 =	simm.s32 $0x10400;
	s10 =	rddreg [dreg:$0x17]  }
0x2ba: {  	[hbm4b:s25+s1] =	stream.indirect_vreg.scatter [tilespmem:s7], [sflag:$0x9], $0x80, v55, vm0, $0xb8;
	[tilespmem:$0x1C400] =	vst v63  }
0x2bb: {  	v54 =	vperm.xlane v54, v43;
	_ =	sdelay $0x1  }
0x2bc: {  	v54 =	vadd.s32 v43, v54  }
0x2bd: {  	[tilespmem:$0x80] =	vst v54  }
0x2be: {  	_ =	swait.ge [sflag:s6], $0x400  }
0x2bf: {  	[sflag:s6] =	ssyncset.done $0x0  }
0x2c0: {  	[sflag:s6] =	ssyncadd.s32 $0xFFFFFC00  }
0x2c1: {  	_ =	swait.ge [sflag:s6], $0x400  }
0x2c2: {  	[sflag:s6] =	ssyncset.done $0x0  }
0x2c3: {  	[sflag:s6] =	ssyncadd.s32 $0xFFFFFC00  }
0x2c4: {  	_ =	swait.ge [sflag:s6], $0x400  }
0x2c5: {  	[sflag:s6] =	ssyncset.done $0x0  }
0x2c6: {  	[sflag:s6] =	ssyncadd.s32 $0xFFFFFC00  }
0x2c7: {  	_ =	swait.ge [sflag:s6], $0x400  }
0x2c8: {  	[sflag:s6] =	ssyncset.done $0x0  }
0x2c9: {  	[sflag:s6] =	ssyncadd.s32 $0xFFFFFC00  }
0x2ca: {  	_ =	swait.ge [sflag:s6], $0x400  }
0x2cb: {  	[sflag:s6] =	ssyncset.done $0x0  }
0x2cc: {  	[sflag:s6] =	ssyncadd.s32 $0xFFFFFC00  }
0x2cd: {  	_ =	swait.ge [sflag:s6], $0x400  }
0x2ce: {  	[sflag:s6] =	ssyncset.done $0x0  }
0x2cf: {  	[sflag:s6] =	ssyncadd.s32 $0xFFFFFC00  }
0x2d0: {  	_ =	swait.ge [sflag:s6], $0x400  }
0x2d1: {  	[sflag:s6] =	ssyncset.done $0x0  }
0x2d2: {  	[sflag:s6] =	ssyncadd.s32 $0xFFFFFC00  }
0x2d3: {  	_ =	swait.ge [sflag:s6], $0x400  }
0x2d4: {  	[sflag:s6] =	ssyncset.done $0x0  }
0x2d5: {  	[sflag:s6] =	ssyncadd.s32 $0xFFFFFC00  }
0x2d6: {  	_ =	swait.ge [sflag:s6], $0x400  }
0x2d7: {  	[sflag:s6] =	ssyncset.done $0x0  }
0x2d8: {  	[sflag:s6] =	ssyncadd.s32 $0xFFFFFC00  }
0x2d9: {  	_ =	swait.ge [sflag:s6], $0x400  }
0x2da: {  	[sflag:s6] =	ssyncset.done $0x0  }
0x2db: {  	[sflag:s6] =	ssyncadd.s32 $0xFFFFFC00  }
0x2dc: {  	_ =	swait.ge [sflag:s6], $0x400  }
0x2dd: {  	[sflag:s6] =	ssyncset.done $0x0  }
0x2de: {  	[sflag:s6] =	ssyncadd.s32 $0xFFFFFC00  }
0x2df: {  	_ =	swait.ge [sflag:s6], $0x400  }
0x2e0: {  	[sflag:s6] =	ssyncset.done $0x0  }
0x2e1: {  	[sflag:s6] =	ssyncadd.s32 $0xFFFFFC00  }
0x2e2: {  	_ =	swait.ge [sflag:s6], $0x400  }
0x2e3: {  	[sflag:s6] =	ssyncset.done $0x0  }
0x2e4: {  	v55 =	vshll.u32 v54, $0x3;
	[sflag:s6] =	ssyncadd.s32 $0xFFFFFC00  }
0x2e5: {  	v54 =	vand.u32 $0x7, v54;
	v55 =	vand.u32 $0xFFFFFFC0, v55;
	_ =	swait.ge [sflag:s6], $0x400  }
0x2e6: {  	v54 =	vor.u32 v54, v55;
	[sflag:s6] =	ssyncset.done $0x0  }
0x2e7: {  	v55 =	vperm.xlane v54, v43;
	[sflag:s6] =	ssyncadd.s32 $0xFFFFFC00  }
0x2e8: {  	_ =	swait.ge [sflag:s6], $0x400  }
0x2e9: {  	v55 =	vadd.s32 v44, v55;
	[sflag:s6] =	ssyncset.done $0x0  }
0x2ea: {  	[sflag:s6] =	ssyncadd.s32 $0xFFFFFC00  }
0x2eb: {  	_ =	swait.ge [sflag:s6], $0x400  }
0x2ec: {  	[sflag:s6] =	ssyncset.done $0x0  }
0x2ed: {  	s2 =	simm.s32 $0x18400;
	[sflag:s6] =	ssyncadd.s32 $0xFFFFFC00  }
0x2ee: {  	[hbm4b:s19+s1] =	stream.indirect_vreg.scatter [tilespmem:s2], [sflag:$0xD], $0x80, v55, vm0, $0xb8;
	[tilespmem:$0x1C400] =	vst v63  }
0x2ef: {  	s16 =	simm.s32 $0x18C00;
	v54 =	vperm.xlane v54, v45  }
0x2f0: {  	[hbm4b:s23+s1] =	stream.indirect_vreg.scatter [tilespmem:s16], [sflag:$0xD], $0x80, v55, vm0, $0xb8;
	[tilespmem:$0x1C400] =	vst v63  }
0x2f1: {  	s18 =	simm.s32 $0x19400;
	v54 =	vadd.s32 v44, v54  }
0x2f2: {  	[hbm4b:s24+s1] =	stream.indirect_vreg.scatter [tilespmem:s18], [sflag:$0xD], $0x80, v55, vm0, $0xb8;
	[tilespmem:$0x1C400] =	vst v63  }
0x2f3: {  	s20 =	simm.s32 $0x19C00  }
0x2f4: {  	[hbm4b:s25+s1] =	stream.indirect_vreg.scatter [tilespmem:s20], [sflag:$0xD], $0x80, v55, vm0, $0xb8;
	[tilespmem:$0x1C400] =	vst v63  }
0x2f5: {  	s21 =	simm.s32 $0x1A400  }
0x2f6: {  	[hbm4b:s19+s1] =	stream.indirect_vreg.scatter [tilespmem:s21], [sflag:$0xD], $0x80, v54, vm0, $0xb8;
	[tilespmem:$0x1C400] =	vst v63  }
0x2f7: {  	s22 =	simm.s32 $0x1AC00  }
0x2f8: {  	[hbm4b:s23+s1] =	stream.indirect_vreg.scatter [tilespmem:s22], [sflag:$0xD], $0x80, v54, vm0, $0xb8;
	[tilespmem:$0x1C400] =	vst v63  }
.Ltmp4:
0x2f9: {  	_ = 	snop;
	(pc) =	sbr.rel .LBB2_5-.Ltmp4, $4  }
0x2fa: {  	s26 =	simm.s32 $0x1B400  }
0x2fb: {  	[hbm4b:s24+s1] =	stream.indirect_vreg.scatter [tilespmem:s26], [sflag:$0xD], $0x80, v54, vm0, $0xb8;
	[tilespmem:$0x1C400] =	vst v63  }
0x2fc: {  	s28 =	simm.s32 $0x1BC00  }
0x2fd: {  	[hbm4b:s25+s1] =	stream.indirect_vreg.scatter [tilespmem:s28], [sflag:$0xD], $0x80, v54, vm0, $0xb8;
	[tilespmem:$0x1C400] =	vst v63  }
.LBB2_6:
0x2fe: {  	_ =	sfence.sel $0x180000  }
0x2ff: {  	[bflag:$0x0] =	sbarrier.arrive $0xFFFF  }
0x300: {  	_ =	strace $0x90000047  }
0x301: {  	s0 =	stileid.u32;
	[bflag:$0x2] =	sbarrier.arrive $0xFFFF  }
0x302: {  	p0 =	sne.s32 s0, $0x0;
	s0 =	rddreg [dreg:$0x4]  }
0x303: {  	s0 =	sadd.s32 @!p0 $0x100000, s0  }
0x304: {  	[sflag:s0] =	ssyncadd.tile.s32 @!p0 $0x1;
	_ =	shalt  }
.Lfunc_end2:
_tile_overlayer_lowered:
.L_overlay_start_2:
0x305: {  	(tag) =	ssettag $0x2  }
0x306: {  	s0 =	rddreg [dreg:$0x0];
	s2 =	stileid.u32  }
0x307: {  	s1 =	rddreg [dreg:$0x1];
	p0 =	sne.s32 s2, $0x0  }
0x308: {  	s3 =	rddreg [dreg:$0x2];
	[bflag:$0x3] =	sbarrier.arrive $0xFFFF;
	s2 =	simm.s32 @!p0 $0x1C0E  }
0x309: {  	[timem:s3], [sflag:s2] =	dma.local @!p0 [hbm:s0], s1  }
0x30a: {  	s0 =	simm.s32 @!p0 $0xE  }
0x30b: {  	_ =	swait.ge @!p0 [sflag:s0], s1  }
0x30c: {  	s1 =	ssub.s32 @!p0 $0x0, s1;
	[sflag:s0] =	ssyncset.done @!p0 $0x0  }
0x30d: {  	[sflag:s0] =	ssyncadd.s32 @!p0 s1  }
0x30e: {  	[bflag:$0x3] =	sbarrier.arrive $0xFFFF  }
0x30f: {  	_ =	shalt  }

</sc_bundles>
